<compile_context>
chip_gen: v7x
topology: tpu7x:2x2x1
jax: 0.10.2.dev20260603
libtpu: 0.0.44.dev20260713+nightly
codegen_flags: <defaults>
</compile_context>

<pallas_src>
import functools

import jax
import jax.numpy as jnp
from jax import lax
from jax.experimental import pallas as pl
from jax.experimental.pallas import tpu as pltpu
from jax.experimental.pallas import tpu_sc as plsc



def _build_a0(s_all, d_all, np_, chunk, nchunk, rows):
    mesh = plsc.VectorSubcoreMesh(core_axis_name="c", subcore_axis_name="s")
    n_blocks = np_ // rows
    passes = n_blocks // 32

    def body(s_hbm, d_hbm, z_hbm, a0_hbm, block_v, s_v, d_v):
        cid = lax.axis_index("c")
        sid = lax.axis_index("s")
        wid = sid * 2 + cid
        ones = jnp.full((16,), 1.0, jnp.float32)
        for p in range(passes):
            lo = (wid + p * 32) * rows
            pltpu.sync_copy(z_hbm, block_v)
            for ci in range(nchunk):
                pltpu.sync_copy(s_hbm.at[pl.ds(ci * chunk, chunk)], s_v)
                pltpu.sync_copy(d_hbm.at[pl.ds(ci * chunk, chunk)], d_v)

                def step(j, carry):
                    sv = s_v[pl.ds(j * 16, 16)]
                    dv = d_v[pl.ds(j * 16, 16)]
                    rel = dv - lo
                    msk = (rel >= 0) & (rel < rows)
                    idx = jnp.where(msk, rel * np_ + sv, 0)
                    plsc.addupdate_scatter(block_v, [idx], ones, mask=msk)
                    return carry

                lax.fori_loop(0, chunk // 16, step, 0)
            pltpu.sync_copy(block_v, a0_hbm.at[pl.ds(lo * np_, rows * np_)])

    zeros = jnp.zeros((rows * np_,), jnp.float32)
    call = functools.partial(
        pl.kernel,
        out_type=jax.ShapeDtypeStruct((np_ * np_,), jnp.float32),
        mesh=mesh,
        compiler_params=pltpu.CompilerParams(needs_layout_passes=False),
        scratch_types=[
            pltpu.VMEM((rows * np_,), jnp.float32),
            pltpu.VMEM((chunk,), jnp.int32),
            pltpu.VMEM((chunk,), jnp.int32),
        ],
    )(body)
    return call(s_all, d_all, zeros).reshape(np_, np_)



def _dinv_kernel(a0_ref, dinv_ref):
    deg = jnp.sum(a0_ref[...], axis=1, keepdims=True)
    dinv_ref[...] = lax.rsqrt(deg)


def _layer1_kernel(a0_ref, xs_ref, dinv_f_ref, dinv_t_ref, w1_ref, b1_ref,
                   g1_ref):
    xs = xs_ref[...] * dinv_f_ref[...]
    u = jnp.dot(a0_ref[...], xs, preferred_element_type=jnp.float32)
    v = jnp.dot(u * dinv_t_ref[...], w1_ref[...],
                preferred_element_type=jnp.float32) + b1_ref[...]
    g1_ref[...] = jnp.maximum(v, 0.0) * dinv_t_ref[...]


def _layer2_kernel(nz, tm, g_count, dd, a0_ref, g1_ref, dinv_t_ref, w2t_ref,
                   b2_ref, out_ref):
    i = pl.program_id(0)
    y = jnp.dot(a0_ref[...], g1_ref[...], preferred_element_type=jnp.float32)
    z = y * dinv_t_ref[...]
    rows = lax.broadcasted_iota(jnp.int32, (tm, 1), 0) + i * tm
    valid = rows < nz
    parts = []
    for g in range(g_count):
        h2g = jnp.dot(z[:, g * dd:(g + 1) * dd], w2t_ref[...],
                      preferred_element_type=jnp.float32) + b2_ref[...]
        h2g = jnp.maximum(h2g, 0.0)
        parts.append(jnp.sum(jnp.where(valid, h2g, 0.0), axis=0,
                             keepdims=True))
    out_ref[...] = jnp.concatenate(parts, axis=0)[None]


def _lstm_kernel(nz, sz, bz, p_ref, wih0_ref, whh0_ref, bi0_ref, bh0_ref,
                 wih1_ref, whh1_ref, bi1_ref, bh1_ref, wo_ref, bo_ref,
                 out_ref):
    seq = jnp.sum(p_ref[...], axis=0) * (1.0 / nz)
    dd = seq.shape[1]

    def run_layer(get_x, wih, whh, bias):
        h = jnp.zeros((bz, dd), jnp.float32)
        c = jnp.zeros((bz, dd), jnp.float32)
        hs = []
        for t in range(sz):
            xt = get_x(t)
            g = (jnp.dot(xt, wih, preferred_element_type=jnp.float32)
                 + jnp.dot(h, whh, preferred_element_type=jnp.float32)
                 + bias)
            ig = jax.nn.sigmoid(g[:, 0:dd])
            fg = jax.nn.sigmoid(g[:, dd:2 * dd])
            gg = jnp.tanh(g[:, 2 * dd:3 * dd])
            og = jax.nn.sigmoid(g[:, 3 * dd:4 * dd])
            c = fg * c + ig * gg
            h = og * jnp.tanh(c)
            hs.append(h)
        return hs

    def x0(t):
        return jnp.concatenate([seq[b * sz + t:b * sz + t + 1]
                                for b in range(bz)], axis=0)

    hs0 = run_layer(x0, wih0_ref[...], whh0_ref[...],
                    bi0_ref[...] + bh0_ref[...])
    hs1 = run_layer(lambda t: hs0[t], wih1_ref[...], whh1_ref[...],
                    bi1_ref[...] + bh1_ref[...])
    out_ref[...] = jnp.dot(hs1[-1], wo_ref[...],
                           preferred_element_type=jnp.float32) + bo_ref[...]



def kernel(x, edge_index, W1, b1, W2, b2, Wih0, Whh0, bih0, bhh0,
           Wih1, Whh1, bih1, bhh1, Wout, bout):
    bz, sz, nz, fz = x.shape
    g_count = bz * sz
    dd = W1.shape[0]
    np_ = ((nz + 255) // 256) * 256
    tm = 256
    nt = np_ // tm
    e = edge_index.shape[1]

    src = edge_index[0].astype(jnp.int32)
    dst = edge_index[1].astype(jnp.int32)
    loop = jnp.arange(np_, dtype=jnp.int32)
    etot = ((e + np_ + 511) // 512) * 512
    extra = etot - e - np_
    fill = jnp.full((extra,), np_ - 1, jnp.int32)
    s_all = jnp.concatenate([src, loop, fill])
    d_all = jnp.concatenate([dst, loop, fill])

    nchunk = 2
    chunk = etot // nchunk

    a0 = _build_a0(s_all, d_all, np_, chunk, nchunk, rows=32)

    dinv = pl.pallas_call(
        _dinv_kernel,
        grid=(nt,),
        in_specs=[pl.BlockSpec((tm, np_), lambda i: (i, 0))],
        out_specs=pl.BlockSpec((tm, 1), lambda i: (i, 0)),
        out_shape=jax.ShapeDtypeStruct((np_, 1), jnp.float32),
    )(a0)

    xf = x.reshape(g_count, nz, fz)
    xs = jnp.pad(xf.transpose(1, 0, 2).reshape(nz, g_count * fz),
                 ((0, np_ - nz), (0, 0)))
    w1blk = jnp.kron(jnp.eye(g_count, dtype=jnp.float32), W1.T)
    b1blk = jnp.tile(b1, g_count)[None]

    g1 = pl.pallas_call(
        _layer1_kernel,
        grid=(nt,),
        in_specs=[
            pl.BlockSpec((tm, np_), lambda i: (i, 0)),
            pl.BlockSpec((np_, g_count * fz), lambda i: (0, 0)),
            pl.BlockSpec((np_, 1), lambda i: (0, 0)),
            pl.BlockSpec((tm, 1), lambda i: (i, 0)),
            pl.BlockSpec((g_count * fz, np_), lambda i: (0, 0)),
            pl.BlockSpec((1, np_), lambda i: (0, 0)),
        ],
        out_specs=pl.BlockSpec((tm, np_), lambda i: (i, 0)),
        out_shape=jax.ShapeDtypeStruct((np_, np_), jnp.float32),
    )(a0, xs, dinv, dinv, w1blk, b1blk)

    partials = pl.pallas_call(
        functools.partial(_layer2_kernel, nz, tm, g_count, dd),
        grid=(nt,),
        in_specs=[
            pl.BlockSpec((tm, np_), lambda i: (i, 0)),
            pl.BlockSpec((np_, np_), lambda i: (0, 0)),
            pl.BlockSpec((tm, 1), lambda i: (i, 0)),
            pl.BlockSpec((dd, dd), lambda i: (0, 0)),
            pl.BlockSpec((1, dd), lambda i: (0, 0)),
        ],
        out_specs=pl.BlockSpec((1, g_count, dd), lambda i: (i, 0, 0)),
        out_shape=jax.ShapeDtypeStruct((nt, g_count, dd), jnp.float32),
    )(a0, g1, dinv, W2.T, b2[None])

    out = pl.pallas_call(
        functools.partial(_lstm_kernel, nz, sz, bz),
        out_shape=jax.ShapeDtypeStruct((bz, 2), jnp.float32),
    )(partials, Wih0.T, Whh0.T, bih0[None], bhh0[None],
      Wih1.T, Whh1.T, bih1[None], bhh1[None], Wout.T, bout[None])
    return out

# --- scband reference (transcript-rebuilt; emitter-appended) ---
"""Pipeline reference for scband-gnn-lstm-65163243815593 (READ-ONLY COPY).

The authoritative reference and input builder live on the scoring server;
editing this copy changes nothing except your own understanding.
"""

import jax, jax.numpy as jnp
import numpy as np

B, S, N, F = 2, 16, 2000, 3
E = 32000
D = 64


def _gcn(x, src, dst, W, b, n):
    loop = jnp.arange(n)
    s = jnp.concatenate([src, loop])
    d = jnp.concatenate([dst, loop])
    deg = jnp.zeros((n,), x.dtype).at[d].add(1.0)
    dinv = jnp.where(deg > 0, 1.0 / jnp.sqrt(deg), 0.0)
    norm = dinv[s] * dinv[d]
    h = x @ W.T
    out = jnp.zeros((n, W.shape[0]), x.dtype).at[d].add(h[s] * norm[:, None])
    return out + b


def _lstm(xs, Wih, Whh, bih, bhh):
    Bt = xs.shape[0]
    H = Whh.shape[1]
    def step(carry, xt):
        h, c = carry
        g = xt @ Wih.T + bih + h @ Whh.T + bhh
        i, f, gg, o = jnp.split(g, 4, axis=-1)
        i = jax.nn.sigmoid(i)
        f = jax.nn.sigmoid(f)
        gg = jnp.tanh(gg)
        o = jax.nn.sigmoid(o)
        c = f * c + i * gg
        h = o * jnp.tanh(c)
        return (h, c), h
    init = (jnp.zeros((Bt, H), xs.dtype), jnp.zeros((Bt, H), xs.dtype))
    _, hs = jax.lax.scan(step, init, jnp.swapaxes(xs, 0, 1))
    return jnp.swapaxes(hs, 0, 1)


def setup_inputs(seed: int = 0):
    key = jax.random.key(seed)
    ks = jax.random.split(key, 20)
    x = jax.random.normal(ks[0], (B, S, N, F), dtype=jnp.float32)
    edge_index = jax.random.randint(ks[1], (2, E), 0, N)
    W1 = 0.1 * jax.random.normal(ks[2], (D, F), dtype=jnp.float32)
    b1 = 0.1 * jax.random.normal(ks[3], (D,), dtype=jnp.float32)
    W2 = 0.1 * jax.random.normal(ks[4], (D, D), dtype=jnp.float32)
    b2 = 0.1 * jax.random.normal(ks[5], (D,), dtype=jnp.float32)
    Wih0 = 0.1 * jax.random.normal(ks[6], (4 * D, D), dtype=jnp.float32)
    Whh0 = 0.1 * jax.random.normal(ks[7], (4 * D, D), dtype=jnp.float32)
    bih0 = 0.1 * jax.random.normal(ks[8], (4 * D,), dtype=jnp.float32)
    bhh0 = 0.1 * jax.random.normal(ks[9], (4 * D,), dtype=jnp.float32)
    Wih1 = 0.1 * jax.random.normal(ks[10], (4 * D, D), dtype=jnp.float32)
    Whh1 = 0.1 * jax.random.normal(ks[11], (4 * D, D), dtype=jnp.float32)
    bih1 = 0.1 * jax.random.normal(ks[12], (4 * D,), dtype=jnp.float32)
    bhh1 = 0.1 * jax.random.normal(ks[13], (4 * D,), dtype=jnp.float32)
    Wout = 0.1 * jax.random.normal(ks[14], (2, D), dtype=jnp.float32)
    bout = 0.1 * jax.random.normal(ks[15], (2,), dtype=jnp.float32)
    return {"x": x, "edge_index": edge_index, "W1": W1, "b1": b1, "W2": W2, "b2": b2,
            "Wih0": Wih0, "Whh0": Whh0, "bih0": bih0, "bhh0": bhh0,
            "Wih1": Wih1, "Whh1": Whh1, "bih1": bih1, "bhh1": bhh1,
            "Wout": Wout, "bout": bout}


def reference(x, edge_index, W1, b1, W2, b2, Wih0, Whh0, bih0, bhh0, Wih1, Whh1, bih1, bhh1, Wout, bout):
    Bz, Sz, Nz, Fz = x.shape
    xf = x.reshape(Bz * Sz, Nz, Fz)
    src, dst = edge_index[0], edge_index[1]
    # graphs in the batch are disjoint identical copies; vmap over copies is
    # mathematically identical to the torch offset-based edge replication
    h = jax.nn.relu(jax.vmap(lambda xg: _gcn(xg, src, dst, W1, b1, Nz))(xf))
    h = jax.nn.relu(jax.vmap(lambda xg: _gcn(xg, src, dst, W2, b2, Nz))(h))
    seq = h.reshape(Bz, Sz, Nz, -1).mean(axis=2)
    o = _lstm(seq, Wih0, Whh0, bih0, bhh0)
    o = _lstm(o, Wih1, Whh1, bih1, bhh1)
    last = o[:, -1, :]
    return last @ Wout.T + bout

if __name__ == "__main__":
    import jax
    _d = setup_inputs()
    print(jax.jit(kernel)(*tuple(_d.values())))

</pallas_src>

<mosaic_0001>
#map = affine_map<(d0, d1) -> (0)>
module attributes {stable_mosaic.version = 14 : i64} {
  func.func @body(%arg0: i32, %arg1: i32, %arg2: memref<34304xi32, #tpu.memory_space<hbm>>, %arg3: memref<34304xi32, #tpu.memory_space<hbm>>, %arg4: memref<65536xf32, #tpu.memory_space<hbm>>, %arg5: memref<4194304xf32, #tpu.memory_space<hbm>>, %arg6: memref<65536xf32, #tpu.memory_space<vmem>>, %arg7: memref<17152xi32, #tpu.memory_space<vmem>>, %arg8: memref<17152xi32, #tpu.memory_space<vmem>>) attributes {dimension_semantics = [#tpu.dimension_semantics<core_parallel>, #tpu.dimension_semantics<subcore_parallel>], iteration_bounds = array<i64: 2, 16>, scalar_prefetch = 0 : i64, scratch_operands = 3 : i64, tpu.core_type = #tpu.core_type<sc_vector_subcore>, window_params = [{transform_indices = #map}, {transform_indices = #map}, {transform_indices = #map}, {transform_indices = #map}]} {
    %mul3A = arith.constant 2 : i32
    %mul3A_0 = arith.muli %arg1, %mul3A : i32
    %add3A = arith.addi %mul3A_0, %arg0 : i32
    %broadcast_in_dim3A = arith.constant 1.000000e+00 : f32
    %broadcast_in_dim3A_1 = vector.broadcast %broadcast_in_dim3A : f32 to vector<16xf32>
    %add3A_2 = arith.constant 0 : i32
    %add3A_3 = arith.addi %add3A, %add3A_2 : i32
    %mul3A_4 = arith.constant 32 : i32
    %mul3A_5 = arith.muli %add3A_3, %mul3A_4 : i32
    "tpu.region"() ({
      %run_scoped3A = tpu.sem_alloc : memref<!tpu.dma_semaphore, #tpu.memory_space<semaphore_mem>>
      tpu.enqueue_dma source(%arg4 : memref<65536xf32, #tpu.memory_space<hbm>>) target(%arg6 : memref<65536xf32, #tpu.memory_space<vmem>>) target_semaphore(%run_scoped3A : memref<!tpu.dma_semaphore, #tpu.memory_space<semaphore_mem>>)
      tpu.wait_dma2 semaphore(%run_scoped3A : memref<!tpu.dma_semaphore, #tpu.memory_space<semaphore_mem>>) src(%arg4 : memref<65536xf32, #tpu.memory_space<hbm>>) dst(%arg6 : memref<65536xf32, #tpu.memory_space<vmem>>)
      tpu.yield
    }) : () -> ()
    "tpu.region"() ({
      %run_scoped3A = tpu.sem_alloc : memref<!tpu.dma_semaphore, #tpu.memory_space<semaphore_mem>>
      %dma_start3A = arith.constant 0 : i32
      %dma_start3A_37 = tpu.memref_slice %arg2[%dma_start3A] : memref<34304xi32, #tpu.memory_space<hbm>> -> memref<17152xi32, #tpu.memory_space<hbm>>
      %dma_start3A_38 = arith.constant 0 : i32
      %dma_start3A_39 = tpu.memref_slice %arg2[%dma_start3A_38] : memref<34304xi32, #tpu.memory_space<hbm>> -> memref<17152xi32, #tpu.memory_space<hbm>>
      tpu.enqueue_dma source(%dma_start3A_39 : memref<17152xi32, #tpu.memory_space<hbm>>) target(%arg7 : memref<17152xi32, #tpu.memory_space<vmem>>) target_semaphore(%run_scoped3A : memref<!tpu.dma_semaphore, #tpu.memory_space<semaphore_mem>>)
      %dma_wait3A = arith.constant 0 : i32
      %dma_wait3A_40 = tpu.memref_slice %arg2[%dma_wait3A] : memref<34304xi32, #tpu.memory_space<hbm>> -> memref<17152xi32, #tpu.memory_space<hbm>>
      %dma_wait3A_41 = arith.constant 0 : i32
      %dma_wait3A_42 = tpu.memref_slice %arg2[%dma_wait3A_41] : memref<34304xi32, #tpu.memory_space<hbm>> -> memref<17152xi32, #tpu.memory_space<hbm>>
      tpu.wait_dma2 semaphore(%run_scoped3A : memref<!tpu.dma_semaphore, #tpu.memory_space<semaphore_mem>>) src(%dma_wait3A_42 : memref<17152xi32, #tpu.memory_space<hbm>>) dst(%arg7 : memref<17152xi32, #tpu.memory_space<vmem>>)
      tpu.yield
    }) : () -> ()
    "tpu.region"() ({
      %run_scoped3A = tpu.sem_alloc : memref<!tpu.dma_semaphore, #tpu.memory_space<semaphore_mem>>
      %dma_start3A = arith.constant 0 : i32
      %dma_start3A_37 = tpu.memref_slice %arg3[%dma_start3A] : memref<34304xi32, #tpu.memory_space<hbm>> -> memref<17152xi32, #tpu.memory_space<hbm>>
      %dma_start3A_38 = arith.constant 0 : i32
      %dma_start3A_39 = tpu.memref_slice %arg3[%dma_start3A_38] : memref<34304xi32, #tpu.memory_space<hbm>> -> memref<17152xi32, #tpu.memory_space<hbm>>
      tpu.enqueue_dma source(%dma_start3A_39 : memref<17152xi32, #tpu.memory_space<hbm>>) target(%arg8 : memref<17152xi32, #tpu.memory_space<vmem>>) target_semaphore(%run_scoped3A : memref<!tpu.dma_semaphore, #tpu.memory_space<semaphore_mem>>)
      %dma_wait3A = arith.constant 0 : i32
      %dma_wait3A_40 = tpu.memref_slice %arg3[%dma_wait3A] : memref<34304xi32, #tpu.memory_space<hbm>> -> memref<17152xi32, #tpu.memory_space<hbm>>
      %dma_wait3A_41 = arith.constant 0 : i32
      %dma_wait3A_42 = tpu.memref_slice %arg3[%dma_wait3A_41] : memref<34304xi32, #tpu.memory_space<hbm>> -> memref<17152xi32, #tpu.memory_space<hbm>>
      tpu.wait_dma2 semaphore(%run_scoped3A : memref<!tpu.dma_semaphore, #tpu.memory_space<semaphore_mem>>) src(%dma_wait3A_42 : memref<17152xi32, #tpu.memory_space<hbm>>) dst(%arg8 : memref<17152xi32, #tpu.memory_space<vmem>>)
      tpu.yield
    }) : () -> ()
    %scan3A = arith.constant 0 : i32
    %scan3A_6 = arith.constant 0 : i32
    %scan3A_7 = arith.constant 1072 : i32
    %scan3A_8 = arith.addi %scan3A_6, %scan3A_7 : i32
    %scan3A_9 = arith.constant 1 : i32
    scf.for %scan3A_37 = %scan3A_6 to %scan3A_8 step %scan3A_9  : i32 {
      %mul3A_38 = arith.constant 16 : i32
      %mul3A_39 = arith.muli %scan3A_37, %mul3A_38 : i32
      %get3A = arith.index_cast %mul3A_39 : i32 to index
      %get3A_40 = tpu.vector_load %arg7[%get3A] {strides = array<i32>} : memref<17152xi32, #tpu.memory_space<vmem>>, vector<16xi32>,
      %mul3A_41 = arith.constant 16 : i32
      %mul3A_42 = arith.muli %scan3A_37, %mul3A_41 : i32
      %get3A_43 = arith.index_cast %mul3A_42 : i32 to index
      %get3A_44 = tpu.vector_load %arg8[%get3A_43] {strides = array<i32>} : memref<17152xi32, #tpu.memory_space<vmem>>, vector<16xi32>,
      %sub3A = vector.broadcast %mul3A_5 : i32 to vector<16xi32>
      %sub3A_45 = arith.subi %get3A_44, %sub3A : vector<16xi32>
      %ge3A = arith.constant 0 : i32
      %ge3A_46 = vector.broadcast %ge3A : i32 to vector<16xi32>
      %ge3A_47 = arith.cmpi sge, %sub3A_45, %ge3A_46 : vector<16xi32>
      %lt3A = arith.constant 32 : i32
      %lt3A_48 = vector.broadcast %lt3A : i32 to vector<16xi32>
      %lt3A_49 = arith.cmpi slt, %sub3A_45, %lt3A_48 : vector<16xi32>
      %and3A = arith.andi %ge3A_47, %lt3A_49 : vector<16xi1>
      %mul3A_50 = arith.constant 2048 : i32
      %mul3A_51 = vector.broadcast %mul3A_50 : i32 to vector<16xi32>
      %mul3A_52 = arith.muli %sub3A_45, %mul3A_51 : vector<16xi32>
      %add3A_53 = arith.addi %mul3A_52, %get3A_40 : vector<16xi32>
      %jit3A = arith.constant 0 : i32
      %broadcast_in_dim3A_54 = vector.broadcast %jit3A : i32 to vector<16xi32>
      %select_n3A = arith.select %and3A, %add3A_53, %broadcast_in_dim3A_54 : vector<16xi1>, vector<16xi32>
      tpu.vector_store_idx %arg6[%select_n3A], %broadcast_in_dim3A_1 masked %and3A {add = true} : memref<65536xf32, #tpu.memory_space<vmem>>[vector<16xi32>], vector<16xf32>, vector<16xi1>
    }
    %scan3A_10 = arith.constant 1072 : i32
    "tpu.region"() ({
      %run_scoped3A = tpu.sem_alloc : memref<!tpu.dma_semaphore, #tpu.memory_space<semaphore_mem>>
      %dma_start3A = arith.constant 17152 : i32
      %dma_start3A_37 = tpu.memref_slice %arg2[%dma_start3A] : memref<34304xi32, #tpu.memory_space<hbm>> -> memref<17152xi32, #tpu.memory_space<hbm>>
      %dma_start3A_38 = arith.constant 17152 : i32
      %dma_start3A_39 = tpu.memref_slice %arg2[%dma_start3A_38] : memref<34304xi32, #tpu.memory_space<hbm>> -> memref<17152xi32, #tpu.memory_space<hbm>>
      tpu.enqueue_dma source(%dma_start3A_39 : memref<17152xi32, #tpu.memory_space<hbm>>) target(%arg7 : memref<17152xi32, #tpu.memory_space<vmem>>) target_semaphore(%run_scoped3A : memref<!tpu.dma_semaphore, #tpu.memory_space<semaphore_mem>>)
      %dma_wait3A = arith.constant 17152 : i32
      %dma_wait3A_40 = tpu.memref_slice %arg2[%dma_wait3A] : memref<34304xi32, #tpu.memory_space<hbm>> -> memref<17152xi32, #tpu.memory_space<hbm>>
      %dma_wait3A_41 = arith.constant 17152 : i32
      %dma_wait3A_42 = tpu.memref_slice %arg2[%dma_wait3A_41] : memref<34304xi32, #tpu.memory_space<hbm>> -> memref<17152xi32, #tpu.memory_space<hbm>>
      tpu.wait_dma2 semaphore(%run_scoped3A : memref<!tpu.dma_semaphore, #tpu.memory_space<semaphore_mem>>) src(%dma_wait3A_42 : memref<17152xi32, #tpu.memory_space<hbm>>) dst(%arg7 : memref<17152xi32, #tpu.memory_space<vmem>>)
      tpu.yield
    }) : () -> ()
    "tpu.region"() ({
      %run_scoped3A = tpu.sem_alloc : memref<!tpu.dma_semaphore, #tpu.memory_space<semaphore_mem>>
      %dma_start3A = arith.constant 17152 : i32
      %dma_start3A_37 = tpu.memref_slice %arg3[%dma_start3A] : memref<34304xi32, #tpu.memory_space<hbm>> -> memref<17152xi32, #tpu.memory_space<hbm>>
      %dma_start3A_38 = arith.constant 17152 : i32
      %dma_start3A_39 = tpu.memref_slice %arg3[%dma_start3A_38] : memref<34304xi32, #tpu.memory_space<hbm>> -> memref<17152xi32, #tpu.memory_space<hbm>>
      tpu.enqueue_dma source(%dma_start3A_39 : memref<17152xi32, #tpu.memory_space<hbm>>) target(%arg8 : memref<17152xi32, #tpu.memory_space<vmem>>) target_semaphore(%run_scoped3A : memref<!tpu.dma_semaphore, #tpu.memory_space<semaphore_mem>>)
      %dma_wait3A = arith.constant 17152 : i32
      %dma_wait3A_40 = tpu.memref_slice %arg3[%dma_wait3A] : memref<34304xi32, #tpu.memory_space<hbm>> -> memref<17152xi32, #tpu.memory_space<hbm>>
      %dma_wait3A_41 = arith.constant 17152 : i32
      %dma_wait3A_42 = tpu.memref_slice %arg3[%dma_wait3A_41] : memref<34304xi32, #tpu.memory_space<hbm>> -> memref<17152xi32, #tpu.memory_space<hbm>>
      tpu.wait_dma2 semaphore(%run_scoped3A : memref<!tpu.dma_semaphore, #tpu.memory_space<semaphore_mem>>) src(%dma_wait3A_42 : memref<17152xi32, #tpu.memory_space<hbm>>) dst(%arg8 : memref<17152xi32, #tpu.memory_space<vmem>>)
      tpu.yield
    }) : () -> ()
    %scan3A_11 = arith.constant 0 : i32
    %scan3A_12 = arith.constant 0 : i32
    %scan3A_13 = arith.constant 1072 : i32
    %scan3A_14 = arith.addi %scan3A_12, %scan3A_13 : i32
    %scan3A_15 = arith.constant 1 : i32
    scf.for %scan3A_37 = %scan3A_12 to %scan3A_14 step %scan3A_15  : i32 {
      %mul3A_38 = arith.constant 16 : i32
      %mul3A_39 = arith.muli %scan3A_37, %mul3A_38 : i32
      %get3A = arith.index_cast %mul3A_39 : i32 to index
      %get3A_40 = tpu.vector_load %arg7[%get3A] {strides = array<i32>} : memref<17152xi32, #tpu.memory_space<vmem>>, vector<16xi32>,
      %mul3A_41 = arith.constant 16 : i32
      %mul3A_42 = arith.muli %scan3A_37, %mul3A_41 : i32
      %get3A_43 = arith.index_cast %mul3A_42 : i32 to index
      %get3A_44 = tpu.vector_load %arg8[%get3A_43] {strides = array<i32>} : memref<17152xi32, #tpu.memory_space<vmem>>, vector<16xi32>,
      %sub3A = vector.broadcast %mul3A_5 : i32 to vector<16xi32>
      %sub3A_45 = arith.subi %get3A_44, %sub3A : vector<16xi32>
      %ge3A = arith.constant 0 : i32
      %ge3A_46 = vector.broadcast %ge3A : i32 to vector<16xi32>
      %ge3A_47 = arith.cmpi sge, %sub3A_45, %ge3A_46 : vector<16xi32>
      %lt3A = arith.constant 32 : i32
      %lt3A_48 = vector.broadcast %lt3A : i32 to vector<16xi32>
      %lt3A_49 = arith.cmpi slt, %sub3A_45, %lt3A_48 : vector<16xi32>
      %and3A = arith.andi %ge3A_47, %lt3A_49 : vector<16xi1>
      %mul3A_50 = arith.constant 2048 : i32
      %mul3A_51 = vector.broadcast %mul3A_50 : i32 to vector<16xi32>
      %mul3A_52 = arith.muli %sub3A_45, %mul3A_51 : vector<16xi32>
      %add3A_53 = arith.addi %mul3A_52, %get3A_40 : vector<16xi32>
      %jit3A = arith.constant 0 : i32
      %broadcast_in_dim3A_54 = vector.broadcast %jit3A : i32 to vector<16xi32>
      %select_n3A = arith.select %and3A, %add3A_53, %broadcast_in_dim3A_54 : vector<16xi1>, vector<16xi32>
      tpu.vector_store_idx %arg6[%select_n3A], %broadcast_in_dim3A_1 masked %and3A {add = true} : memref<65536xf32, #tpu.memory_space<vmem>>[vector<16xi32>], vector<16xf32>, vector<16xi1>
    }
    %scan3A_16 = arith.constant 1072 : i32
    %mul3A_17 = arith.constant 2048 : i32
    %mul3A_18 = arith.muli %mul3A_5, %mul3A_17 : i32
    "tpu.region"() ({
      %run_scoped3A = tpu.sem_alloc : memref<!tpu.dma_semaphore, #tpu.memory_space<semaphore_mem>>
      %dma_start3A = tpu.memref_slice %arg5[%mul3A_18] : memref<4194304xf32, #tpu.memory_space<hbm>> -> memref<65536xf32, #tpu.memory_space<hbm>>
      %dma_start3A_37 = tpu.memref_slice %arg5[%mul3A_18] : memref<4194304xf32, #tpu.memory_space<hbm>> -> memref<65536xf32, #tpu.memory_space<hbm>>
      tpu.enqueue_dma source(%arg6 : memref<65536xf32, #tpu.memory_space<vmem>>) target(%dma_start3A_37 : memref<65536xf32, #tpu.memory_space<hbm>>) target_semaphore(%run_scoped3A : memref<!tpu.dma_semaphore, #tpu.memory_space<semaphore_mem>>)
      %dma_wait3A = tpu.memref_slice %arg5[%mul3A_18] : memref<4194304xf32, #tpu.memory_space<hbm>> -> memref<65536xf32, #tpu.memory_space<hbm>>
      %dma_wait3A_38 = tpu.memref_slice %arg5[%mul3A_18] : memref<4194304xf32, #tpu.memory_space<hbm>> -> memref<65536xf32, #tpu.memory_space<hbm>>
      tpu.wait_dma2 semaphore(%run_scoped3A : memref<!tpu.dma_semaphore, #tpu.memory_space<semaphore_mem>>) src(%arg6 : memref<65536xf32, #tpu.memory_space<vmem>>) dst(%dma_wait3A_38 : memref<65536xf32, #tpu.memory_space<hbm>>)
      tpu.yield
    }) : () -> ()
    %add3A_19 = arith.constant 32 : i32
    %add3A_20 = arith.addi %add3A, %add3A_19 : i32
    %mul3A_21 = arith.constant 32 : i32
    %mul3A_22 = arith.muli %add3A_20, %mul3A_21 : i32
    "tpu.region"() ({
      %run_scoped3A = tpu.sem_alloc : memref<!tpu.dma_semaphore, #tpu.memory_space<semaphore_mem>>
      tpu.enqueue_dma source(%arg4 : memref<65536xf32, #tpu.memory_space<hbm>>) target(%arg6 : memref<65536xf32, #tpu.memory_space<vmem>>) target_semaphore(%run_scoped3A : memref<!tpu.dma_semaphore, #tpu.memory_space<semaphore_mem>>)
      tpu.wait_dma2 semaphore(%run_scoped3A : memref<!tpu.dma_semaphore, #tpu.memory_space<semaphore_mem>>) src(%arg4 : memref<65536xf32, #tpu.memory_space<hbm>>) dst(%arg6 : memref<65536xf32, #tpu.memory_space<vmem>>)
      tpu.yield
    }) : () -> ()
    "tpu.region"() ({
      %run_scoped3A = tpu.sem_alloc : memref<!tpu.dma_semaphore, #tpu.memory_space<semaphore_mem>>
      %dma_start3A = arith.constant 0 : i32
      %dma_start3A_37 = tpu.memref_slice %arg2[%dma_start3A] : memref<34304xi32, #tpu.memory_space<hbm>> -> memref<17152xi32, #tpu.memory_space<hbm>>
      %dma_start3A_38 = arith.constant 0 : i32
      %dma_start3A_39 = tpu.memref_slice %arg2[%dma_start3A_38] : memref<34304xi32, #tpu.memory_space<hbm>> -> memref<17152xi32, #tpu.memory_space<hbm>>
      tpu.enqueue_dma source(%dma_start3A_39 : memref<17152xi32, #tpu.memory_space<hbm>>) target(%arg7 : memref<17152xi32, #tpu.memory_space<vmem>>) target_semaphore(%run_scoped3A : memref<!tpu.dma_semaphore, #tpu.memory_space<semaphore_mem>>)
      %dma_wait3A = arith.constant 0 : i32
      %dma_wait3A_40 = tpu.memref_slice %arg2[%dma_wait3A] : memref<34304xi32, #tpu.memory_space<hbm>> -> memref<17152xi32, #tpu.memory_space<hbm>>
      %dma_wait3A_41 = arith.constant 0 : i32
      %dma_wait3A_42 = tpu.memref_slice %arg2[%dma_wait3A_41] : memref<34304xi32, #tpu.memory_space<hbm>> -> memref<17152xi32, #tpu.memory_space<hbm>>
      tpu.wait_dma2 semaphore(%run_scoped3A : memref<!tpu.dma_semaphore, #tpu.memory_space<semaphore_mem>>) src(%dma_wait3A_42 : memref<17152xi32, #tpu.memory_space<hbm>>) dst(%arg7 : memref<17152xi32, #tpu.memory_space<vmem>>)
      tpu.yield
    }) : () -> ()
    "tpu.region"() ({
      %run_scoped3A = tpu.sem_alloc : memref<!tpu.dma_semaphore, #tpu.memory_space<semaphore_mem>>
      %dma_start3A = arith.constant 0 : i32
      %dma_start3A_37 = tpu.memref_slice %arg3[%dma_start3A] : memref<34304xi32, #tpu.memory_space<hbm>> -> memref<17152xi32, #tpu.memory_space<hbm>>
      %dma_start3A_38 = arith.constant 0 : i32
      %dma_start3A_39 = tpu.memref_slice %arg3[%dma_start3A_38] : memref<34304xi32, #tpu.memory_space<hbm>> -> memref<17152xi32, #tpu.memory_space<hbm>>
      tpu.enqueue_dma source(%dma_start3A_39 : memref<17152xi32, #tpu.memory_space<hbm>>) target(%arg8 : memref<17152xi32, #tpu.memory_space<vmem>>) target_semaphore(%run_scoped3A : memref<!tpu.dma_semaphore, #tpu.memory_space<semaphore_mem>>)
      %dma_wait3A = arith.constant 0 : i32
      %dma_wait3A_40 = tpu.memref_slice %arg3[%dma_wait3A] : memref<34304xi32, #tpu.memory_space<hbm>> -> memref<17152xi32, #tpu.memory_space<hbm>>
      %dma_wait3A_41 = arith.constant 0 : i32
      %dma_wait3A_42 = tpu.memref_slice %arg3[%dma_wait3A_41] : memref<34304xi32, #tpu.memory_space<hbm>> -> memref<17152xi32, #tpu.memory_space<hbm>>
      tpu.wait_dma2 semaphore(%run_scoped3A : memref<!tpu.dma_semaphore, #tpu.memory_space<semaphore_mem>>) src(%dma_wait3A_42 : memref<17152xi32, #tpu.memory_space<hbm>>) dst(%arg8 : memref<17152xi32, #tpu.memory_space<vmem>>)
      tpu.yield
    }) : () -> ()
    %scan3A_23 = arith.constant 0 : i32
    %scan3A_24 = arith.constant 0 : i32
    %scan3A_25 = arith.constant 1072 : i32
    %scan3A_26 = arith.addi %scan3A_24, %scan3A_25 : i32
    %scan3A_27 = arith.constant 1 : i32
    scf.for %scan3A_37 = %scan3A_24 to %scan3A_26 step %scan3A_27  : i32 {
      %mul3A_38 = arith.constant 16 : i32
      %mul3A_39 = arith.muli %scan3A_37, %mul3A_38 : i32
      %get3A = arith.index_cast %mul3A_39 : i32 to index
      %get3A_40 = tpu.vector_load %arg7[%get3A] {strides = array<i32>} : memref<17152xi32, #tpu.memory_space<vmem>>, vector<16xi32>,
      %mul3A_41 = arith.constant 16 : i32
      %mul3A_42 = arith.muli %scan3A_37, %mul3A_41 : i32
      %get3A_43 = arith.index_cast %mul3A_42 : i32 to index
      %get3A_44 = tpu.vector_load %arg8[%get3A_43] {strides = array<i32>} : memref<17152xi32, #tpu.memory_space<vmem>>, vector<16xi32>,
      %sub3A = vector.broadcast %mul3A_22 : i32 to vector<16xi32>
      %sub3A_45 = arith.subi %get3A_44, %sub3A : vector<16xi32>
      %ge3A = arith.constant 0 : i32
      %ge3A_46 = vector.broadcast %ge3A : i32 to vector<16xi32>
      %ge3A_47 = arith.cmpi sge, %sub3A_45, %ge3A_46 : vector<16xi32>
      %lt3A = arith.constant 32 : i32
      %lt3A_48 = vector.broadcast %lt3A : i32 to vector<16xi32>
      %lt3A_49 = arith.cmpi slt, %sub3A_45, %lt3A_48 : vector<16xi32>
      %and3A = arith.andi %ge3A_47, %lt3A_49 : vector<16xi1>
      %mul3A_50 = arith.constant 2048 : i32
      %mul3A_51 = vector.broadcast %mul3A_50 : i32 to vector<16xi32>
      %mul3A_52 = arith.muli %sub3A_45, %mul3A_51 : vector<16xi32>
      %add3A_53 = arith.addi %mul3A_52, %get3A_40 : vector<16xi32>
      %jit3A = arith.constant 0 : i32
      %broadcast_in_dim3A_54 = vector.broadcast %jit3A : i32 to vector<16xi32>
      %select_n3A = arith.select %and3A, %add3A_53, %broadcast_in_dim3A_54 : vector<16xi1>, vector<16xi32>
      tpu.vector_store_idx %arg6[%select_n3A], %broadcast_in_dim3A_1 masked %and3A {add = true} : memref<65536xf32, #tpu.memory_space<vmem>>[vector<16xi32>], vector<16xf32>, vector<16xi1>
    }
    %scan3A_28 = arith.constant 1072 : i32
    "tpu.region"() ({
      %run_scoped3A = tpu.sem_alloc : memref<!tpu.dma_semaphore, #tpu.memory_space<semaphore_mem>>
      %dma_start3A = arith.constant 17152 : i32
      %dma_start3A_37 = tpu.memref_slice %arg2[%dma_start3A] : memref<34304xi32, #tpu.memory_space<hbm>> -> memref<17152xi32, #tpu.memory_space<hbm>>
      %dma_start3A_38 = arith.constant 17152 : i32
      %dma_start3A_39 = tpu.memref_slice %arg2[%dma_start3A_38] : memref<34304xi32, #tpu.memory_space<hbm>> -> memref<17152xi32, #tpu.memory_space<hbm>>
      tpu.enqueue_dma source(%dma_start3A_39 : memref<17152xi32, #tpu.memory_space<hbm>>) target(%arg7 : memref<17152xi32, #tpu.memory_space<vmem>>) target_semaphore(%run_scoped3A : memref<!tpu.dma_semaphore, #tpu.memory_space<semaphore_mem>>)
      %dma_wait3A = arith.constant 17152 : i32
      %dma_wait3A_40 = tpu.memref_slice %arg2[%dma_wait3A] : memref<34304xi32, #tpu.memory_space<hbm>> -> memref<17152xi32, #tpu.memory_space<hbm>>
      %dma_wait3A_41 = arith.constant 17152 : i32
      %dma_wait3A_42 = tpu.memref_slice %arg2[%dma_wait3A_41] : memref<34304xi32, #tpu.memory_space<hbm>> -> memref<17152xi32, #tpu.memory_space<hbm>>
      tpu.wait_dma2 semaphore(%run_scoped3A : memref<!tpu.dma_semaphore, #tpu.memory_space<semaphore_mem>>) src(%dma_wait3A_42 : memref<17152xi32, #tpu.memory_space<hbm>>) dst(%arg7 : memref<17152xi32, #tpu.memory_space<vmem>>)
      tpu.yield
    }) : () -> ()
    "tpu.region"() ({
      %run_scoped3A = tpu.sem_alloc : memref<!tpu.dma_semaphore, #tpu.memory_space<semaphore_mem>>
      %dma_start3A = arith.constant 17152 : i32
      %dma_start3A_37 = tpu.memref_slice %arg3[%dma_start3A] : memref<34304xi32, #tpu.memory_space<hbm>> -> memref<17152xi32, #tpu.memory_space<hbm>>
      %dma_start3A_38 = arith.constant 17152 : i32
      %dma_start3A_39 = tpu.memref_slice %arg3[%dma_start3A_38] : memref<34304xi32, #tpu.memory_space<hbm>> -> memref<17152xi32, #tpu.memory_space<hbm>>
      tpu.enqueue_dma source(%dma_start3A_39 : memref<17152xi32, #tpu.memory_space<hbm>>) target(%arg8 : memref<17152xi32, #tpu.memory_space<vmem>>) target_semaphore(%run_scoped3A : memref<!tpu.dma_semaphore, #tpu.memory_space<semaphore_mem>>)
      %dma_wait3A = arith.constant 17152 : i32
      %dma_wait3A_40 = tpu.memref_slice %arg3[%dma_wait3A] : memref<34304xi32, #tpu.memory_space<hbm>> -> memref<17152xi32, #tpu.memory_space<hbm>>
      %dma_wait3A_41 = arith.constant 17152 : i32
      %dma_wait3A_42 = tpu.memref_slice %arg3[%dma_wait3A_41] : memref<34304xi32, #tpu.memory_space<hbm>> -> memref<17152xi32, #tpu.memory_space<hbm>>
      tpu.wait_dma2 semaphore(%run_scoped3A : memref<!tpu.dma_semaphore, #tpu.memory_space<semaphore_mem>>) src(%dma_wait3A_42 : memref<17152xi32, #tpu.memory_space<hbm>>) dst(%arg8 : memref<17152xi32, #tpu.memory_space<vmem>>)
      tpu.yield
    }) : () -> ()
    %scan3A_29 = arith.constant 0 : i32
    %scan3A_30 = arith.constant 0 : i32
    %scan3A_31 = arith.constant 1072 : i32
    %scan3A_32 = arith.addi %scan3A_30, %scan3A_31 : i32
    %scan3A_33 = arith.constant 1 : i32
    scf.for %scan3A_37 = %scan3A_30 to %scan3A_32 step %scan3A_33  : i32 {
      %mul3A_38 = arith.constant 16 : i32
      %mul3A_39 = arith.muli %scan3A_37, %mul3A_38 : i32
      %get3A = arith.index_cast %mul3A_39 : i32 to index
      %get3A_40 = tpu.vector_load %arg7[%get3A] {strides = array<i32>} : memref<17152xi32, #tpu.memory_space<vmem>>, vector<16xi32>,
      %mul3A_41 = arith.constant 16 : i32
      %mul3A_42 = arith.muli %scan3A_37, %mul3A_41 : i32
      %get3A_43 = arith.index_cast %mul3A_42 : i32 to index
      %get3A_44 = tpu.vector_load %arg8[%get3A_43] {strides = array<i32>} : memref<17152xi32, #tpu.memory_space<vmem>>, vector<16xi32>,
      %sub3A = vector.broadcast %mul3A_22 : i32 to vector<16xi32>
      %sub3A_45 = arith.subi %get3A_44, %sub3A : vector<16xi32>
      %ge3A = arith.constant 0 : i32
      %ge3A_46 = vector.broadcast %ge3A : i32 to vector<16xi32>
      %ge3A_47 = arith.cmpi sge, %sub3A_45, %ge3A_46 : vector<16xi32>
      %lt3A = arith.constant 32 : i32
      %lt3A_48 = vector.broadcast %lt3A : i32 to vector<16xi32>
      %lt3A_49 = arith.cmpi slt, %sub3A_45, %lt3A_48 : vector<16xi32>
      %and3A = arith.andi %ge3A_47, %lt3A_49 : vector<16xi1>
      %mul3A_50 = arith.constant 2048 : i32
      %mul3A_51 = vector.broadcast %mul3A_50 : i32 to vector<16xi32>
      %mul3A_52 = arith.muli %sub3A_45, %mul3A_51 : vector<16xi32>
      %add3A_53 = arith.addi %mul3A_52, %get3A_40 : vector<16xi32>
      %jit3A = arith.constant 0 : i32
      %broadcast_in_dim3A_54 = vector.broadcast %jit3A : i32 to vector<16xi32>
      %select_n3A = arith.select %and3A, %add3A_53, %broadcast_in_dim3A_54 : vector<16xi1>, vector<16xi32>
      tpu.vector_store_idx %arg6[%select_n3A], %broadcast_in_dim3A_1 masked %and3A {add = true} : memref<65536xf32, #tpu.memory_space<vmem>>[vector<16xi32>], vector<16xf32>, vector<16xi1>
    }
    %scan3A_34 = arith.constant 1072 : i32
    %mul3A_35 = arith.constant 2048 : i32
    %mul3A_36 = arith.muli %mul3A_22, %mul3A_35 : i32
    "tpu.region"() ({
      %run_scoped3A = tpu.sem_alloc : memref<!tpu.dma_semaphore, #tpu.memory_space<semaphore_mem>>
      %dma_start3A = tpu.memref_slice %arg5[%mul3A_36] : memref<4194304xf32, #tpu.memory_space<hbm>> -> memref<65536xf32, #tpu.memory_space<hbm>>
      %dma_start3A_37 = tpu.memref_slice %arg5[%mul3A_36] : memref<4194304xf32, #tpu.memory_space<hbm>> -> memref<65536xf32, #tpu.memory_space<hbm>>
      tpu.enqueue_dma source(%arg6 : memref<65536xf32, #tpu.memory_space<vmem>>) target(%dma_start3A_37 : memref<65536xf32, #tpu.memory_space<hbm>>) target_semaphore(%run_scoped3A : memref<!tpu.dma_semaphore, #tpu.memory_space<semaphore_mem>>)
      %dma_wait3A = tpu.memref_slice %arg5[%mul3A_36] : memref<4194304xf32, #tpu.memory_space<hbm>> -> memref<65536xf32, #tpu.memory_space<hbm>>
      %dma_wait3A_38 = tpu.memref_slice %arg5[%mul3A_36] : memref<4194304xf32, #tpu.memory_space<hbm>> -> memref<65536xf32, #tpu.memory_space<hbm>>
      tpu.wait_dma2 semaphore(%run_scoped3A : memref<!tpu.dma_semaphore, #tpu.memory_space<semaphore_mem>>) src(%arg6 : memref<65536xf32, #tpu.memory_space<vmem>>) dst(%dma_wait3A_38 : memref<65536xf32, #tpu.memory_space<hbm>>)
      tpu.yield
    }) : () -> ()
    return
  }
}

module attributes {stable_mosaic.version = 14 : i64} {
  func.func @_dinv_kernel(%arg0: i32, %arg1: memref<256x2048xf32, #tpu.memory_space<vmem>>, %arg2: memref<256x1xf32, #tpu.memory_space<vmem>>) attributes {dimension_semantics = [#tpu.dimension_semantics<arbitrary>], iteration_bounds = array<i64: 8>, scalar_prefetch = 0 : i64, scratch_operands = 0 : i64, tpu.core_type = #tpu.core_type<tc>, window_params = [{transform_indices = @transform_0, window_bounds = array<i64: 256, 2048>}, {transform_indices = @transform_1, window_bounds = array<i64: 256, 1>}]} {
    %get3A = arith.constant 0 : index
    %get3A_0 = arith.constant 0 : index
    %get3A_1 = vector.load %arg1[%get3A, %get3A_0] : memref<256x2048xf32, #tpu.memory_space<vmem>>, vector<256x2048xf32>
    %reduce_sum3A = arith.constant dense<0.000000e+00> : vector<256xf32>
    %reduce_sum3A_2 = vector.multi_reduction <add>, %get3A_1, %reduce_sum3A [1] : vector<256x2048xf32> to vector<256xf32>
    %broadcast_in_dim3A = vector.shape_cast %reduce_sum3A_2 : vector<256xf32> to vector<256x1xf32>
    %rsqrt3A = math.rsqrt %broadcast_in_dim3A : vector<256x1xf32>
    %swap3A = arith.constant 0 : index
    %swap3A_3 = arith.constant 0 : index
    %swap3A_4 = vector.load %arg2[%swap3A, %swap3A_3] : memref<256x1xf32, #tpu.memory_space<vmem>>, vector<256x1xf32>
    tpu.vector_store %arg2[%swap3A, %swap3A_3], %rsqrt3A {strides = array<i32>} : memref<256x1xf32, #tpu.memory_space<vmem>>, vector<256x1xf32>,
    return
  }
  func.func @transform_0(%arg0: i32) -> (i32, i32) {
    %c0_i32 = arith.constant 0 : i32
    %c0_i32_0 = arith.constant 0 : i32
    return %arg0, %c0_i32 : i32, i32
  }
  func.func @transform_1(%arg0: i32) -> (i32, i32) {
    %c0_i32 = arith.constant 0 : i32
    %c0_i32_0 = arith.constant 0 : i32
    return %arg0, %c0_i32 : i32, i32
  }
}

module attributes {stable_mosaic.version = 14 : i64} {
  func.func @_layer1_kernel(%arg0: i32, %arg1: memref<256x2048xf32, #tpu.memory_space<vmem>>, %arg2: memref<2048x96xf32, #tpu.memory_space<vmem>>, %arg3: memref<2048x1xf32, #tpu.memory_space<vmem>>, %arg4: memref<256x1xf32, #tpu.memory_space<vmem>>, %arg5: memref<96x2048xf32, #tpu.memory_space<vmem>>, %arg6: memref<1x2048xf32, #tpu.memory_space<vmem>>, %arg7: memref<256x2048xf32, #tpu.memory_space<vmem>>) attributes {dimension_semantics = [#tpu.dimension_semantics<arbitrary>], iteration_bounds = array<i64: 8>, scalar_prefetch = 0 : i64, scratch_operands = 0 : i64, tpu.core_type = #tpu.core_type<tc>, window_params = [{transform_indices = @transform_0, window_bounds = array<i64: 256, 2048>}, {pipeline_mode = #tpu.pipeline_mode<synchronous>, transform_indices = @transform_1, window_bounds = array<i64: 2048, 96>}, {pipeline_mode = #tpu.pipeline_mode<synchronous>, transform_indices = @transform_2, window_bounds = array<i64: 2048, 1>}, {transform_indices = @transform_3, window_bounds = array<i64: 256, 1>}, {pipeline_mode = #tpu.pipeline_mode<synchronous>, transform_indices = @transform_4, window_bounds = array<i64: 96, 2048>}, {pipeline_mode = #tpu.pipeline_mode<synchronous>, transform_indices = @transform_5, window_bounds = array<i64: 1, 2048>}, {transform_indices = @transform_6, window_bounds = array<i64: 256, 2048>}]} {
    %get3A = arith.constant 0 : index
    %get3A_0 = arith.constant 0 : index
    %get3A_1 = vector.load %arg2[%get3A, %get3A_0] : memref<2048x96xf32, #tpu.memory_space<vmem>>, vector<2048x96xf32>
    %get3A_2 = arith.constant 0 : index
    %get3A_3 = arith.constant 0 : index
    %get3A_4 = vector.load %arg3[%get3A_2, %get3A_3] : memref<2048x1xf32, #tpu.memory_space<vmem>>, vector<2048x1xf32>
    %mul3A = vector.broadcast %get3A_4 : vector<2048x1xf32> to vector<2048x96xf32>
    %mul3A_5 = arith.mulf %get3A_1, %mul3A : vector<2048x96xf32>
    %get3A_6 = arith.constant 0 : index
    %get3A_7 = arith.constant 0 : index
    %get3A_8 = vector.load %arg1[%get3A_6, %get3A_7] : memref<256x2048xf32, #tpu.memory_space<vmem>>, vector<256x2048xf32>
    %dot_general3A = arith.constant dense<0.000000e+00> : vector<256x96xf32>
    %dot_general3A_9 = tpu.matmul %get3A_8, %mul3A_5, %dot_general3A {dimension_numbers = #tpu.dot_dimension_numbers<[1], [0], [0], [1], [0, 0, 1, 1], [], []>, transpose_lhs_hint = false} : vector<256x2048xf32>, vector<2048x96xf32>, vector<256x96xf32> -> vector<256x96xf32>
    %get3A_10 = arith.constant 0 : index
    %get3A_11 = arith.constant 0 : index
    %get3A_12 = vector.load %arg4[%get3A_10, %get3A_11] : memref<256x1xf32, #tpu.memory_space<vmem>>, vector<256x1xf32>
    %mul3A_13 = vector.broadcast %get3A_12 : vector<256x1xf32> to vector<256x96xf32>
    %mul3A_14 = arith.mulf %dot_general3A_9, %mul3A_13 : vector<256x96xf32>
    %get3A_15 = arith.constant 0 : index
    %get3A_16 = arith.constant 0 : index
    %get3A_17 = vector.load %arg5[%get3A_15, %get3A_16] : memref<96x2048xf32, #tpu.memory_space<vmem>>, vector<96x2048xf32>
    %dot_general3A_18 = arith.constant dense<0.000000e+00> : vector<256x2048xf32>
    %dot_general3A_19 = tpu.matmul %mul3A_14, %get3A_17, %dot_general3A_18 {dimension_numbers = #tpu.dot_dimension_numbers<[1], [0], [0], [1], [0, 0, 1, 1], [], []>, transpose_lhs_hint = false} : vector<256x96xf32>, vector<96x2048xf32>, vector<256x2048xf32> -> vector<256x2048xf32>
    %get3A_20 = arith.constant 0 : index
    %get3A_21 = arith.constant 0 : index
    %get3A_22 = vector.load %arg6[%get3A_20, %get3A_21] : memref<1x2048xf32, #tpu.memory_space<vmem>>, vector<1x2048xf32>
    %add3A = vector.broadcast %get3A_22 : vector<1x2048xf32> to vector<256x2048xf32>
    %add3A_23 = arith.addf %dot_general3A_19, %add3A : vector<256x2048xf32>
    %max3A = arith.constant 0.000000e+00 : f32
    %max3A_24 = vector.broadcast %max3A : f32 to vector<256x2048xf32>
    %max3A_25 = arith.maximumf %add3A_23, %max3A_24 : vector<256x2048xf32>
    %get3A_26 = arith.constant 0 : index
    %get3A_27 = arith.constant 0 : index
    %get3A_28 = vector.load %arg4[%get3A_26, %get3A_27] : memref<256x1xf32, #tpu.memory_space<vmem>>, vector<256x1xf32>
    %mul3A_29 = vector.broadcast %get3A_28 : vector<256x1xf32> to vector<256x2048xf32>
    %mul3A_30 = arith.mulf %max3A_25, %mul3A_29 : vector<256x2048xf32>
    %swap3A = arith.constant 0 : index
    %swap3A_31 = arith.constant 0 : index
    %swap3A_32 = vector.load %arg7[%swap3A, %swap3A_31] : memref<256x2048xf32, #tpu.memory_space<vmem>>, vector<256x2048xf32>
    tpu.vector_store %arg7[%swap3A, %swap3A_31], %mul3A_30 {strides = array<i32>} : memref<256x2048xf32, #tpu.memory_space<vmem>>, vector<256x2048xf32>,
    return
  }
  func.func @transform_0(%arg0: i32) -> (i32, i32) {
    %c0_i32 = arith.constant 0 : i32
    %c0_i32_0 = arith.constant 0 : i32
    return %arg0, %c0_i32 : i32, i32
  }
  func.func @transform_1(%arg0: i32) -> (i32, i32) {
    %c0_i32 = arith.constant 0 : i32
    %c0_i32_0 = arith.constant 0 : i32
    %c0_i32_1 = arith.constant 0 : i32
    return %c0_i32, %c0_i32_0 : i32, i32
  }
  func.func @transform_2(%arg0: i32) -> (i32, i32) {
    %c0_i32 = arith.constant 0 : i32
    %c0_i32_0 = arith.constant 0 : i32
    %c0_i32_1 = arith.constant 0 : i32
    return %c0_i32, %c0_i32_0 : i32, i32
  }
  func.func @transform_3(%arg0: i32) -> (i32, i32) {
    %c0_i32 = arith.constant 0 : i32
    %c0_i32_0 = arith.constant 0 : i32
    return %arg0, %c0_i32 : i32, i32
  }
  func.func @transform_4(%arg0: i32) -> (i32, i32) {
    %c0_i32 = arith.constant 0 : i32
    %c0_i32_0 = arith.constant 0 : i32
    %c0_i32_1 = arith.constant 0 : i32
    return %c0_i32, %c0_i32_0 : i32, i32
  }
  func.func @transform_5(%arg0: i32) -> (i32, i32) {
    %c0_i32 = arith.constant 0 : i32
    %c0_i32_0 = arith.constant 0 : i32
    %c0_i32_1 = arith.constant 0 : i32
    return %c0_i32, %c0_i32_0 : i32, i32
  }
  func.func @transform_6(%arg0: i32) -> (i32, i32) {
    %c0_i32 = arith.constant 0 : i32
    %c0_i32_0 = arith.constant 0 : i32
    return %arg0, %c0_i32 : i32, i32
  }
}

module attributes {stable_mosaic.version = 14 : i64} {
  func.func @_layer2_kernel(%arg0: i32, %arg1: memref<256x2048xf32, #tpu.memory_space<vmem>>, %arg2: memref<2048x2048xf32, #tpu.memory_space<vmem>>, %arg3: memref<256x1xf32, #tpu.memory_space<vmem>>, %arg4: memref<64x64xf32, #tpu.memory_space<vmem>>, %arg5: memref<1x64xf32, #tpu.memory_space<vmem>>, %arg6: memref<1x32x64xf32, #tpu.memory_space<vmem>>) attributes {dimension_semantics = [#tpu.dimension_semantics<arbitrary>], iteration_bounds = array<i64: 8>, scalar_prefetch = 0 : i64, scratch_operands = 0 : i64, tpu.core_type = #tpu.core_type<tc>, window_params = [{transform_indices = @transform_0, window_bounds = array<i64: 256, 2048>}, {pipeline_mode = #tpu.pipeline_mode<synchronous>, transform_indices = @transform_1, window_bounds = array<i64: 2048, 2048>}, {transform_indices = @transform_2, window_bounds = array<i64: 256, 1>}, {pipeline_mode = #tpu.pipeline_mode<synchronous>, transform_indices = @transform_3, window_bounds = array<i64: 64, 64>}, {pipeline_mode = #tpu.pipeline_mode<synchronous>, transform_indices = @transform_4, window_bounds = array<i64: 1, 64>}, {transform_indices = @transform_5, window_bounds = array<i64: 1, 32, 64>}]} {
    %get3A = arith.constant 0 : index
    %get3A_0 = arith.constant 0 : index
    %get3A_1 = vector.load %arg1[%get3A, %get3A_0] : memref<256x2048xf32, #tpu.memory_space<vmem>>, vector<256x2048xf32>
    %get3A_2 = arith.constant 0 : index
    %get3A_3 = arith.constant 0 : index
    %get3A_4 = vector.load %arg2[%get3A_2, %get3A_3] : memref<2048x2048xf32, #tpu.memory_space<vmem>>, vector<2048x2048xf32>
    %dot_general3A = arith.constant dense<0.000000e+00> : vector<256x2048xf32>
    %dot_general3A_5 = tpu.matmul %get3A_1, %get3A_4, %dot_general3A {dimension_numbers = #tpu.dot_dimension_numbers<[1], [0], [0], [1], [0, 0, 1, 1], [], []>, transpose_lhs_hint = false} : vector<256x2048xf32>, vector<2048x2048xf32>, vector<256x2048xf32> -> vector<256x2048xf32>
    %get3A_6 = arith.constant 0 : index
    %get3A_7 = arith.constant 0 : index
    %get3A_8 = vector.load %arg3[%get3A_6, %get3A_7] : memref<256x1xf32, #tpu.memory_space<vmem>>, vector<256x1xf32>
    %mul3A = vector.broadcast %get3A_8 : vector<256x1xf32> to vector<256x2048xf32>
    %mul3A_9 = arith.mulf %dot_general3A_5, %mul3A : vector<256x2048xf32>
    %iota3A = tpu.iota {dimensions = array<i32: 0>} : vector<256x1xi32>
    %mul3A_10 = arith.constant 256 : i32
    %mul3A_11 = arith.muli %arg0, %mul3A_10 : i32
    %add3A = vector.broadcast %mul3A_11 : i32 to vector<256x1xi32>
    %add3A_12 = arith.addi %iota3A, %add3A : vector<256x1xi32>
    %lt3A = arith.constant 2000 : i32
    %lt3A_13 = vector.broadcast %lt3A : i32 to vector<256x1xi32>
    %lt3A_14 = arith.cmpi slt, %add3A_12, %lt3A_13 : vector<256x1xi32>
    %slice3A = vector.extract_strided_slice %mul3A_9 {offsets = [0, 0], sizes = [256, 64], strides = [1, 1]} : vector<256x2048xf32> to vector<256x64xf32>
    %get3A_15 = arith.constant 0 : index
    %get3A_16 = arith.constant 0 : index
    %get3A_17 = vector.load %arg4[%get3A_15, %get3A_16] : memref<64x64xf32, #tpu.memory_space<vmem>>, vector<64x64xf32>
    %dot_general3A_18 = arith.constant dense<0.000000e+00> : vector<256x64xf32>
    %dot_general3A_19 = tpu.matmul %slice3A, %get3A_17, %dot_general3A_18 {dimension_numbers = #tpu.dot_dimension_numbers<[1], [0], [0], [1], [0, 0, 1, 1], [], []>, transpose_lhs_hint = false} : vector<256x64xf32>, vector<64x64xf32>, vector<256x64xf32> -> vector<256x64xf32>
    %get3A_20 = arith.constant 0 : index
    %get3A_21 = arith.constant 0 : index
    %get3A_22 = vector.load %arg5[%get3A_20, %get3A_21] : memref<1x64xf32, #tpu.memory_space<vmem>>, vector<1x64xf32>
    %add3A_23 = vector.broadcast %get3A_22 : vector<1x64xf32> to vector<256x64xf32>
    %add3A_24 = arith.addf %dot_general3A_19, %add3A_23 : vector<256x64xf32>
    %max3A = arith.constant 0.000000e+00 : f32
    %max3A_25 = vector.broadcast %max3A : f32 to vector<256x64xf32>
    %max3A_26 = arith.maximumf %add3A_24, %max3A_25 : vector<256x64xf32>
    %jit3A = arith.constant 0.000000e+00 : f32
    %broadcast_in_dim3A = vector.shape_cast %lt3A_14 : vector<256x1xi1> to vector<256x1xi1>
    %broadcast_in_dim3A_27 = vector.broadcast %broadcast_in_dim3A : vector<256x1xi1> to vector<256x64xi1>
    %broadcast_in_dim3A_28 = vector.broadcast %jit3A : f32 to vector<256x64xf32>
    %select_n3A = arith.select %broadcast_in_dim3A_27, %max3A_26, %broadcast_in_dim3A_28 : vector<256x64xi1>, vector<256x64xf32>
    %reduce_sum3A = arith.constant dense<0.000000e+00> : vector<64xf32>
    %reduce_sum3A_29 = vector.multi_reduction <add>, %select_n3A, %reduce_sum3A [0] : vector<256x64xf32> to vector<64xf32>
    %broadcast_in_dim3A_30 = vector.shape_cast %reduce_sum3A_29 : vector<64xf32> to vector<1x64xf32>
    %slice3A_31 = vector.extract_strided_slice %mul3A_9 {offsets = [0, 64], sizes = [256, 64], strides = [1, 1]} : vector<256x2048xf32> to vector<256x64xf32>
    %get3A_32 = arith.constant 0 : index
    %get3A_33 = arith.constant 0 : index
    %get3A_34 = vector.load %arg4[%get3A_32, %get3A_33] : memref<64x64xf32, #tpu.memory_space<vmem>>, vector<64x64xf32>
    %dot_general3A_35 = arith.constant dense<0.000000e+00> : vector<256x64xf32>
    %dot_general3A_36 = tpu.matmul %slice3A_31, %get3A_34, %dot_general3A_35 {dimension_numbers = #tpu.dot_dimension_numbers<[1], [0], [0], [1], [0, 0, 1, 1], [], []>, transpose_lhs_hint = false} : vector<256x64xf32>, vector<64x64xf32>, vector<256x64xf32> -> vector<256x64xf32>
    %get3A_37 = arith.constant 0 : index
    %get3A_38 = arith.constant 0 : index
    %get3A_39 = vector.load %arg5[%get3A_37, %get3A_38] : memref<1x64xf32, #tpu.memory_space<vmem>>, vector<1x64xf32>
    %add3A_40 = vector.broadcast %get3A_39 : vector<1x64xf32> to vector<256x64xf32>
    %add3A_41 = arith.addf %dot_general3A_36, %add3A_40 : vector<256x64xf32>
    %max3A_42 = arith.constant 0.000000e+00 : f32
    %max3A_43 = vector.broadcast %max3A_42 : f32 to vector<256x64xf32>
    %max3A_44 = arith.maximumf %add3A_41, %max3A_43 : vector<256x64xf32>
    %jit3A_45 = arith.constant 0.000000e+00 : f32
    %broadcast_in_dim3A_46 = vector.shape_cast %lt3A_14 : vector<256x1xi1> to vector<256x1xi1>
    %broadcast_in_dim3A_47 = vector.broadcast %broadcast_in_dim3A_46 : vector<256x1xi1> to vector<256x64xi1>
    %broadcast_in_dim3A_48 = vector.broadcast %jit3A_45 : f32 to vector<256x64xf32>
    %select_n3A_49 = arith.select %broadcast_in_dim3A_47, %max3A_44, %broadcast_in_dim3A_48 : vector<256x64xi1>, vector<256x64xf32>
    %reduce_sum3A_50 = arith.constant dense<0.000000e+00> : vector<64xf32>
    %reduce_sum3A_51 = vector.multi_reduction <add>, %select_n3A_49, %reduce_sum3A_50 [0] : vector<256x64xf32> to vector<64xf32>
    %broadcast_in_dim3A_52 = vector.shape_cast %reduce_sum3A_51 : vector<64xf32> to vector<1x64xf32>
    %slice3A_53 = vector.extract_strided_slice %mul3A_9 {offsets = [0, 128], sizes = [256, 64], strides = [1, 1]} : vector<256x2048xf32> to vector<256x64xf32>
    %get3A_54 = arith.constant 0 : index
    %get3A_55 = arith.constant 0 : index
    %get3A_56 = vector.load %arg4[%get3A_54, %get3A_55] : memref<64x64xf32, #tpu.memory_space<vmem>>, vector<64x64xf32>
    %dot_general3A_57 = arith.constant dense<0.000000e+00> : vector<256x64xf32>
    %dot_general3A_58 = tpu.matmul %slice3A_53, %get3A_56, %dot_general3A_57 {dimension_numbers = #tpu.dot_dimension_numbers<[1], [0], [0], [1], [0, 0, 1, 1], [], []>, transpose_lhs_hint = false} : vector<256x64xf32>, vector<64x64xf32>, vector<256x64xf32> -> vector<256x64xf32>
    %get3A_59 = arith.constant 0 : index
    %get3A_60 = arith.constant 0 : index
    %get3A_61 = vector.load %arg5[%get3A_59, %get3A_60] : memref<1x64xf32, #tpu.memory_space<vmem>>, vector<1x64xf32>
    %add3A_62 = vector.broadcast %get3A_61 : vector<1x64xf32> to vector<256x64xf32>
    %add3A_63 = arith.addf %dot_general3A_58, %add3A_62 : vector<256x64xf32>
    %max3A_64 = arith.constant 0.000000e+00 : f32
    %max3A_65 = vector.broadcast %max3A_64 : f32 to vector<256x64xf32>
    %max3A_66 = arith.maximumf %add3A_63, %max3A_65 : vector<256x64xf32>
    %jit3A_67 = arith.constant 0.000000e+00 : f32
    %broadcast_in_dim3A_68 = vector.shape_cast %lt3A_14 : vector<256x1xi1> to vector<256x1xi1>
    %broadcast_in_dim3A_69 = vector.broadcast %broadcast_in_dim3A_68 : vector<256x1xi1> to vector<256x64xi1>
    %broadcast_in_dim3A_70 = vector.broadcast %jit3A_67 : f32 to vector<256x64xf32>
    %select_n3A_71 = arith.select %broadcast_in_dim3A_69, %max3A_66, %broadcast_in_dim3A_70 : vector<256x64xi1>, vector<256x64xf32>
    %reduce_sum3A_72 = arith.constant dense<0.000000e+00> : vector<64xf32>
    %reduce_sum3A_73 = vector.multi_reduction <add>, %select_n3A_71, %reduce_sum3A_72 [0] : vector<256x64xf32> to vector<64xf32>
    %broadcast_in_dim3A_74 = vector.shape_cast %reduce_sum3A_73 : vector<64xf32> to vector<1x64xf32>
    %slice3A_75 = vector.extract_strided_slice %mul3A_9 {offsets = [0, 192], sizes = [256, 64], strides = [1, 1]} : vector<256x2048xf32> to vector<256x64xf32>
    %get3A_76 = arith.constant 0 : index
    %get3A_77 = arith.constant 0 : index
    %get3A_78 = vector.load %arg4[%get3A_76, %get3A_77] : memref<64x64xf32, #tpu.memory_space<vmem>>, vector<64x64xf32>
    %dot_general3A_79 = arith.constant dense<0.000000e+00> : vector<256x64xf32>
    %dot_general3A_80 = tpu.matmul %slice3A_75, %get3A_78, %dot_general3A_79 {dimension_numbers = #tpu.dot_dimension_numbers<[1], [0], [0], [1], [0, 0, 1, 1], [], []>, transpose_lhs_hint = false} : vector<256x64xf32>, vector<64x64xf32>, vector<256x64xf32> -> vector<256x64xf32>
    %get3A_81 = arith.constant 0 : index
    %get3A_82 = arith.constant 0 : index
    %get3A_83 = vector.load %arg5[%get3A_81, %get3A_82] : memref<1x64xf32, #tpu.memory_space<vmem>>, vector<1x64xf32>
    %add3A_84 = vector.broadcast %get3A_83 : vector<1x64xf32> to vector<256x64xf32>
    %add3A_85 = arith.addf %dot_general3A_80, %add3A_84 : vector<256x64xf32>
    %max3A_86 = arith.constant 0.000000e+00 : f32
    %max3A_87 = vector.broadcast %max3A_86 : f32 to vector<256x64xf32>
    %max3A_88 = arith.maximumf %add3A_85, %max3A_87 : vector<256x64xf32>
    %jit3A_89 = arith.constant 0.000000e+00 : f32
    %broadcast_in_dim3A_90 = vector.shape_cast %lt3A_14 : vector<256x1xi1> to vector<256x1xi1>
    %broadcast_in_dim3A_91 = vector.broadcast %broadcast_in_dim3A_90 : vector<256x1xi1> to vector<256x64xi1>
    %broadcast_in_dim3A_92 = vector.broadcast %jit3A_89 : f32 to vector<256x64xf32>
    %select_n3A_93 = arith.select %broadcast_in_dim3A_91, %max3A_88, %broadcast_in_dim3A_92 : vector<256x64xi1>, vector<256x64xf32>
    %reduce_sum3A_94 = arith.constant dense<0.000000e+00> : vector<64xf32>
    %reduce_sum3A_95 = vector.multi_reduction <add>, %select_n3A_93, %reduce_sum3A_94 [0] : vector<256x64xf32> to vector<64xf32>
    %broadcast_in_dim3A_96 = vector.shape_cast %reduce_sum3A_95 : vector<64xf32> to vector<1x64xf32>
    %slice3A_97 = vector.extract_strided_slice %mul3A_9 {offsets = [0, 256], sizes = [256, 64], strides = [1, 1]} : vector<256x2048xf32> to vector<256x64xf32>
    %get3A_98 = arith.constant 0 : index
    %get3A_99 = arith.constant 0 : index
    %get3A_100 = vector.load %arg4[%get3A_98, %get3A_99] : memref<64x64xf32, #tpu.memory_space<vmem>>, vector<64x64xf32>
    %dot_general3A_101 = arith.constant dense<0.000000e+00> : vector<256x64xf32>
    %dot_general3A_102 = tpu.matmul %slice3A_97, %get3A_100, %dot_general3A_101 {dimension_numbers = #tpu.dot_dimension_numbers<[1], [0], [0], [1], [0, 0, 1, 1], [], []>, transpose_lhs_hint = false} : vector<256x64xf32>, vector<64x64xf32>, vector<256x64xf32> -> vector<256x64xf32>
    %get3A_103 = arith.constant 0 : index
    %get3A_104 = arith.constant 0 : index
    %get3A_105 = vector.load %arg5[%get3A_103, %get3A_104] : memref<1x64xf32, #tpu.memory_space<vmem>>, vector<1x64xf32>
    %add3A_106 = vector.broadcast %get3A_105 : vector<1x64xf32> to vector<256x64xf32>
    %add3A_107 = arith.addf %dot_general3A_102, %add3A_106 : vector<256x64xf32>
    %max3A_108 = arith.constant 0.000000e+00 : f32
    %max3A_109 = vector.broadcast %max3A_108 : f32 to vector<256x64xf32>
    %max3A_110 = arith.maximumf %add3A_107, %max3A_109 : vector<256x64xf32>
    %jit3A_111 = arith.constant 0.000000e+00 : f32
    %broadcast_in_dim3A_112 = vector.shape_cast %lt3A_14 : vector<256x1xi1> to vector<256x1xi1>
    %broadcast_in_dim3A_113 = vector.broadcast %broadcast_in_dim3A_112 : vector<256x1xi1> to vector<256x64xi1>
    %broadcast_in_dim3A_114 = vector.broadcast %jit3A_111 : f32 to vector<256x64xf32>
    %select_n3A_115 = arith.select %broadcast_in_dim3A_113, %max3A_110, %broadcast_in_dim3A_114 : vector<256x64xi1>, vector<256x64xf32>
    %reduce_sum3A_116 = arith.constant dense<0.000000e+00> : vector<64xf32>
    %reduce_sum3A_117 = vector.multi_reduction <add>, %select_n3A_115, %reduce_sum3A_116 [0] : vector<256x64xf32> to vector<64xf32>
    %broadcast_in_dim3A_118 = vector.shape_cast %reduce_sum3A_117 : vector<64xf32> to vector<1x64xf32>
    %slice3A_119 = vector.extract_strided_slice %mul3A_9 {offsets = [0, 320], sizes = [256, 64], strides = [1, 1]} : vector<256x2048xf32> to vector<256x64xf32>
    %get3A_120 = arith.constant 0 : index
    %get3A_121 = arith.constant 0 : index
    %get3A_122 = vector.load %arg4[%get3A_120, %get3A_121] : memref<64x64xf32, #tpu.memory_space<vmem>>, vector<64x64xf32>
    %dot_general3A_123 = arith.constant dense<0.000000e+00> : vector<256x64xf32>
    %dot_general3A_124 = tpu.matmul %slice3A_119, %get3A_122, %dot_general3A_123 {dimension_numbers = #tpu.dot_dimension_numbers<[1], [0], [0], [1], [0, 0, 1, 1], [], []>, transpose_lhs_hint = false} : vector<256x64xf32>, vector<64x64xf32>, vector<256x64xf32> -> vector<256x64xf32>
    %get3A_125 = arith.constant 0 : index
    %get3A_126 = arith.constant 0 : index
    %get3A_127 = vector.load %arg5[%get3A_125, %get3A_126] : memref<1x64xf32, #tpu.memory_space<vmem>>, vector<1x64xf32>
    %add3A_128 = vector.broadcast %get3A_127 : vector<1x64xf32> to vector<256x64xf32>
    %add3A_129 = arith.addf %dot_general3A_124, %add3A_128 : vector<256x64xf32>
    %max3A_130 = arith.constant 0.000000e+00 : f32
    %max3A_131 = vector.broadcast %max3A_130 : f32 to vector<256x64xf32>
    %max3A_132 = arith.maximumf %add3A_129, %max3A_131 : vector<256x64xf32>
    %jit3A_133 = arith.constant 0.000000e+00 : f32
    %broadcast_in_dim3A_134 = vector.shape_cast %lt3A_14 : vector<256x1xi1> to vector<256x1xi1>
    %broadcast_in_dim3A_135 = vector.broadcast %broadcast_in_dim3A_134 : vector<256x1xi1> to vector<256x64xi1>
    %broadcast_in_dim3A_136 = vector.broadcast %jit3A_133 : f32 to vector<256x64xf32>
    %select_n3A_137 = arith.select %broadcast_in_dim3A_135, %max3A_132, %broadcast_in_dim3A_136 : vector<256x64xi1>, vector<256x64xf32>
    %reduce_sum3A_138 = arith.constant dense<0.000000e+00> : vector<64xf32>
    %reduce_sum3A_139 = vector.multi_reduction <add>, %select_n3A_137, %reduce_sum3A_138 [0] : vector<256x64xf32> to vector<64xf32>
    %broadcast_in_dim3A_140 = vector.shape_cast %reduce_sum3A_139 : vector<64xf32> to vector<1x64xf32>
    %slice3A_141 = vector.extract_strided_slice %mul3A_9 {offsets = [0, 384], sizes = [256, 64], strides = [1, 1]} : vector<256x2048xf32> to vector<256x64xf32>
    %get3A_142 = arith.constant 0 : index
    %get3A_143 = arith.constant 0 : index
    %get3A_144 = vector.load %arg4[%get3A_142, %get3A_143] : memref<64x64xf32, #tpu.memory_space<vmem>>, vector<64x64xf32>
    %dot_general3A_145 = arith.constant dense<0.000000e+00> : vector<256x64xf32>
    %dot_general3A_146 = tpu.matmul %slice3A_141, %get3A_144, %dot_general3A_145 {dimension_numbers = #tpu.dot_dimension_numbers<[1], [0], [0], [1], [0, 0, 1, 1], [], []>, transpose_lhs_hint = false} : vector<256x64xf32>, vector<64x64xf32>, vector<256x64xf32> -> vector<256x64xf32>
    %get3A_147 = arith.constant 0 : index
    %get3A_148 = arith.constant 0 : index
    %get3A_149 = vector.load %arg5[%get3A_147, %get3A_148] : memref<1x64xf32, #tpu.memory_space<vmem>>, vector<1x64xf32>
    %add3A_150 = vector.broadcast %get3A_149 : vector<1x64xf32> to vector<256x64xf32>
    %add3A_151 = arith.addf %dot_general3A_146, %add3A_150 : vector<256x64xf32>
    %max3A_152 = arith.constant 0.000000e+00 : f32
    %max3A_153 = vector.broadcast %max3A_152 : f32 to vector<256x64xf32>
    %max3A_154 = arith.maximumf %add3A_151, %max3A_153 : vector<256x64xf32>
    %jit3A_155 = arith.constant 0.000000e+00 : f32
    %broadcast_in_dim3A_156 = vector.shape_cast %lt3A_14 : vector<256x1xi1> to vector<256x1xi1>
    %broadcast_in_dim3A_157 = vector.broadcast %broadcast_in_dim3A_156 : vector<256x1xi1> to vector<256x64xi1>
    %broadcast_in_dim3A_158 = vector.broadcast %jit3A_155 : f32 to vector<256x64xf32>
    %select_n3A_159 = arith.select %broadcast_in_dim3A_157, %max3A_154, %broadcast_in_dim3A_158 : vector<256x64xi1>, vector<256x64xf32>
    %reduce_sum3A_160 = arith.constant dense<0.000000e+00> : vector<64xf32>
    %reduce_sum3A_161 = vector.multi_reduction <add>, %select_n3A_159, %reduce_sum3A_160 [0] : vector<256x64xf32> to vector<64xf32>
    %broadcast_in_dim3A_162 = vector.shape_cast %reduce_sum3A_161 : vector<64xf32> to vector<1x64xf32>
    %slice3A_163 = vector.extract_strided_slice %mul3A_9 {offsets = [0, 448], sizes = [256, 64], strides = [1, 1]} : vector<256x2048xf32> to vector<256x64xf32>
    %get3A_164 = arith.constant 0 : index
    %get3A_165 = arith.constant 0 : index
    %get3A_166 = vector.load %arg4[%get3A_164, %get3A_165] : memref<64x64xf32, #tpu.memory_space<vmem>>, vector<64x64xf32>
    %dot_general3A_167 = arith.constant dense<0.000000e+00> : vector<256x64xf32>
    %dot_general3A_168 = tpu.matmul %slice3A_163, %get3A_166, %dot_general3A_167 {dimension_numbers = #tpu.dot_dimension_numbers<[1], [0], [0], [1], [0, 0, 1, 1], [], []>, transpose_lhs_hint = false} : vector<256x64xf32>, vector<64x64xf32>, vector<256x64xf32> -> vector<256x64xf32>
    %get3A_169 = arith.constant 0 : index
    %get3A_170 = arith.constant 0 : index
    %get3A_171 = vector.load %arg5[%get3A_169, %get3A_170] : memref<1x64xf32, #tpu.memory_space<vmem>>, vector<1x64xf32>
    %add3A_172 = vector.broadcast %get3A_171 : vector<1x64xf32> to vector<256x64xf32>
    %add3A_173 = arith.addf %dot_general3A_168, %add3A_172 : vector<256x64xf32>
    %max3A_174 = arith.constant 0.000000e+00 : f32
    %max3A_175 = vector.broadcast %max3A_174 : f32 to vector<256x64xf32>
    %max3A_176 = arith.maximumf %add3A_173, %max3A_175 : vector<256x64xf32>
    %jit3A_177 = arith.constant 0.000000e+00 : f32
    %broadcast_in_dim3A_178 = vector.shape_cast %lt3A_14 : vector<256x1xi1> to vector<256x1xi1>
    %broadcast_in_dim3A_179 = vector.broadcast %broadcast_in_dim3A_178 : vector<256x1xi1> to vector<256x64xi1>
    %broadcast_in_dim3A_180 = vector.broadcast %jit3A_177 : f32 to vector<256x64xf32>
    %select_n3A_181 = arith.select %broadcast_in_dim3A_179, %max3A_176, %broadcast_in_dim3A_180 : vector<256x64xi1>, vector<256x64xf32>
    %reduce_sum3A_182 = arith.constant dense<0.000000e+00> : vector<64xf32>
    %reduce_sum3A_183 = vector.multi_reduction <add>, %select_n3A_181, %reduce_sum3A_182 [0] : vector<256x64xf32> to vector<64xf32>
    %broadcast_in_dim3A_184 = vector.shape_cast %reduce_sum3A_183 : vector<64xf32> to vector<1x64xf32>
    %slice3A_185 = vector.extract_strided_slice %mul3A_9 {offsets = [0, 512], sizes = [256, 64], strides = [1, 1]} : vector<256x2048xf32> to vector<256x64xf32>
    %get3A_186 = arith.constant 0 : index
    %get3A_187 = arith.constant 0 : index
    %get3A_188 = vector.load %arg4[%get3A_186, %get3A_187] : memref<64x64xf32, #tpu.memory_space<vmem>>, vector<64x64xf32>
    %dot_general3A_189 = arith.constant dense<0.000000e+00> : vector<256x64xf32>
    %dot_general3A_190 = tpu.matmul %slice3A_185, %get3A_188, %dot_general3A_189 {dimension_numbers = #tpu.dot_dimension_numbers<[1], [0], [0], [1], [0, 0, 1, 1], [], []>, transpose_lhs_hint = false} : vector<256x64xf32>, vector<64x64xf32>, vector<256x64xf32> -> vector<256x64xf32>
    %get3A_191 = arith.constant 0 : index
    %get3A_192 = arith.constant 0 : index
    %get3A_193 = vector.load %arg5[%get3A_191, %get3A_192] : memref<1x64xf32, #tpu.memory_space<vmem>>, vector<1x64xf32>
    %add3A_194 = vector.broadcast %get3A_193 : vector<1x64xf32> to vector<256x64xf32>
    %add3A_195 = arith.addf %dot_general3A_190, %add3A_194 : vector<256x64xf32>
    %max3A_196 = arith.constant 0.000000e+00 : f32
    %max3A_197 = vector.broadcast %max3A_196 : f32 to vector<256x64xf32>
    %max3A_198 = arith.maximumf %add3A_195, %max3A_197 : vector<256x64xf32>
    %jit3A_199 = arith.constant 0.000000e+00 : f32
    %broadcast_in_dim3A_200 = vector.shape_cast %lt3A_14 : vector<256x1xi1> to vector<256x1xi1>
    %broadcast_in_dim3A_201 = vector.broadcast %broadcast_in_dim3A_200 : vector<256x1xi1> to vector<256x64xi1>
    %broadcast_in_dim3A_202 = vector.broadcast %jit3A_199 : f32 to vector<256x64xf32>
    %select_n3A_203 = arith.select %broadcast_in_dim3A_201, %max3A_198, %broadcast_in_dim3A_202 : vector<256x64xi1>, vector<256x64xf32>
    %reduce_sum3A_204 = arith.constant dense<0.000000e+00> : vector<64xf32>
    %reduce_sum3A_205 = vector.multi_reduction <add>, %select_n3A_203, %reduce_sum3A_204 [0] : vector<256x64xf32> to vector<64xf32>
    %broadcast_in_dim3A_206 = vector.shape_cast %reduce_sum3A_205 : vector<64xf32> to vector<1x64xf32>
    %slice3A_207 = vector.extract_strided_slice %mul3A_9 {offsets = [0, 576], sizes = [256, 64], strides = [1, 1]} : vector<256x2048xf32> to vector<256x64xf32>
    %get3A_208 = arith.constant 0 : index
    %get3A_209 = arith.constant 0 : index
    %get3A_210 = vector.load %arg4[%get3A_208, %get3A_209] : memref<64x64xf32, #tpu.memory_space<vmem>>, vector<64x64xf32>
    %dot_general3A_211 = arith.constant dense<0.000000e+00> : vector<256x64xf32>
    %dot_general3A_212 = tpu.matmul %slice3A_207, %get3A_210, %dot_general3A_211 {dimension_numbers = #tpu.dot_dimension_numbers<[1], [0], [0], [1], [0, 0, 1, 1], [], []>, transpose_lhs_hint = false} : vector<256x64xf32>, vector<64x64xf32>, vector<256x64xf32> -> vector<256x64xf32>
    %get3A_213 = arith.constant 0 : index
    %get3A_214 = arith.constant 0 : index
    %get3A_215 = vector.load %arg5[%get3A_213, %get3A_214] : memref<1x64xf32, #tpu.memory_space<vmem>>, vector<1x64xf32>
    %add3A_216 = vector.broadcast %get3A_215 : vector<1x64xf32> to vector<256x64xf32>
    %add3A_217 = arith.addf %dot_general3A_212, %add3A_216 : vector<256x64xf32>
    %max3A_218 = arith.constant 0.000000e+00 : f32
    %max3A_219 = vector.broadcast %max3A_218 : f32 to vector<256x64xf32>
    %max3A_220 = arith.maximumf %add3A_217, %max3A_219 : vector<256x64xf32>
    %jit3A_221 = arith.constant 0.000000e+00 : f32
    %broadcast_in_dim3A_222 = vector.shape_cast %lt3A_14 : vector<256x1xi1> to vector<256x1xi1>
    %broadcast_in_dim3A_223 = vector.broadcast %broadcast_in_dim3A_222 : vector<256x1xi1> to vector<256x64xi1>
    %broadcast_in_dim3A_224 = vector.broadcast %jit3A_221 : f32 to vector<256x64xf32>
    %select_n3A_225 = arith.select %broadcast_in_dim3A_223, %max3A_220, %broadcast_in_dim3A_224 : vector<256x64xi1>, vector<256x64xf32>
    %reduce_sum3A_226 = arith.constant dense<0.000000e+00> : vector<64xf32>
    %reduce_sum3A_227 = vector.multi_reduction <add>, %select_n3A_225, %reduce_sum3A_226 [0] : vector<256x64xf32> to vector<64xf32>
    %broadcast_in_dim3A_228 = vector.shape_cast %reduce_sum3A_227 : vector<64xf32> to vector<1x64xf32>
    %slice3A_229 = vector.extract_strided_slice %mul3A_9 {offsets = [0, 640], sizes = [256, 64], strides = [1, 1]} : vector<256x2048xf32> to vector<256x64xf32>
    %get3A_230 = arith.constant 0 : index
    %get3A_231 = arith.constant 0 : index
    %get3A_232 = vector.load %arg4[%get3A_230, %get3A_231] : memref<64x64xf32, #tpu.memory_space<vmem>>, vector<64x64xf32>
    %dot_general3A_233 = arith.constant dense<0.000000e+00> : vector<256x64xf32>
    %dot_general3A_234 = tpu.matmul %slice3A_229, %get3A_232, %dot_general3A_233 {dimension_numbers = #tpu.dot_dimension_numbers<[1], [0], [0], [1], [0, 0, 1, 1], [], []>, transpose_lhs_hint = false} : vector<256x64xf32>, vector<64x64xf32>, vector<256x64xf32> -> vector<256x64xf32>
    %get3A_235 = arith.constant 0 : index
    %get3A_236 = arith.constant 0 : index
    %get3A_237 = vector.load %arg5[%get3A_235, %get3A_236] : memref<1x64xf32, #tpu.memory_space<vmem>>, vector<1x64xf32>
    %add3A_238 = vector.broadcast %get3A_237 : vector<1x64xf32> to vector<256x64xf32>
    %add3A_239 = arith.addf %dot_general3A_234, %add3A_238 : vector<256x64xf32>
    %max3A_240 = arith.constant 0.000000e+00 : f32
    %max3A_241 = vector.broadcast %max3A_240 : f32 to vector<256x64xf32>
    %max3A_242 = arith.maximumf %add3A_239, %max3A_241 : vector<256x64xf32>
    %jit3A_243 = arith.constant 0.000000e+00 : f32
    %broadcast_in_dim3A_244 = vector.shape_cast %lt3A_14 : vector<256x1xi1> to vector<256x1xi1>
    %broadcast_in_dim3A_245 = vector.broadcast %broadcast_in_dim3A_244 : vector<256x1xi1> to vector<256x64xi1>
    %broadcast_in_dim3A_246 = vector.broadcast %jit3A_243 : f32 to vector<256x64xf32>
    %select_n3A_247 = arith.select %broadcast_in_dim3A_245, %max3A_242, %broadcast_in_dim3A_246 : vector<256x64xi1>, vector<256x64xf32>
    %reduce_sum3A_248 = arith.constant dense<0.000000e+00> : vector<64xf32>
    %reduce_sum3A_249 = vector.multi_reduction <add>, %select_n3A_247, %reduce_sum3A_248 [0] : vector<256x64xf32> to vector<64xf32>
    %broadcast_in_dim3A_250 = vector.shape_cast %reduce_sum3A_249 : vector<64xf32> to vector<1x64xf32>
    %slice3A_251 = vector.extract_strided_slice %mul3A_9 {offsets = [0, 704], sizes = [256, 64], strides = [1, 1]} : vector<256x2048xf32> to vector<256x64xf32>
    %get3A_252 = arith.constant 0 : index
    %get3A_253 = arith.constant 0 : index
    %get3A_254 = vector.load %arg4[%get3A_252, %get3A_253] : memref<64x64xf32, #tpu.memory_space<vmem>>, vector<64x64xf32>
    %dot_general3A_255 = arith.constant dense<0.000000e+00> : vector<256x64xf32>
    %dot_general3A_256 = tpu.matmul %slice3A_251, %get3A_254, %dot_general3A_255 {dimension_numbers = #tpu.dot_dimension_numbers<[1], [0], [0], [1], [0, 0, 1, 1], [], []>, transpose_lhs_hint = false} : vector<256x64xf32>, vector<64x64xf32>, vector<256x64xf32> -> vector<256x64xf32>
    %get3A_257 = arith.constant 0 : index
    %get3A_258 = arith.constant 0 : index
    %get3A_259 = vector.load %arg5[%get3A_257, %get3A_258] : memref<1x64xf32, #tpu.memory_space<vmem>>, vector<1x64xf32>
    %add3A_260 = vector.broadcast %get3A_259 : vector<1x64xf32> to vector<256x64xf32>
    %add3A_261 = arith.addf %dot_general3A_256, %add3A_260 : vector<256x64xf32>
    %max3A_262 = arith.constant 0.000000e+00 : f32
    %max3A_263 = vector.broadcast %max3A_262 : f32 to vector<256x64xf32>
    %max3A_264 = arith.maximumf %add3A_261, %max3A_263 : vector<256x64xf32>
    %jit3A_265 = arith.constant 0.000000e+00 : f32
    %broadcast_in_dim3A_266 = vector.shape_cast %lt3A_14 : vector<256x1xi1> to vector<256x1xi1>
    %broadcast_in_dim3A_267 = vector.broadcast %broadcast_in_dim3A_266 : vector<256x1xi1> to vector<256x64xi1>
    %broadcast_in_dim3A_268 = vector.broadcast %jit3A_265 : f32 to vector<256x64xf32>
    %select_n3A_269 = arith.select %broadcast_in_dim3A_267, %max3A_264, %broadcast_in_dim3A_268 : vector<256x64xi1>, vector<256x64xf32>
    %reduce_sum3A_270 = arith.constant dense<0.000000e+00> : vector<64xf32>
    %reduce_sum3A_271 = vector.multi_reduction <add>, %select_n3A_269, %reduce_sum3A_270 [0] : vector<256x64xf32> to vector<64xf32>
    %broadcast_in_dim3A_272 = vector.shape_cast %reduce_sum3A_271 : vector<64xf32> to vector<1x64xf32>
    %slice3A_273 = vector.extract_strided_slice %mul3A_9 {offsets = [0, 768], sizes = [256, 64], strides = [1, 1]} : vector<256x2048xf32> to vector<256x64xf32>
    %get3A_274 = arith.constant 0 : index
    %get3A_275 = arith.constant 0 : index
    %get3A_276 = vector.load %arg4[%get3A_274, %get3A_275] : memref<64x64xf32, #tpu.memory_space<vmem>>, vector<64x64xf32>
    %dot_general3A_277 = arith.constant dense<0.000000e+00> : vector<256x64xf32>
    %dot_general3A_278 = tpu.matmul %slice3A_273, %get3A_276, %dot_general3A_277 {dimension_numbers = #tpu.dot_dimension_numbers<[1], [0], [0], [1], [0, 0, 1, 1], [], []>, transpose_lhs_hint = false} : vector<256x64xf32>, vector<64x64xf32>, vector<256x64xf32> -> vector<256x64xf32>
    %get3A_279 = arith.constant 0 : index
    %get3A_280 = arith.constant 0 : index
    %get3A_281 = vector.load %arg5[%get3A_279, %get3A_280] : memref<1x64xf32, #tpu.memory_space<vmem>>, vector<1x64xf32>
    %add3A_282 = vector.broadcast %get3A_281 : vector<1x64xf32> to vector<256x64xf32>
    %add3A_283 = arith.addf %dot_general3A_278, %add3A_282 : vector<256x64xf32>
    %max3A_284 = arith.constant 0.000000e+00 : f32
    %max3A_285 = vector.broadcast %max3A_284 : f32 to vector<256x64xf32>
    %max3A_286 = arith.maximumf %add3A_283, %max3A_285 : vector<256x64xf32>
    %jit3A_287 = arith.constant 0.000000e+00 : f32
    %broadcast_in_dim3A_288 = vector.shape_cast %lt3A_14 : vector<256x1xi1> to vector<256x1xi1>
    %broadcast_in_dim3A_289 = vector.broadcast %broadcast_in_dim3A_288 : vector<256x1xi1> to vector<256x64xi1>
    %broadcast_in_dim3A_290 = vector.broadcast %jit3A_287 : f32 to vector<256x64xf32>
    %select_n3A_291 = arith.select %broadcast_in_dim3A_289, %max3A_286, %broadcast_in_dim3A_290 : vector<256x64xi1>, vector<256x64xf32>
    %reduce_sum3A_292 = arith.constant dense<0.000000e+00> : vector<64xf32>
    %reduce_sum3A_293 = vector.multi_reduction <add>, %select_n3A_291, %reduce_sum3A_292 [0] : vector<256x64xf32> to vector<64xf32>
    %broadcast_in_dim3A_294 = vector.shape_cast %reduce_sum3A_293 : vector<64xf32> to vector<1x64xf32>
    %slice3A_295 = vector.extract_strided_slice %mul3A_9 {offsets = [0, 832], sizes = [256, 64], strides = [1, 1]} : vector<256x2048xf32> to vector<256x64xf32>
    %get3A_296 = arith.constant 0 : index
    %get3A_297 = arith.constant 0 : index
    %get3A_298 = vector.load %arg4[%get3A_296, %get3A_297] : memref<64x64xf32, #tpu.memory_space<vmem>>, vector<64x64xf32>
    %dot_general3A_299 = arith.constant dense<0.000000e+00> : vector<256x64xf32>
    %dot_general3A_300 = tpu.matmul %slice3A_295, %get3A_298, %dot_general3A_299 {dimension_numbers = #tpu.dot_dimension_numbers<[1], [0], [0], [1], [0, 0, 1, 1], [], []>, transpose_lhs_hint = false} : vector<256x64xf32>, vector<64x64xf32>, vector<256x64xf32> -> vector<256x64xf32>
    %get3A_301 = arith.constant 0 : index
    %get3A_302 = arith.constant 0 : index
    %get3A_303 = vector.load %arg5[%get3A_301, %get3A_302] : memref<1x64xf32, #tpu.memory_space<vmem>>, vector<1x64xf32>
    %add3A_304 = vector.broadcast %get3A_303 : vector<1x64xf32> to vector<256x64xf32>
    %add3A_305 = arith.addf %dot_general3A_300, %add3A_304 : vector<256x64xf32>
    %max3A_306 = arith.constant 0.000000e+00 : f32
    %max3A_307 = vector.broadcast %max3A_306 : f32 to vector<256x64xf32>
    %max3A_308 = arith.maximumf %add3A_305, %max3A_307 : vector<256x64xf32>
    %jit3A_309 = arith.constant 0.000000e+00 : f32
    %broadcast_in_dim3A_310 = vector.shape_cast %lt3A_14 : vector<256x1xi1> to vector<256x1xi1>
    %broadcast_in_dim3A_311 = vector.broadcast %broadcast_in_dim3A_310 : vector<256x1xi1> to vector<256x64xi1>
    %broadcast_in_dim3A_312 = vector.broadcast %jit3A_309 : f32 to vector<256x64xf32>
    %select_n3A_313 = arith.select %broadcast_in_dim3A_311, %max3A_308, %broadcast_in_dim3A_312 : vector<256x64xi1>, vector<256x64xf32>
    %reduce_sum3A_314 = arith.constant dense<0.000000e+00> : vector<64xf32>
    %reduce_sum3A_315 = vector.multi_reduction <add>, %select_n3A_313, %reduce_sum3A_314 [0] : vector<256x64xf32> to vector<64xf32>
    %broadcast_in_dim3A_316 = vector.shape_cast %reduce_sum3A_315 : vector<64xf32> to vector<1x64xf32>
    %slice3A_317 = vector.extract_strided_slice %mul3A_9 {offsets = [0, 896], sizes = [256, 64], strides = [1, 1]} : vector<256x2048xf32> to vector<256x64xf32>
    %get3A_318 = arith.constant 0 : index
    %get3A_319 = arith.constant 0 : index
    %get3A_320 = vector.load %arg4[%get3A_318, %get3A_319] : memref<64x64xf32, #tpu.memory_space<vmem>>, vector<64x64xf32>
    %dot_general3A_321 = arith.constant dense<0.000000e+00> : vector<256x64xf32>
    %dot_general3A_322 = tpu.matmul %slice3A_317, %get3A_320, %dot_general3A_321 {dimension_numbers = #tpu.dot_dimension_numbers<[1], [0], [0], [1], [0, 0, 1, 1], [], []>, transpose_lhs_hint = false} : vector<256x64xf32>, vector<64x64xf32>, vector<256x64xf32> -> vector<256x64xf32>
    %get3A_323 = arith.constant 0 : index
    %get3A_324 = arith.constant 0 : index
    %get3A_325 = vector.load %arg5[%get3A_323, %get3A_324] : memref<1x64xf32, #tpu.memory_space<vmem>>, vector<1x64xf32>
    %add3A_326 = vector.broadcast %get3A_325 : vector<1x64xf32> to vector<256x64xf32>
    %add3A_327 = arith.addf %dot_general3A_322, %add3A_326 : vector<256x64xf32>
    %max3A_328 = arith.constant 0.000000e+00 : f32
    %max3A_329 = vector.broadcast %max3A_328 : f32 to vector<256x64xf32>
    %max3A_330 = arith.maximumf %add3A_327, %max3A_329 : vector<256x64xf32>
    %jit3A_331 = arith.constant 0.000000e+00 : f32
    %broadcast_in_dim3A_332 = vector.shape_cast %lt3A_14 : vector<256x1xi1> to vector<256x1xi1>
    %broadcast_in_dim3A_333 = vector.broadcast %broadcast_in_dim3A_332 : vector<256x1xi1> to vector<256x64xi1>
    %broadcast_in_dim3A_334 = vector.broadcast %jit3A_331 : f32 to vector<256x64xf32>
    %select_n3A_335 = arith.select %broadcast_in_dim3A_333, %max3A_330, %broadcast_in_dim3A_334 : vector<256x64xi1>, vector<256x64xf32>
    %reduce_sum3A_336 = arith.constant dense<0.000000e+00> : vector<64xf32>
    %reduce_sum3A_337 = vector.multi_reduction <add>, %select_n3A_335, %reduce_sum3A_336 [0] : vector<256x64xf32> to vector<64xf32>
    %broadcast_in_dim3A_338 = vector.shape_cast %reduce_sum3A_337 : vector<64xf32> to vector<1x64xf32>
    %slice3A_339 = vector.extract_strided_slice %mul3A_9 {offsets = [0, 960], sizes = [256, 64], strides = [1, 1]} : vector<256x2048xf32> to vector<256x64xf32>
    %get3A_340 = arith.constant 0 : index
    %get3A_341 = arith.constant 0 : index
    %get3A_342 = vector.load %arg4[%get3A_340, %get3A_341] : memref<64x64xf32, #tpu.memory_space<vmem>>, vector<64x64xf32>
    %dot_general3A_343 = arith.constant dense<0.000000e+00> : vector<256x64xf32>
    %dot_general3A_344 = tpu.matmul %slice3A_339, %get3A_342, %dot_general3A_343 {dimension_numbers = #tpu.dot_dimension_numbers<[1], [0], [0], [1], [0, 0, 1, 1], [], []>, transpose_lhs_hint = false} : vector<256x64xf32>, vector<64x64xf32>, vector<256x64xf32> -> vector<256x64xf32>
    %get3A_345 = arith.constant 0 : index
    %get3A_346 = arith.constant 0 : index
    %get3A_347 = vector.load %arg5[%get3A_345, %get3A_346] : memref<1x64xf32, #tpu.memory_space<vmem>>, vector<1x64xf32>
    %add3A_348 = vector.broadcast %get3A_347 : vector<1x64xf32> to vector<256x64xf32>
    %add3A_349 = arith.addf %dot_general3A_344, %add3A_348 : vector<256x64xf32>
    %max3A_350 = arith.constant 0.000000e+00 : f32
    %max3A_351 = vector.broadcast %max3A_350 : f32 to vector<256x64xf32>
    %max3A_352 = arith.maximumf %add3A_349, %max3A_351 : vector<256x64xf32>
    %jit3A_353 = arith.constant 0.000000e+00 : f32
    %broadcast_in_dim3A_354 = vector.shape_cast %lt3A_14 : vector<256x1xi1> to vector<256x1xi1>
    %broadcast_in_dim3A_355 = vector.broadcast %broadcast_in_dim3A_354 : vector<256x1xi1> to vector<256x64xi1>
    %broadcast_in_dim3A_356 = vector.broadcast %jit3A_353 : f32 to vector<256x64xf32>
    %select_n3A_357 = arith.select %broadcast_in_dim3A_355, %max3A_352, %broadcast_in_dim3A_356 : vector<256x64xi1>, vector<256x64xf32>
    %reduce_sum3A_358 = arith.constant dense<0.000000e+00> : vector<64xf32>
    %reduce_sum3A_359 = vector.multi_reduction <add>, %select_n3A_357, %reduce_sum3A_358 [0] : vector<256x64xf32> to vector<64xf32>
    %broadcast_in_dim3A_360 = vector.shape_cast %reduce_sum3A_359 : vector<64xf32> to vector<1x64xf32>
    %slice3A_361 = vector.extract_strided_slice %mul3A_9 {offsets = [0, 1024], sizes = [256, 64], strides = [1, 1]} : vector<256x2048xf32> to vector<256x64xf32>
    %get3A_362 = arith.constant 0 : index
    %get3A_363 = arith.constant 0 : index
    %get3A_364 = vector.load %arg4[%get3A_362, %get3A_363] : memref<64x64xf32, #tpu.memory_space<vmem>>, vector<64x64xf32>
    %dot_general3A_365 = arith.constant dense<0.000000e+00> : vector<256x64xf32>
    %dot_general3A_366 = tpu.matmul %slice3A_361, %get3A_364, %dot_general3A_365 {dimension_numbers = #tpu.dot_dimension_numbers<[1], [0], [0], [1], [0, 0, 1, 1], [], []>, transpose_lhs_hint = false} : vector<256x64xf32>, vector<64x64xf32>, vector<256x64xf32> -> vector<256x64xf32>
    %get3A_367 = arith.constant 0 : index
    %get3A_368 = arith.constant 0 : index
    %get3A_369 = vector.load %arg5[%get3A_367, %get3A_368] : memref<1x64xf32, #tpu.memory_space<vmem>>, vector<1x64xf32>
    %add3A_370 = vector.broadcast %get3A_369 : vector<1x64xf32> to vector<256x64xf32>
    %add3A_371 = arith.addf %dot_general3A_366, %add3A_370 : vector<256x64xf32>
    %max3A_372 = arith.constant 0.000000e+00 : f32
    %max3A_373 = vector.broadcast %max3A_372 : f32 to vector<256x64xf32>
    %max3A_374 = arith.maximumf %add3A_371, %max3A_373 : vector<256x64xf32>
    %jit3A_375 = arith.constant 0.000000e+00 : f32
    %broadcast_in_dim3A_376 = vector.shape_cast %lt3A_14 : vector<256x1xi1> to vector<256x1xi1>
    %broadcast_in_dim3A_377 = vector.broadcast %broadcast_in_dim3A_376 : vector<256x1xi1> to vector<256x64xi1>
    %broadcast_in_dim3A_378 = vector.broadcast %jit3A_375 : f32 to vector<256x64xf32>
    %select_n3A_379 = arith.select %broadcast_in_dim3A_377, %max3A_374, %broadcast_in_dim3A_378 : vector<256x64xi1>, vector<256x64xf32>
    %reduce_sum3A_380 = arith.constant dense<0.000000e+00> : vector<64xf32>
    %reduce_sum3A_381 = vector.multi_reduction <add>, %select_n3A_379, %reduce_sum3A_380 [0] : vector<256x64xf32> to vector<64xf32>
    %broadcast_in_dim3A_382 = vector.shape_cast %reduce_sum3A_381 : vector<64xf32> to vector<1x64xf32>
    %slice3A_383 = vector.extract_strided_slice %mul3A_9 {offsets = [0, 1088], sizes = [256, 64], strides = [1, 1]} : vector<256x2048xf32> to vector<256x64xf32>
    %get3A_384 = arith.constant 0 : index
    %get3A_385 = arith.constant 0 : index
    %get3A_386 = vector.load %arg4[%get3A_384, %get3A_385] : memref<64x64xf32, #tpu.memory_space<vmem>>, vector<64x64xf32>
    %dot_general3A_387 = arith.constant dense<0.000000e+00> : vector<256x64xf32>
    %dot_general3A_388 = tpu.matmul %slice3A_383, %get3A_386, %dot_general3A_387 {dimension_numbers = #tpu.dot_dimension_numbers<[1], [0], [0], [1], [0, 0, 1, 1], [], []>, transpose_lhs_hint = false} : vector<256x64xf32>, vector<64x64xf32>, vector<256x64xf32> -> vector<256x64xf32>
    %get3A_389 = arith.constant 0 : index
    %get3A_390 = arith.constant 0 : index
    %get3A_391 = vector.load %arg5[%get3A_389, %get3A_390] : memref<1x64xf32, #tpu.memory_space<vmem>>, vector<1x64xf32>
    %add3A_392 = vector.broadcast %get3A_391 : vector<1x64xf32> to vector<256x64xf32>
    %add3A_393 = arith.addf %dot_general3A_388, %add3A_392 : vector<256x64xf32>
    %max3A_394 = arith.constant 0.000000e+00 : f32
    %max3A_395 = vector.broadcast %max3A_394 : f32 to vector<256x64xf32>
    %max3A_396 = arith.maximumf %add3A_393, %max3A_395 : vector<256x64xf32>
    %jit3A_397 = arith.constant 0.000000e+00 : f32
    %broadcast_in_dim3A_398 = vector.shape_cast %lt3A_14 : vector<256x1xi1> to vector<256x1xi1>
    %broadcast_in_dim3A_399 = vector.broadcast %broadcast_in_dim3A_398 : vector<256x1xi1> to vector<256x64xi1>
    %broadcast_in_dim3A_400 = vector.broadcast %jit3A_397 : f32 to vector<256x64xf32>
    %select_n3A_401 = arith.select %broadcast_in_dim3A_399, %max3A_396, %broadcast_in_dim3A_400 : vector<256x64xi1>, vector<256x64xf32>
    %reduce_sum3A_402 = arith.constant dense<0.000000e+00> : vector<64xf32>
    %reduce_sum3A_403 = vector.multi_reduction <add>, %select_n3A_401, %reduce_sum3A_402 [0] : vector<256x64xf32> to vector<64xf32>
    %broadcast_in_dim3A_404 = vector.shape_cast %reduce_sum3A_403 : vector<64xf32> to vector<1x64xf32>
    %slice3A_405 = vector.extract_strided_slice %mul3A_9 {offsets = [0, 1152], sizes = [256, 64], strides = [1, 1]} : vector<256x2048xf32> to vector<256x64xf32>
    %get3A_406 = arith.constant 0 : index
    %get3A_407 = arith.constant 0 : index
    %get3A_408 = vector.load %arg4[%get3A_406, %get3A_407] : memref<64x64xf32, #tpu.memory_space<vmem>>, vector<64x64xf32>
    %dot_general3A_409 = arith.constant dense<0.000000e+00> : vector<256x64xf32>
    %dot_general3A_410 = tpu.matmul %slice3A_405, %get3A_408, %dot_general3A_409 {dimension_numbers = #tpu.dot_dimension_numbers<[1], [0], [0], [1], [0, 0, 1, 1], [], []>, transpose_lhs_hint = false} : vector<256x64xf32>, vector<64x64xf32>, vector<256x64xf32> -> vector<256x64xf32>
    %get3A_411 = arith.constant 0 : index
    %get3A_412 = arith.constant 0 : index
    %get3A_413 = vector.load %arg5[%get3A_411, %get3A_412] : memref<1x64xf32, #tpu.memory_space<vmem>>, vector<1x64xf32>
    %add3A_414 = vector.broadcast %get3A_413 : vector<1x64xf32> to vector<256x64xf32>
    %add3A_415 = arith.addf %dot_general3A_410, %add3A_414 : vector<256x64xf32>
    %max3A_416 = arith.constant 0.000000e+00 : f32
    %max3A_417 = vector.broadcast %max3A_416 : f32 to vector<256x64xf32>
    %max3A_418 = arith.maximumf %add3A_415, %max3A_417 : vector<256x64xf32>
    %jit3A_419 = arith.constant 0.000000e+00 : f32
    %broadcast_in_dim3A_420 = vector.shape_cast %lt3A_14 : vector<256x1xi1> to vector<256x1xi1>
    %broadcast_in_dim3A_421 = vector.broadcast %broadcast_in_dim3A_420 : vector<256x1xi1> to vector<256x64xi1>
    %broadcast_in_dim3A_422 = vector.broadcast %jit3A_419 : f32 to vector<256x64xf32>
    %select_n3A_423 = arith.select %broadcast_in_dim3A_421, %max3A_418, %broadcast_in_dim3A_422 : vector<256x64xi1>, vector<256x64xf32>
    %reduce_sum3A_424 = arith.constant dense<0.000000e+00> : vector<64xf32>
    %reduce_sum3A_425 = vector.multi_reduction <add>, %select_n3A_423, %reduce_sum3A_424 [0] : vector<256x64xf32> to vector<64xf32>
    %broadcast_in_dim3A_426 = vector.shape_cast %reduce_sum3A_425 : vector<64xf32> to vector<1x64xf32>
    %slice3A_427 = vector.extract_strided_slice %mul3A_9 {offsets = [0, 1216], sizes = [256, 64], strides = [1, 1]} : vector<256x2048xf32> to vector<256x64xf32>
    %get3A_428 = arith.constant 0 : index
    %get3A_429 = arith.constant 0 : index
    %get3A_430 = vector.load %arg4[%get3A_428, %get3A_429] : memref<64x64xf32, #tpu.memory_space<vmem>>, vector<64x64xf32>
    %dot_general3A_431 = arith.constant dense<0.000000e+00> : vector<256x64xf32>
    %dot_general3A_432 = tpu.matmul %slice3A_427, %get3A_430, %dot_general3A_431 {dimension_numbers = #tpu.dot_dimension_numbers<[1], [0], [0], [1], [0, 0, 1, 1], [], []>, transpose_lhs_hint = false} : vector<256x64xf32>, vector<64x64xf32>, vector<256x64xf32> -> vector<256x64xf32>
    %get3A_433 = arith.constant 0 : index
    %get3A_434 = arith.constant 0 : index
    %get3A_435 = vector.load %arg5[%get3A_433, %get3A_434] : memref<1x64xf32, #tpu.memory_space<vmem>>, vector<1x64xf32>
    %add3A_436 = vector.broadcast %get3A_435 : vector<1x64xf32> to vector<256x64xf32>
    %add3A_437 = arith.addf %dot_general3A_432, %add3A_436 : vector<256x64xf32>
    %max3A_438 = arith.constant 0.000000e+00 : f32
    %max3A_439 = vector.broadcast %max3A_438 : f32 to vector<256x64xf32>
    %max3A_440 = arith.maximumf %add3A_437, %max3A_439 : vector<256x64xf32>
    %jit3A_441 = arith.constant 0.000000e+00 : f32
    %broadcast_in_dim3A_442 = vector.shape_cast %lt3A_14 : vector<256x1xi1> to vector<256x1xi1>
    %broadcast_in_dim3A_443 = vector.broadcast %broadcast_in_dim3A_442 : vector<256x1xi1> to vector<256x64xi1>
    %broadcast_in_dim3A_444 = vector.broadcast %jit3A_441 : f32 to vector<256x64xf32>
    %select_n3A_445 = arith.select %broadcast_in_dim3A_443, %max3A_440, %broadcast_in_dim3A_444 : vector<256x64xi1>, vector<256x64xf32>
    %reduce_sum3A_446 = arith.constant dense<0.000000e+00> : vector<64xf32>
    %reduce_sum3A_447 = vector.multi_reduction <add>, %select_n3A_445, %reduce_sum3A_446 [0] : vector<256x64xf32> to vector<64xf32>
    %broadcast_in_dim3A_448 = vector.shape_cast %reduce_sum3A_447 : vector<64xf32> to vector<1x64xf32>
    %slice3A_449 = vector.extract_strided_slice %mul3A_9 {offsets = [0, 1280], sizes = [256, 64], strides = [1, 1]} : vector<256x2048xf32> to vector<256x64xf32>
    %get3A_450 = arith.constant 0 : index
    %get3A_451 = arith.constant 0 : index
    %get3A_452 = vector.load %arg4[%get3A_450, %get3A_451] : memref<64x64xf32, #tpu.memory_space<vmem>>, vector<64x64xf32>
    %dot_general3A_453 = arith.constant dense<0.000000e+00> : vector<256x64xf32>
    %dot_general3A_454 = tpu.matmul %slice3A_449, %get3A_452, %dot_general3A_453 {dimension_numbers = #tpu.dot_dimension_numbers<[1], [0], [0], [1], [0, 0, 1, 1], [], []>, transpose_lhs_hint = false} : vector<256x64xf32>, vector<64x64xf32>, vector<256x64xf32> -> vector<256x64xf32>
    %get3A_455 = arith.constant 0 : index
    %get3A_456 = arith.constant 0 : index
    %get3A_457 = vector.load %arg5[%get3A_455, %get3A_456] : memref<1x64xf32, #tpu.memory_space<vmem>>, vector<1x64xf32>
    %add3A_458 = vector.broadcast %get3A_457 : vector<1x64xf32> to vector<256x64xf32>
    %add3A_459 = arith.addf %dot_general3A_454, %add3A_458 : vector<256x64xf32>
    %max3A_460 = arith.constant 0.000000e+00 : f32
    %max3A_461 = vector.broadcast %max3A_460 : f32 to vector<256x64xf32>
    %max3A_462 = arith.maximumf %add3A_459, %max3A_461 : vector<256x64xf32>
    %jit3A_463 = arith.constant 0.000000e+00 : f32
    %broadcast_in_dim3A_464 = vector.shape_cast %lt3A_14 : vector<256x1xi1> to vector<256x1xi1>
    %broadcast_in_dim3A_465 = vector.broadcast %broadcast_in_dim3A_464 : vector<256x1xi1> to vector<256x64xi1>
    %broadcast_in_dim3A_466 = vector.broadcast %jit3A_463 : f32 to vector<256x64xf32>
    %select_n3A_467 = arith.select %broadcast_in_dim3A_465, %max3A_462, %broadcast_in_dim3A_466 : vector<256x64xi1>, vector<256x64xf32>
    %reduce_sum3A_468 = arith.constant dense<0.000000e+00> : vector<64xf32>
    %reduce_sum3A_469 = vector.multi_reduction <add>, %select_n3A_467, %reduce_sum3A_468 [0] : vector<256x64xf32> to vector<64xf32>
    %broadcast_in_dim3A_470 = vector.shape_cast %reduce_sum3A_469 : vector<64xf32> to vector<1x64xf32>
    %slice3A_471 = vector.extract_strided_slice %mul3A_9 {offsets = [0, 1344], sizes = [256, 64], strides = [1, 1]} : vector<256x2048xf32> to vector<256x64xf32>
    %get3A_472 = arith.constant 0 : index
    %get3A_473 = arith.constant 0 : index
    %get3A_474 = vector.load %arg4[%get3A_472, %get3A_473] : memref<64x64xf32, #tpu.memory_space<vmem>>, vector<64x64xf32>
    %dot_general3A_475 = arith.constant dense<0.000000e+00> : vector<256x64xf32>
    %dot_general3A_476 = tpu.matmul %slice3A_471, %get3A_474, %dot_general3A_475 {dimension_numbers = #tpu.dot_dimension_numbers<[1], [0], [0], [1], [0, 0, 1, 1], [], []>, transpose_lhs_hint = false} : vector<256x64xf32>, vector<64x64xf32>, vector<256x64xf32> -> vector<256x64xf32>
    %get3A_477 = arith.constant 0 : index
    %get3A_478 = arith.constant 0 : index
    %get3A_479 = vector.load %arg5[%get3A_477, %get3A_478] : memref<1x64xf32, #tpu.memory_space<vmem>>, vector<1x64xf32>
    %add3A_480 = vector.broadcast %get3A_479 : vector<1x64xf32> to vector<256x64xf32>
    %add3A_481 = arith.addf %dot_general3A_476, %add3A_480 : vector<256x64xf32>
    %max3A_482 = arith.constant 0.000000e+00 : f32
    %max3A_483 = vector.broadcast %max3A_482 : f32 to vector<256x64xf32>
    %max3A_484 = arith.maximumf %add3A_481, %max3A_483 : vector<256x64xf32>
    %jit3A_485 = arith.constant 0.000000e+00 : f32
    %broadcast_in_dim3A_486 = vector.shape_cast %lt3A_14 : vector<256x1xi1> to vector<256x1xi1>
    %broadcast_in_dim3A_487 = vector.broadcast %broadcast_in_dim3A_486 : vector<256x1xi1> to vector<256x64xi1>
    %broadcast_in_dim3A_488 = vector.broadcast %jit3A_485 : f32 to vector<256x64xf32>
    %select_n3A_489 = arith.select %broadcast_in_dim3A_487, %max3A_484, %broadcast_in_dim3A_488 : vector<256x64xi1>, vector<256x64xf32>
    %reduce_sum3A_490 = arith.constant dense<0.000000e+00> : vector<64xf32>
    %reduce_sum3A_491 = vector.multi_reduction <add>, %select_n3A_489, %reduce_sum3A_490 [0] : vector<256x64xf32> to vector<64xf32>
    %broadcast_in_dim3A_492 = vector.shape_cast %reduce_sum3A_491 : vector<64xf32> to vector<1x64xf32>
    %slice3A_493 = vector.extract_strided_slice %mul3A_9 {offsets = [0, 1408], sizes = [256, 64], strides = [1, 1]} : vector<256x2048xf32> to vector<256x64xf32>
    %get3A_494 = arith.constant 0 : index
    %get3A_495 = arith.constant 0 : index
    %get3A_496 = vector.load %arg4[%get3A_494, %get3A_495] : memref<64x64xf32, #tpu.memory_space<vmem>>, vector<64x64xf32>
    %dot_general3A_497 = arith.constant dense<0.000000e+00> : vector<256x64xf32>
    %dot_general3A_498 = tpu.matmul %slice3A_493, %get3A_496, %dot_general3A_497 {dimension_numbers = #tpu.dot_dimension_numbers<[1], [0], [0], [1], [0, 0, 1, 1], [], []>, transpose_lhs_hint = false} : vector<256x64xf32>, vector<64x64xf32>, vector<256x64xf32> -> vector<256x64xf32>
    %get3A_499 = arith.constant 0 : index
    %get3A_500 = arith.constant 0 : index
    %get3A_501 = vector.load %arg5[%get3A_499, %get3A_500] : memref<1x64xf32, #tpu.memory_space<vmem>>, vector<1x64xf32>
    %add3A_502 = vector.broadcast %get3A_501 : vector<1x64xf32> to vector<256x64xf32>
    %add3A_503 = arith.addf %dot_general3A_498, %add3A_502 : vector<256x64xf32>
    %max3A_504 = arith.constant 0.000000e+00 : f32
    %max3A_505 = vector.broadcast %max3A_504 : f32 to vector<256x64xf32>
    %max3A_506 = arith.maximumf %add3A_503, %max3A_505 : vector<256x64xf32>
    %jit3A_507 = arith.constant 0.000000e+00 : f32
    %broadcast_in_dim3A_508 = vector.shape_cast %lt3A_14 : vector<256x1xi1> to vector<256x1xi1>
    %broadcast_in_dim3A_509 = vector.broadcast %broadcast_in_dim3A_508 : vector<256x1xi1> to vector<256x64xi1>
    %broadcast_in_dim3A_510 = vector.broadcast %jit3A_507 : f32 to vector<256x64xf32>
    %select_n3A_511 = arith.select %broadcast_in_dim3A_509, %max3A_506, %broadcast_in_dim3A_510 : vector<256x64xi1>, vector<256x64xf32>
    %reduce_sum3A_512 = arith.constant dense<0.000000e+00> : vector<64xf32>
    %reduce_sum3A_513 = vector.multi_reduction <add>, %select_n3A_511, %reduce_sum3A_512 [0] : vector<256x64xf32> to vector<64xf32>
    %broadcast_in_dim3A_514 = vector.shape_cast %reduce_sum3A_513 : vector<64xf32> to vector<1x64xf32>
    %slice3A_515 = vector.extract_strided_slice %mul3A_9 {offsets = [0, 1472], sizes = [256, 64], strides = [1, 1]} : vector<256x2048xf32> to vector<256x64xf32>
    %get3A_516 = arith.constant 0 : index
    %get3A_517 = arith.constant 0 : index
    %get3A_518 = vector.load %arg4[%get3A_516, %get3A_517] : memref<64x64xf32, #tpu.memory_space<vmem>>, vector<64x64xf32>
    %dot_general3A_519 = arith.constant dense<0.000000e+00> : vector<256x64xf32>
    %dot_general3A_520 = tpu.matmul %slice3A_515, %get3A_518, %dot_general3A_519 {dimension_numbers = #tpu.dot_dimension_numbers<[1], [0], [0], [1], [0, 0, 1, 1], [], []>, transpose_lhs_hint = false} : vector<256x64xf32>, vector<64x64xf32>, vector<256x64xf32> -> vector<256x64xf32>
    %get3A_521 = arith.constant 0 : index
    %get3A_522 = arith.constant 0 : index
    %get3A_523 = vector.load %arg5[%get3A_521, %get3A_522] : memref<1x64xf32, #tpu.memory_space<vmem>>, vector<1x64xf32>
    %add3A_524 = vector.broadcast %get3A_523 : vector<1x64xf32> to vector<256x64xf32>
    %add3A_525 = arith.addf %dot_general3A_520, %add3A_524 : vector<256x64xf32>
    %max3A_526 = arith.constant 0.000000e+00 : f32
    %max3A_527 = vector.broadcast %max3A_526 : f32 to vector<256x64xf32>
    %max3A_528 = arith.maximumf %add3A_525, %max3A_527 : vector<256x64xf32>
    %jit3A_529 = arith.constant 0.000000e+00 : f32
    %broadcast_in_dim3A_530 = vector.shape_cast %lt3A_14 : vector<256x1xi1> to vector<256x1xi1>
    %broadcast_in_dim3A_531 = vector.broadcast %broadcast_in_dim3A_530 : vector<256x1xi1> to vector<256x64xi1>
    %broadcast_in_dim3A_532 = vector.broadcast %jit3A_529 : f32 to vector<256x64xf32>
    %select_n3A_533 = arith.select %broadcast_in_dim3A_531, %max3A_528, %broadcast_in_dim3A_532 : vector<256x64xi1>, vector<256x64xf32>
    %reduce_sum3A_534 = arith.constant dense<0.000000e+00> : vector<64xf32>
    %reduce_sum3A_535 = vector.multi_reduction <add>, %select_n3A_533, %reduce_sum3A_534 [0] : vector<256x64xf32> to vector<64xf32>
    %broadcast_in_dim3A_536 = vector.shape_cast %reduce_sum3A_535 : vector<64xf32> to vector<1x64xf32>
    %slice3A_537 = vector.extract_strided_slice %mul3A_9 {offsets = [0, 1536], sizes = [256, 64], strides = [1, 1]} : vector<256x2048xf32> to vector<256x64xf32>
    %get3A_538 = arith.constant 0 : index
    %get3A_539 = arith.constant 0 : index
    %get3A_540 = vector.load %arg4[%get3A_538, %get3A_539] : memref<64x64xf32, #tpu.memory_space<vmem>>, vector<64x64xf32>
    %dot_general3A_541 = arith.constant dense<0.000000e+00> : vector<256x64xf32>
    %dot_general3A_542 = tpu.matmul %slice3A_537, %get3A_540, %dot_general3A_541 {dimension_numbers = #tpu.dot_dimension_numbers<[1], [0], [0], [1], [0, 0, 1, 1], [], []>, transpose_lhs_hint = false} : vector<256x64xf32>, vector<64x64xf32>, vector<256x64xf32> -> vector<256x64xf32>
    %get3A_543 = arith.constant 0 : index
    %get3A_544 = arith.constant 0 : index
    %get3A_545 = vector.load %arg5[%get3A_543, %get3A_544] : memref<1x64xf32, #tpu.memory_space<vmem>>, vector<1x64xf32>
    %add3A_546 = vector.broadcast %get3A_545 : vector<1x64xf32> to vector<256x64xf32>
    %add3A_547 = arith.addf %dot_general3A_542, %add3A_546 : vector<256x64xf32>
    %max3A_548 = arith.constant 0.000000e+00 : f32
    %max3A_549 = vector.broadcast %max3A_548 : f32 to vector<256x64xf32>
    %max3A_550 = arith.maximumf %add3A_547, %max3A_549 : vector<256x64xf32>
    %jit3A_551 = arith.constant 0.000000e+00 : f32
    %broadcast_in_dim3A_552 = vector.shape_cast %lt3A_14 : vector<256x1xi1> to vector<256x1xi1>
    %broadcast_in_dim3A_553 = vector.broadcast %broadcast_in_dim3A_552 : vector<256x1xi1> to vector<256x64xi1>
    %broadcast_in_dim3A_554 = vector.broadcast %jit3A_551 : f32 to vector<256x64xf32>
    %select_n3A_555 = arith.select %broadcast_in_dim3A_553, %max3A_550, %broadcast_in_dim3A_554 : vector<256x64xi1>, vector<256x64xf32>
    %reduce_sum3A_556 = arith.constant dense<0.000000e+00> : vector<64xf32>
    %reduce_sum3A_557 = vector.multi_reduction <add>, %select_n3A_555, %reduce_sum3A_556 [0] : vector<256x64xf32> to vector<64xf32>
    %broadcast_in_dim3A_558 = vector.shape_cast %reduce_sum3A_557 : vector<64xf32> to vector<1x64xf32>
    %slice3A_559 = vector.extract_strided_slice %mul3A_9 {offsets = [0, 1600], sizes = [256, 64], strides = [1, 1]} : vector<256x2048xf32> to vector<256x64xf32>
    %get3A_560 = arith.constant 0 : index
    %get3A_561 = arith.constant 0 : index
    %get3A_562 = vector.load %arg4[%get3A_560, %get3A_561] : memref<64x64xf32, #tpu.memory_space<vmem>>, vector<64x64xf32>
    %dot_general3A_563 = arith.constant dense<0.000000e+00> : vector<256x64xf32>
    %dot_general3A_564 = tpu.matmul %slice3A_559, %get3A_562, %dot_general3A_563 {dimension_numbers = #tpu.dot_dimension_numbers<[1], [0], [0], [1], [0, 0, 1, 1], [], []>, transpose_lhs_hint = false} : vector<256x64xf32>, vector<64x64xf32>, vector<256x64xf32> -> vector<256x64xf32>
    %get3A_565 = arith.constant 0 : index
    %get3A_566 = arith.constant 0 : index
    %get3A_567 = vector.load %arg5[%get3A_565, %get3A_566] : memref<1x64xf32, #tpu.memory_space<vmem>>, vector<1x64xf32>
    %add3A_568 = vector.broadcast %get3A_567 : vector<1x64xf32> to vector<256x64xf32>
    %add3A_569 = arith.addf %dot_general3A_564, %add3A_568 : vector<256x64xf32>
    %max3A_570 = arith.constant 0.000000e+00 : f32
    %max3A_571 = vector.broadcast %max3A_570 : f32 to vector<256x64xf32>
    %max3A_572 = arith.maximumf %add3A_569, %max3A_571 : vector<256x64xf32>
    %jit3A_573 = arith.constant 0.000000e+00 : f32
    %broadcast_in_dim3A_574 = vector.shape_cast %lt3A_14 : vector<256x1xi1> to vector<256x1xi1>
    %broadcast_in_dim3A_575 = vector.broadcast %broadcast_in_dim3A_574 : vector<256x1xi1> to vector<256x64xi1>
    %broadcast_in_dim3A_576 = vector.broadcast %jit3A_573 : f32 to vector<256x64xf32>
    %select_n3A_577 = arith.select %broadcast_in_dim3A_575, %max3A_572, %broadcast_in_dim3A_576 : vector<256x64xi1>, vector<256x64xf32>
    %reduce_sum3A_578 = arith.constant dense<0.000000e+00> : vector<64xf32>
    %reduce_sum3A_579 = vector.multi_reduction <add>, %select_n3A_577, %reduce_sum3A_578 [0] : vector<256x64xf32> to vector<64xf32>
    %broadcast_in_dim3A_580 = vector.shape_cast %reduce_sum3A_579 : vector<64xf32> to vector<1x64xf32>
    %slice3A_581 = vector.extract_strided_slice %mul3A_9 {offsets = [0, 1664], sizes = [256, 64], strides = [1, 1]} : vector<256x2048xf32> to vector<256x64xf32>
    %get3A_582 = arith.constant 0 : index
    %get3A_583 = arith.constant 0 : index
    %get3A_584 = vector.load %arg4[%get3A_582, %get3A_583] : memref<64x64xf32, #tpu.memory_space<vmem>>, vector<64x64xf32>
    %dot_general3A_585 = arith.constant dense<0.000000e+00> : vector<256x64xf32>
    %dot_general3A_586 = tpu.matmul %slice3A_581, %get3A_584, %dot_general3A_585 {dimension_numbers = #tpu.dot_dimension_numbers<[1], [0], [0], [1], [0, 0, 1, 1], [], []>, transpose_lhs_hint = false} : vector<256x64xf32>, vector<64x64xf32>, vector<256x64xf32> -> vector<256x64xf32>
    %get3A_587 = arith.constant 0 : index
    %get3A_588 = arith.constant 0 : index
    %get3A_589 = vector.load %arg5[%get3A_587, %get3A_588] : memref<1x64xf32, #tpu.memory_space<vmem>>, vector<1x64xf32>
    %add3A_590 = vector.broadcast %get3A_589 : vector<1x64xf32> to vector<256x64xf32>
    %add3A_591 = arith.addf %dot_general3A_586, %add3A_590 : vector<256x64xf32>
    %max3A_592 = arith.constant 0.000000e+00 : f32
    %max3A_593 = vector.broadcast %max3A_592 : f32 to vector<256x64xf32>
    %max3A_594 = arith.maximumf %add3A_591, %max3A_593 : vector<256x64xf32>
    %jit3A_595 = arith.constant 0.000000e+00 : f32
    %broadcast_in_dim3A_596 = vector.shape_cast %lt3A_14 : vector<256x1xi1> to vector<256x1xi1>
    %broadcast_in_dim3A_597 = vector.broadcast %broadcast_in_dim3A_596 : vector<256x1xi1> to vector<256x64xi1>
    %broadcast_in_dim3A_598 = vector.broadcast %jit3A_595 : f32 to vector<256x64xf32>
    %select_n3A_599 = arith.select %broadcast_in_dim3A_597, %max3A_594, %broadcast_in_dim3A_598 : vector<256x64xi1>, vector<256x64xf32>
    %reduce_sum3A_600 = arith.constant dense<0.000000e+00> : vector<64xf32>
    %reduce_sum3A_601 = vector.multi_reduction <add>, %select_n3A_599, %reduce_sum3A_600 [0] : vector<256x64xf32> to vector<64xf32>
    %broadcast_in_dim3A_602 = vector.shape_cast %reduce_sum3A_601 : vector<64xf32> to vector<1x64xf32>
    %slice3A_603 = vector.extract_strided_slice %mul3A_9 {offsets = [0, 1728], sizes = [256, 64], strides = [1, 1]} : vector<256x2048xf32> to vector<256x64xf32>
    %get3A_604 = arith.constant 0 : index
    %get3A_605 = arith.constant 0 : index
    %get3A_606 = vector.load %arg4[%get3A_604, %get3A_605] : memref<64x64xf32, #tpu.memory_space<vmem>>, vector<64x64xf32>
    %dot_general3A_607 = arith.constant dense<0.000000e+00> : vector<256x64xf32>
    %dot_general3A_608 = tpu.matmul %slice3A_603, %get3A_606, %dot_general3A_607 {dimension_numbers = #tpu.dot_dimension_numbers<[1], [0], [0], [1], [0, 0, 1, 1], [], []>, transpose_lhs_hint = false} : vector<256x64xf32>, vector<64x64xf32>, vector<256x64xf32> -> vector<256x64xf32>
    %get3A_609 = arith.constant 0 : index
    %get3A_610 = arith.constant 0 : index
    %get3A_611 = vector.load %arg5[%get3A_609, %get3A_610] : memref<1x64xf32, #tpu.memory_space<vmem>>, vector<1x64xf32>
    %add3A_612 = vector.broadcast %get3A_611 : vector<1x64xf32> to vector<256x64xf32>
    %add3A_613 = arith.addf %dot_general3A_608, %add3A_612 : vector<256x64xf32>
    %max3A_614 = arith.constant 0.000000e+00 : f32
    %max3A_615 = vector.broadcast %max3A_614 : f32 to vector<256x64xf32>
    %max3A_616 = arith.maximumf %add3A_613, %max3A_615 : vector<256x64xf32>
    %jit3A_617 = arith.constant 0.000000e+00 : f32
    %broadcast_in_dim3A_618 = vector.shape_cast %lt3A_14 : vector<256x1xi1> to vector<256x1xi1>
    %broadcast_in_dim3A_619 = vector.broadcast %broadcast_in_dim3A_618 : vector<256x1xi1> to vector<256x64xi1>
    %broadcast_in_dim3A_620 = vector.broadcast %jit3A_617 : f32 to vector<256x64xf32>
    %select_n3A_621 = arith.select %broadcast_in_dim3A_619, %max3A_616, %broadcast_in_dim3A_620 : vector<256x64xi1>, vector<256x64xf32>
    %reduce_sum3A_622 = arith.constant dense<0.000000e+00> : vector<64xf32>
    %reduce_sum3A_623 = vector.multi_reduction <add>, %select_n3A_621, %reduce_sum3A_622 [0] : vector<256x64xf32> to vector<64xf32>
    %broadcast_in_dim3A_624 = vector.shape_cast %reduce_sum3A_623 : vector<64xf32> to vector<1x64xf32>
    %slice3A_625 = vector.extract_strided_slice %mul3A_9 {offsets = [0, 1792], sizes = [256, 64], strides = [1, 1]} : vector<256x2048xf32> to vector<256x64xf32>
    %get3A_626 = arith.constant 0 : index
    %get3A_627 = arith.constant 0 : index
    %get3A_628 = vector.load %arg4[%get3A_626, %get3A_627] : memref<64x64xf32, #tpu.memory_space<vmem>>, vector<64x64xf32>
    %dot_general3A_629 = arith.constant dense<0.000000e+00> : vector<256x64xf32>
    %dot_general3A_630 = tpu.matmul %slice3A_625, %get3A_628, %dot_general3A_629 {dimension_numbers = #tpu.dot_dimension_numbers<[1], [0], [0], [1], [0, 0, 1, 1], [], []>, transpose_lhs_hint = false} : vector<256x64xf32>, vector<64x64xf32>, vector<256x64xf32> -> vector<256x64xf32>
    %get3A_631 = arith.constant 0 : index
    %get3A_632 = arith.constant 0 : index
    %get3A_633 = vector.load %arg5[%get3A_631, %get3A_632] : memref<1x64xf32, #tpu.memory_space<vmem>>, vector<1x64xf32>
    %add3A_634 = vector.broadcast %get3A_633 : vector<1x64xf32> to vector<256x64xf32>
    %add3A_635 = arith.addf %dot_general3A_630, %add3A_634 : vector<256x64xf32>
    %max3A_636 = arith.constant 0.000000e+00 : f32
    %max3A_637 = vector.broadcast %max3A_636 : f32 to vector<256x64xf32>
    %max3A_638 = arith.maximumf %add3A_635, %max3A_637 : vector<256x64xf32>
    %jit3A_639 = arith.constant 0.000000e+00 : f32
    %broadcast_in_dim3A_640 = vector.shape_cast %lt3A_14 : vector<256x1xi1> to vector<256x1xi1>
    %broadcast_in_dim3A_641 = vector.broadcast %broadcast_in_dim3A_640 : vector<256x1xi1> to vector<256x64xi1>
    %broadcast_in_dim3A_642 = vector.broadcast %jit3A_639 : f32 to vector<256x64xf32>
    %select_n3A_643 = arith.select %broadcast_in_dim3A_641, %max3A_638, %broadcast_in_dim3A_642 : vector<256x64xi1>, vector<256x64xf32>
    %reduce_sum3A_644 = arith.constant dense<0.000000e+00> : vector<64xf32>
    %reduce_sum3A_645 = vector.multi_reduction <add>, %select_n3A_643, %reduce_sum3A_644 [0] : vector<256x64xf32> to vector<64xf32>
    %broadcast_in_dim3A_646 = vector.shape_cast %reduce_sum3A_645 : vector<64xf32> to vector<1x64xf32>
    %slice3A_647 = vector.extract_strided_slice %mul3A_9 {offsets = [0, 1856], sizes = [256, 64], strides = [1, 1]} : vector<256x2048xf32> to vector<256x64xf32>
    %get3A_648 = arith.constant 0 : index
    %get3A_649 = arith.constant 0 : index
    %get3A_650 = vector.load %arg4[%get3A_648, %get3A_649] : memref<64x64xf32, #tpu.memory_space<vmem>>, vector<64x64xf32>
    %dot_general3A_651 = arith.constant dense<0.000000e+00> : vector<256x64xf32>
    %dot_general3A_652 = tpu.matmul %slice3A_647, %get3A_650, %dot_general3A_651 {dimension_numbers = #tpu.dot_dimension_numbers<[1], [0], [0], [1], [0, 0, 1, 1], [], []>, transpose_lhs_hint = false} : vector<256x64xf32>, vector<64x64xf32>, vector<256x64xf32> -> vector<256x64xf32>
    %get3A_653 = arith.constant 0 : index
    %get3A_654 = arith.constant 0 : index
    %get3A_655 = vector.load %arg5[%get3A_653, %get3A_654] : memref<1x64xf32, #tpu.memory_space<vmem>>, vector<1x64xf32>
    %add3A_656 = vector.broadcast %get3A_655 : vector<1x64xf32> to vector<256x64xf32>
    %add3A_657 = arith.addf %dot_general3A_652, %add3A_656 : vector<256x64xf32>
    %max3A_658 = arith.constant 0.000000e+00 : f32
    %max3A_659 = vector.broadcast %max3A_658 : f32 to vector<256x64xf32>
    %max3A_660 = arith.maximumf %add3A_657, %max3A_659 : vector<256x64xf32>
    %jit3A_661 = arith.constant 0.000000e+00 : f32
    %broadcast_in_dim3A_662 = vector.shape_cast %lt3A_14 : vector<256x1xi1> to vector<256x1xi1>
    %broadcast_in_dim3A_663 = vector.broadcast %broadcast_in_dim3A_662 : vector<256x1xi1> to vector<256x64xi1>
    %broadcast_in_dim3A_664 = vector.broadcast %jit3A_661 : f32 to vector<256x64xf32>
    %select_n3A_665 = arith.select %broadcast_in_dim3A_663, %max3A_660, %broadcast_in_dim3A_664 : vector<256x64xi1>, vector<256x64xf32>
    %reduce_sum3A_666 = arith.constant dense<0.000000e+00> : vector<64xf32>
    %reduce_sum3A_667 = vector.multi_reduction <add>, %select_n3A_665, %reduce_sum3A_666 [0] : vector<256x64xf32> to vector<64xf32>
    %broadcast_in_dim3A_668 = vector.shape_cast %reduce_sum3A_667 : vector<64xf32> to vector<1x64xf32>
    %slice3A_669 = vector.extract_strided_slice %mul3A_9 {offsets = [0, 1920], sizes = [256, 64], strides = [1, 1]} : vector<256x2048xf32> to vector<256x64xf32>
    %get3A_670 = arith.constant 0 : index
    %get3A_671 = arith.constant 0 : index
    %get3A_672 = vector.load %arg4[%get3A_670, %get3A_671] : memref<64x64xf32, #tpu.memory_space<vmem>>, vector<64x64xf32>
    %dot_general3A_673 = arith.constant dense<0.000000e+00> : vector<256x64xf32>
    %dot_general3A_674 = tpu.matmul %slice3A_669, %get3A_672, %dot_general3A_673 {dimension_numbers = #tpu.dot_dimension_numbers<[1], [0], [0], [1], [0, 0, 1, 1], [], []>, transpose_lhs_hint = false} : vector<256x64xf32>, vector<64x64xf32>, vector<256x64xf32> -> vector<256x64xf32>
    %get3A_675 = arith.constant 0 : index
    %get3A_676 = arith.constant 0 : index
    %get3A_677 = vector.load %arg5[%get3A_675, %get3A_676] : memref<1x64xf32, #tpu.memory_space<vmem>>, vector<1x64xf32>
    %add3A_678 = vector.broadcast %get3A_677 : vector<1x64xf32> to vector<256x64xf32>
    %add3A_679 = arith.addf %dot_general3A_674, %add3A_678 : vector<256x64xf32>
    %max3A_680 = arith.constant 0.000000e+00 : f32
    %max3A_681 = vector.broadcast %max3A_680 : f32 to vector<256x64xf32>
    %max3A_682 = arith.maximumf %add3A_679, %max3A_681 : vector<256x64xf32>
    %jit3A_683 = arith.constant 0.000000e+00 : f32
    %broadcast_in_dim3A_684 = vector.shape_cast %lt3A_14 : vector<256x1xi1> to vector<256x1xi1>
    %broadcast_in_dim3A_685 = vector.broadcast %broadcast_in_dim3A_684 : vector<256x1xi1> to vector<256x64xi1>
    %broadcast_in_dim3A_686 = vector.broadcast %jit3A_683 : f32 to vector<256x64xf32>
    %select_n3A_687 = arith.select %broadcast_in_dim3A_685, %max3A_682, %broadcast_in_dim3A_686 : vector<256x64xi1>, vector<256x64xf32>
    %reduce_sum3A_688 = arith.constant dense<0.000000e+00> : vector<64xf32>
    %reduce_sum3A_689 = vector.multi_reduction <add>, %select_n3A_687, %reduce_sum3A_688 [0] : vector<256x64xf32> to vector<64xf32>
    %broadcast_in_dim3A_690 = vector.shape_cast %reduce_sum3A_689 : vector<64xf32> to vector<1x64xf32>
    %slice3A_691 = vector.extract_strided_slice %mul3A_9 {offsets = [0, 1984], sizes = [256, 64], strides = [1, 1]} : vector<256x2048xf32> to vector<256x64xf32>
    %get3A_692 = arith.constant 0 : index
    %get3A_693 = arith.constant 0 : index
    %get3A_694 = vector.load %arg4[%get3A_692, %get3A_693] : memref<64x64xf32, #tpu.memory_space<vmem>>, vector<64x64xf32>
    %dot_general3A_695 = arith.constant dense<0.000000e+00> : vector<256x64xf32>
    %dot_general3A_696 = tpu.matmul %slice3A_691, %get3A_694, %dot_general3A_695 {dimension_numbers = #tpu.dot_dimension_numbers<[1], [0], [0], [1], [0, 0, 1, 1], [], []>, transpose_lhs_hint = false} : vector<256x64xf32>, vector<64x64xf32>, vector<256x64xf32> -> vector<256x64xf32>
    %get3A_697 = arith.constant 0 : index
    %get3A_698 = arith.constant 0 : index
    %get3A_699 = vector.load %arg5[%get3A_697, %get3A_698] : memref<1x64xf32, #tpu.memory_space<vmem>>, vector<1x64xf32>
    %add3A_700 = vector.broadcast %get3A_699 : vector<1x64xf32> to vector<256x64xf32>
    %add3A_701 = arith.addf %dot_general3A_696, %add3A_700 : vector<256x64xf32>
    %max3A_702 = arith.constant 0.000000e+00 : f32
    %max3A_703 = vector.broadcast %max3A_702 : f32 to vector<256x64xf32>
    %max3A_704 = arith.maximumf %add3A_701, %max3A_703 : vector<256x64xf32>
    %jit3A_705 = arith.constant 0.000000e+00 : f32
    %broadcast_in_dim3A_706 = vector.shape_cast %lt3A_14 : vector<256x1xi1> to vector<256x1xi1>
    %broadcast_in_dim3A_707 = vector.broadcast %broadcast_in_dim3A_706 : vector<256x1xi1> to vector<256x64xi1>
    %broadcast_in_dim3A_708 = vector.broadcast %jit3A_705 : f32 to vector<256x64xf32>
    %select_n3A_709 = arith.select %broadcast_in_dim3A_707, %max3A_704, %broadcast_in_dim3A_708 : vector<256x64xi1>, vector<256x64xf32>
    %reduce_sum3A_710 = arith.constant dense<0.000000e+00> : vector<64xf32>
    %reduce_sum3A_711 = vector.multi_reduction <add>, %select_n3A_709, %reduce_sum3A_710 [0] : vector<256x64xf32> to vector<64xf32>
    %broadcast_in_dim3A_712 = vector.shape_cast %reduce_sum3A_711 : vector<64xf32> to vector<1x64xf32>
    %concatenate3A = tpu.concatenate %broadcast_in_dim3A_30, %broadcast_in_dim3A_52, %broadcast_in_dim3A_74, %broadcast_in_dim3A_96, %broadcast_in_dim3A_118, %broadcast_in_dim3A_140, %broadcast_in_dim3A_162, %broadcast_in_dim3A_184, %broadcast_in_dim3A_206, %broadcast_in_dim3A_228, %broadcast_in_dim3A_250, %broadcast_in_dim3A_272, %broadcast_in_dim3A_294, %broadcast_in_dim3A_316, %broadcast_in_dim3A_338, %broadcast_in_dim3A_360, %broadcast_in_dim3A_382, %broadcast_in_dim3A_404, %broadcast_in_dim3A_426, %broadcast_in_dim3A_448, %broadcast_in_dim3A_470, %broadcast_in_dim3A_492, %broadcast_in_dim3A_514, %broadcast_in_dim3A_536, %broadcast_in_dim3A_558, %broadcast_in_dim3A_580, %broadcast_in_dim3A_602, %broadcast_in_dim3A_624, %broadcast_in_dim3A_646, %broadcast_in_dim3A_668, %broadcast_in_dim3A_690, %broadcast_in_dim3A_712 in 0 : vector<1x64xf32>, vector<1x64xf32>, vector<1x64xf32>, vector<1x64xf32>, vector<1x64xf32>, vector<1x64xf32>, vector<1x64xf32>, vector<1x64xf32>, vector<1x64xf32>, vector<1x64xf32>, vector<1x64xf32>, vector<1x64xf32>, vector<1x64xf32>, vector<1x64xf32>, vector<1x64xf32>, vector<1x64xf32>, vector<1x64xf32>, vector<1x64xf32>, vector<1x64xf32>, vector<1x64xf32>, vector<1x64xf32>, vector<1x64xf32>, vector<1x64xf32>, vector<1x64xf32>, vector<1x64xf32>, vector<1x64xf32>, vector<1x64xf32>, vector<1x64xf32>, vector<1x64xf32>, vector<1x64xf32>, vector<1x64xf32>, vector<1x64xf32> -> vector<32x64xf32>
    %broadcast_in_dim3A_713 = vector.shape_cast %concatenate3A : vector<32x64xf32> to vector<1x32x64xf32>
    %swap3A = arith.constant 0 : index
    %swap3A_714 = arith.constant 0 : index
    %swap3A_715 = arith.constant 0 : index
    %swap3A_716 = vector.load %arg6[%swap3A, %swap3A_714, %swap3A_715] : memref<1x32x64xf32, #tpu.memory_space<vmem>>, vector<1x32x64xf32>
    tpu.vector_store %arg6[%swap3A, %swap3A_714, %swap3A_715], %broadcast_in_dim3A_713 {strides = array<i32>} : memref<1x32x64xf32, #tpu.memory_space<vmem>>, vector<1x32x64xf32>,
    return
  }
  func.func @transform_0(%arg0: i32) -> (i32, i32) {
    %c0_i32 = arith.constant 0 : i32
    %c0_i32_0 = arith.constant 0 : i32
    return %arg0, %c0_i32 : i32, i32
  }
  func.func @transform_1(%arg0: i32) -> (i32, i32) {
    %c0_i32 = arith.constant 0 : i32
    %c0_i32_0 = arith.constant 0 : i32
    %c0_i32_1 = arith.constant 0 : i32
    return %c0_i32, %c0_i32_0 : i32, i32
  }
  func.func @transform_2(%arg0: i32) -> (i32, i32) {
    %c0_i32 = arith.constant 0 : i32
    %c0_i32_0 = arith.constant 0 : i32
    return %arg0, %c0_i32 : i32, i32
  }
  func.func @transform_3(%arg0: i32) -> (i32, i32) {
    %c0_i32 = arith.constant 0 : i32
    %c0_i32_0 = arith.constant 0 : i32
    %c0_i32_1 = arith.constant 0 : i32
    return %c0_i32, %c0_i32_0 : i32, i32
  }
  func.func @transform_4(%arg0: i32) -> (i32, i32) {
    %c0_i32 = arith.constant 0 : i32
    %c0_i32_0 = arith.constant 0 : i32
    %c0_i32_1 = arith.constant 0 : i32
    return %c0_i32, %c0_i32_0 : i32, i32
  }
  func.func @transform_5(%arg0: i32) -> (i32, i32, i32) {
    %c0_i32 = arith.constant 0 : i32
    %c0_i32_0 = arith.constant 0 : i32
    %c0_i32_1 = arith.constant 0 : i32
    return %arg0, %c0_i32, %c0_i32_0 : i32, i32, i32
  }
}

module attributes {stable_mosaic.version = 14 : i64} {
  func.func @_lstm_kernel(%arg0: memref<8x32x64xf32, #tpu.memory_space<vmem>>, %arg1: memref<64x256xf32, #tpu.memory_space<vmem>>, %arg2: memref<64x256xf32, #tpu.memory_space<vmem>>, %arg3: memref<1x256xf32, #tpu.memory_space<vmem>>, %arg4: memref<1x256xf32, #tpu.memory_space<vmem>>, %arg5: memref<64x256xf32, #tpu.memory_space<vmem>>, %arg6: memref<64x256xf32, #tpu.memory_space<vmem>>, %arg7: memref<1x256xf32, #tpu.memory_space<vmem>>, %arg8: memref<1x256xf32, #tpu.memory_space<vmem>>, %arg9: memref<64x2xf32, #tpu.memory_space<vmem>>, %arg10: memref<1x2xf32, #tpu.memory_space<vmem>>, %arg11: memref<2x2xf32, #tpu.memory_space<vmem>>) attributes {dimension_semantics = [], scalar_prefetch = 0 : i64, scratch_operands = 0 : i64, tpu.core_type = #tpu.core_type<tc>} {
    %get3A = arith.constant 0 : index
    %get3A_0 = arith.constant 0 : index
    %get3A_1 = arith.constant 0 : index
    %get3A_2 = vector.load %arg0[%get3A, %get3A_0, %get3A_1] : memref<8x32x64xf32, #tpu.memory_space<vmem>>, vector<8x32x64xf32>
    %reduce_sum3A = arith.constant dense<0.000000e+00> : vector<32x64xf32>
    %reduce_sum3A_3 = vector.multi_reduction <add>, %get3A_2, %reduce_sum3A [0] : vector<8x32x64xf32> to vector<32x64xf32>
    %mul3A = arith.constant 5.000000e-04 : f32
    %mul3A_4 = vector.broadcast %mul3A : f32 to vector<32x64xf32>
    %mul3A_5 = arith.mulf %reduce_sum3A_3, %mul3A_4 : vector<32x64xf32>
    %get3A_6 = arith.constant 0 : index
    %get3A_7 = arith.constant 0 : index
    %get3A_8 = vector.load %arg1[%get3A_6, %get3A_7] : memref<64x256xf32, #tpu.memory_space<vmem>>, vector<64x256xf32>
    %get3A_9 = arith.constant 0 : index
    %get3A_10 = arith.constant 0 : index
    %get3A_11 = vector.load %arg2[%get3A_9, %get3A_10] : memref<64x256xf32, #tpu.memory_space<vmem>>, vector<64x256xf32>
    %get3A_12 = arith.constant 0 : index
    %get3A_13 = arith.constant 0 : index
    %get3A_14 = vector.load %arg3[%get3A_12, %get3A_13] : memref<1x256xf32, #tpu.memory_space<vmem>>, vector<1x256xf32>
    %get3A_15 = arith.constant 0 : index
    %get3A_16 = arith.constant 0 : index
    %get3A_17 = vector.load %arg4[%get3A_15, %get3A_16] : memref<1x256xf32, #tpu.memory_space<vmem>>, vector<1x256xf32>
    %add3A = arith.addf %get3A_14, %get3A_17 : vector<1x256xf32>
    %broadcast_in_dim3A = arith.constant 0.000000e+00 : f32
    %broadcast_in_dim3A_18 = vector.broadcast %broadcast_in_dim3A : f32 to vector<2x64xf32>
    %broadcast_in_dim3A_19 = arith.constant 0.000000e+00 : f32
    %broadcast_in_dim3A_20 = vector.broadcast %broadcast_in_dim3A_19 : f32 to vector<2x64xf32>
    %slice3A = vector.extract_strided_slice %mul3A_5 {offsets = [0, 0], sizes = [1, 64], strides = [1, 1]} : vector<32x64xf32> to vector<1x64xf32>
    %slice3A_21 = vector.extract_strided_slice %mul3A_5 {offsets = [16, 0], sizes = [1, 64], strides = [1, 1]} : vector<32x64xf32> to vector<1x64xf32>
    %concatenate3A = tpu.concatenate %slice3A, %slice3A_21 in 0 : vector<1x64xf32>, vector<1x64xf32> -> vector<2x64xf32>
    %dot_general3A = arith.constant dense<0.000000e+00> : vector<2x256xf32>
    %dot_general3A_22 = tpu.matmul %concatenate3A, %get3A_8, %dot_general3A {dimension_numbers = #tpu.dot_dimension_numbers<[1], [0], [0], [1], [0, 0, 1, 1], [], []>, transpose_lhs_hint = false} : vector<2x64xf32>, vector<64x256xf32>, vector<2x256xf32> -> vector<2x256xf32>
    %dot_general3A_23 = arith.constant dense<0.000000e+00> : vector<2x256xf32>
    %dot_general3A_24 = tpu.matmul %broadcast_in_dim3A_18, %get3A_11, %dot_general3A_23 {dimension_numbers = #tpu.dot_dimension_numbers<[1], [0], [0], [1], [0, 0, 1, 1], [], []>, transpose_lhs_hint = false} : vector<2x64xf32>, vector<64x256xf32>, vector<2x256xf32> -> vector<2x256xf32>
    %add3A_25 = arith.addf %dot_general3A_22, %dot_general3A_24 : vector<2x256xf32>
    %add3A_26 = vector.broadcast %add3A : vector<1x256xf32> to vector<2x256xf32>
    %add3A_27 = arith.addf %add3A_25, %add3A_26 : vector<2x256xf32>
    %slice3A_28 = vector.extract_strided_slice %add3A_27 {offsets = [0, 0], sizes = [2, 64], strides = [1, 1]} : vector<2x256xf32> to vector<2x64xf32>
    %logistic3A = arith.negf %slice3A_28 : vector<2x64xf32>
    %logistic3A_29 = math.exp %logistic3A : vector<2x64xf32>
    %logistic3A_30 = arith.constant 1.000000e+00 : f32
    %logistic3A_31 = vector.broadcast %logistic3A_30 : f32 to vector<2x64xf32>
    %logistic3A_32 = arith.addf %logistic3A_31, %logistic3A_29 : vector<2x64xf32>
    %logistic3A_33 = arith.divf %logistic3A_31, %logistic3A_32 : vector<2x64xf32>
    %slice3A_34 = vector.extract_strided_slice %add3A_27 {offsets = [0, 64], sizes = [2, 64], strides = [1, 1]} : vector<2x256xf32> to vector<2x64xf32>
    %logistic3A_35 = arith.negf %slice3A_34 : vector<2x64xf32>
    %logistic3A_36 = math.exp %logistic3A_35 : vector<2x64xf32>
    %logistic3A_37 = arith.constant 1.000000e+00 : f32
    %logistic3A_38 = vector.broadcast %logistic3A_37 : f32 to vector<2x64xf32>
    %logistic3A_39 = arith.addf %logistic3A_38, %logistic3A_36 : vector<2x64xf32>
    %logistic3A_40 = arith.divf %logistic3A_38, %logistic3A_39 : vector<2x64xf32>
    %slice3A_41 = vector.extract_strided_slice %add3A_27 {offsets = [0, 128], sizes = [2, 64], strides = [1, 1]} : vector<2x256xf32> to vector<2x64xf32>
    %tanh3A = math.tanh %slice3A_41 : vector<2x64xf32>
    %slice3A_42 = vector.extract_strided_slice %add3A_27 {offsets = [0, 192], sizes = [2, 64], strides = [1, 1]} : vector<2x256xf32> to vector<2x64xf32>
    %logistic3A_43 = arith.negf %slice3A_42 : vector<2x64xf32>
    %logistic3A_44 = math.exp %logistic3A_43 : vector<2x64xf32>
    %logistic3A_45 = arith.constant 1.000000e+00 : f32
    %logistic3A_46 = vector.broadcast %logistic3A_45 : f32 to vector<2x64xf32>
    %logistic3A_47 = arith.addf %logistic3A_46, %logistic3A_44 : vector<2x64xf32>
    %logistic3A_48 = arith.divf %logistic3A_46, %logistic3A_47 : vector<2x64xf32>
    %mul3A_49 = arith.mulf %logistic3A_40, %broadcast_in_dim3A_20 : vector<2x64xf32>
    %mul3A_50 = arith.mulf %logistic3A_33, %tanh3A : vector<2x64xf32>
    %add3A_51 = arith.addf %mul3A_49, %mul3A_50 : vector<2x64xf32>
    %tanh3A_52 = math.tanh %add3A_51 : vector<2x64xf32>
    %mul3A_53 = arith.mulf %logistic3A_48, %tanh3A_52 : vector<2x64xf32>
    %slice3A_54 = vector.extract_strided_slice %mul3A_5 {offsets = [1, 0], sizes = [1, 64], strides = [1, 1]} : vector<32x64xf32> to vector<1x64xf32>
    %slice3A_55 = vector.extract_strided_slice %mul3A_5 {offsets = [17, 0], sizes = [1, 64], strides = [1, 1]} : vector<32x64xf32> to vector<1x64xf32>
    %concatenate3A_56 = tpu.concatenate %slice3A_54, %slice3A_55 in 0 : vector<1x64xf32>, vector<1x64xf32> -> vector<2x64xf32>
    %dot_general3A_57 = arith.constant dense<0.000000e+00> : vector<2x256xf32>
    %dot_general3A_58 = tpu.matmul %concatenate3A_56, %get3A_8, %dot_general3A_57 {dimension_numbers = #tpu.dot_dimension_numbers<[1], [0], [0], [1], [0, 0, 1, 1], [], []>, transpose_lhs_hint = false} : vector<2x64xf32>, vector<64x256xf32>, vector<2x256xf32> -> vector<2x256xf32>
    %dot_general3A_59 = arith.constant dense<0.000000e+00> : vector<2x256xf32>
    %dot_general3A_60 = tpu.matmul %mul3A_53, %get3A_11, %dot_general3A_59 {dimension_numbers = #tpu.dot_dimension_numbers<[1], [0], [0], [1], [0, 0, 1, 1], [], []>, transpose_lhs_hint = false} : vector<2x64xf32>, vector<64x256xf32>, vector<2x256xf32> -> vector<2x256xf32>
    %add3A_61 = arith.addf %dot_general3A_58, %dot_general3A_60 : vector<2x256xf32>
    %add3A_62 = vector.broadcast %add3A : vector<1x256xf32> to vector<2x256xf32>
    %add3A_63 = arith.addf %add3A_61, %add3A_62 : vector<2x256xf32>
    %slice3A_64 = vector.extract_strided_slice %add3A_63 {offsets = [0, 0], sizes = [2, 64], strides = [1, 1]} : vector<2x256xf32> to vector<2x64xf32>
    %logistic3A_65 = arith.negf %slice3A_64 : vector<2x64xf32>
    %logistic3A_66 = math.exp %logistic3A_65 : vector<2x64xf32>
    %logistic3A_67 = arith.constant 1.000000e+00 : f32
    %logistic3A_68 = vector.broadcast %logistic3A_67 : f32 to vector<2x64xf32>
    %logistic3A_69 = arith.addf %logistic3A_68, %logistic3A_66 : vector<2x64xf32>
    %logistic3A_70 = arith.divf %logistic3A_68, %logistic3A_69 : vector<2x64xf32>
    %slice3A_71 = vector.extract_strided_slice %add3A_63 {offsets = [0, 64], sizes = [2, 64], strides = [1, 1]} : vector<2x256xf32> to vector<2x64xf32>
    %logistic3A_72 = arith.negf %slice3A_71 : vector<2x64xf32>
    %logistic3A_73 = math.exp %logistic3A_72 : vector<2x64xf32>
    %logistic3A_74 = arith.constant 1.000000e+00 : f32
    %logistic3A_75 = vector.broadcast %logistic3A_74 : f32 to vector<2x64xf32>
    %logistic3A_76 = arith.addf %logistic3A_75, %logistic3A_73 : vector<2x64xf32>
    %logistic3A_77 = arith.divf %logistic3A_75, %logistic3A_76 : vector<2x64xf32>
    %slice3A_78 = vector.extract_strided_slice %add3A_63 {offsets = [0, 128], sizes = [2, 64], strides = [1, 1]} : vector<2x256xf32> to vector<2x64xf32>
    %tanh3A_79 = math.tanh %slice3A_78 : vector<2x64xf32>
    %slice3A_80 = vector.extract_strided_slice %add3A_63 {offsets = [0, 192], sizes = [2, 64], strides = [1, 1]} : vector<2x256xf32> to vector<2x64xf32>
    %logistic3A_81 = arith.negf %slice3A_80 : vector<2x64xf32>
    %logistic3A_82 = math.exp %logistic3A_81 : vector<2x64xf32>
    %logistic3A_83 = arith.constant 1.000000e+00 : f32
    %logistic3A_84 = vector.broadcast %logistic3A_83 : f32 to vector<2x64xf32>
    %logistic3A_85 = arith.addf %logistic3A_84, %logistic3A_82 : vector<2x64xf32>
    %logistic3A_86 = arith.divf %logistic3A_84, %logistic3A_85 : vector<2x64xf32>
    %mul3A_87 = arith.mulf %logistic3A_77, %add3A_51 : vector<2x64xf32>
    %mul3A_88 = arith.mulf %logistic3A_70, %tanh3A_79 : vector<2x64xf32>
    %add3A_89 = arith.addf %mul3A_87, %mul3A_88 : vector<2x64xf32>
    %tanh3A_90 = math.tanh %add3A_89 : vector<2x64xf32>
    %mul3A_91 = arith.mulf %logistic3A_86, %tanh3A_90 : vector<2x64xf32>
    %slice3A_92 = vector.extract_strided_slice %mul3A_5 {offsets = [2, 0], sizes = [1, 64], strides = [1, 1]} : vector<32x64xf32> to vector<1x64xf32>
    %slice3A_93 = vector.extract_strided_slice %mul3A_5 {offsets = [18, 0], sizes = [1, 64], strides = [1, 1]} : vector<32x64xf32> to vector<1x64xf32>
    %concatenate3A_94 = tpu.concatenate %slice3A_92, %slice3A_93 in 0 : vector<1x64xf32>, vector<1x64xf32> -> vector<2x64xf32>
    %dot_general3A_95 = arith.constant dense<0.000000e+00> : vector<2x256xf32>
    %dot_general3A_96 = tpu.matmul %concatenate3A_94, %get3A_8, %dot_general3A_95 {dimension_numbers = #tpu.dot_dimension_numbers<[1], [0], [0], [1], [0, 0, 1, 1], [], []>, transpose_lhs_hint = false} : vector<2x64xf32>, vector<64x256xf32>, vector<2x256xf32> -> vector<2x256xf32>
    %dot_general3A_97 = arith.constant dense<0.000000e+00> : vector<2x256xf32>
    %dot_general3A_98 = tpu.matmul %mul3A_91, %get3A_11, %dot_general3A_97 {dimension_numbers = #tpu.dot_dimension_numbers<[1], [0], [0], [1], [0, 0, 1, 1], [], []>, transpose_lhs_hint = false} : vector<2x64xf32>, vector<64x256xf32>, vector<2x256xf32> -> vector<2x256xf32>
    %add3A_99 = arith.addf %dot_general3A_96, %dot_general3A_98 : vector<2x256xf32>
    %add3A_100 = vector.broadcast %add3A : vector<1x256xf32> to vector<2x256xf32>
    %add3A_101 = arith.addf %add3A_99, %add3A_100 : vector<2x256xf32>
    %slice3A_102 = vector.extract_strided_slice %add3A_101 {offsets = [0, 0], sizes = [2, 64], strides = [1, 1]} : vector<2x256xf32> to vector<2x64xf32>
    %logistic3A_103 = arith.negf %slice3A_102 : vector<2x64xf32>
    %logistic3A_104 = math.exp %logistic3A_103 : vector<2x64xf32>
    %logistic3A_105 = arith.constant 1.000000e+00 : f32
    %logistic3A_106 = vector.broadcast %logistic3A_105 : f32 to vector<2x64xf32>
    %logistic3A_107 = arith.addf %logistic3A_106, %logistic3A_104 : vector<2x64xf32>
    %logistic3A_108 = arith.divf %logistic3A_106, %logistic3A_107 : vector<2x64xf32>
    %slice3A_109 = vector.extract_strided_slice %add3A_101 {offsets = [0, 64], sizes = [2, 64], strides = [1, 1]} : vector<2x256xf32> to vector<2x64xf32>
    %logistic3A_110 = arith.negf %slice3A_109 : vector<2x64xf32>
    %logistic3A_111 = math.exp %logistic3A_110 : vector<2x64xf32>
    %logistic3A_112 = arith.constant 1.000000e+00 : f32
    %logistic3A_113 = vector.broadcast %logistic3A_112 : f32 to vector<2x64xf32>
    %logistic3A_114 = arith.addf %logistic3A_113, %logistic3A_111 : vector<2x64xf32>
    %logistic3A_115 = arith.divf %logistic3A_113, %logistic3A_114 : vector<2x64xf32>
    %slice3A_116 = vector.extract_strided_slice %add3A_101 {offsets = [0, 128], sizes = [2, 64], strides = [1, 1]} : vector<2x256xf32> to vector<2x64xf32>
    %tanh3A_117 = math.tanh %slice3A_116 : vector<2x64xf32>
    %slice3A_118 = vector.extract_strided_slice %add3A_101 {offsets = [0, 192], sizes = [2, 64], strides = [1, 1]} : vector<2x256xf32> to vector<2x64xf32>
    %logistic3A_119 = arith.negf %slice3A_118 : vector<2x64xf32>
    %logistic3A_120 = math.exp %logistic3A_119 : vector<2x64xf32>
    %logistic3A_121 = arith.constant 1.000000e+00 : f32
    %logistic3A_122 = vector.broadcast %logistic3A_121 : f32 to vector<2x64xf32>
    %logistic3A_123 = arith.addf %logistic3A_122, %logistic3A_120 : vector<2x64xf32>
    %logistic3A_124 = arith.divf %logistic3A_122, %logistic3A_123 : vector<2x64xf32>
    %mul3A_125 = arith.mulf %logistic3A_115, %add3A_89 : vector<2x64xf32>
    %mul3A_126 = arith.mulf %logistic3A_108, %tanh3A_117 : vector<2x64xf32>
    %add3A_127 = arith.addf %mul3A_125, %mul3A_126 : vector<2x64xf32>
    %tanh3A_128 = math.tanh %add3A_127 : vector<2x64xf32>
    %mul3A_129 = arith.mulf %logistic3A_124, %tanh3A_128 : vector<2x64xf32>
    %slice3A_130 = vector.extract_strided_slice %mul3A_5 {offsets = [3, 0], sizes = [1, 64], strides = [1, 1]} : vector<32x64xf32> to vector<1x64xf32>
    %slice3A_131 = vector.extract_strided_slice %mul3A_5 {offsets = [19, 0], sizes = [1, 64], strides = [1, 1]} : vector<32x64xf32> to vector<1x64xf32>
    %concatenate3A_132 = tpu.concatenate %slice3A_130, %slice3A_131 in 0 : vector<1x64xf32>, vector<1x64xf32> -> vector<2x64xf32>
    %dot_general3A_133 = arith.constant dense<0.000000e+00> : vector<2x256xf32>
    %dot_general3A_134 = tpu.matmul %concatenate3A_132, %get3A_8, %dot_general3A_133 {dimension_numbers = #tpu.dot_dimension_numbers<[1], [0], [0], [1], [0, 0, 1, 1], [], []>, transpose_lhs_hint = false} : vector<2x64xf32>, vector<64x256xf32>, vector<2x256xf32> -> vector<2x256xf32>
    %dot_general3A_135 = arith.constant dense<0.000000e+00> : vector<2x256xf32>
    %dot_general3A_136 = tpu.matmul %mul3A_129, %get3A_11, %dot_general3A_135 {dimension_numbers = #tpu.dot_dimension_numbers<[1], [0], [0], [1], [0, 0, 1, 1], [], []>, transpose_lhs_hint = false} : vector<2x64xf32>, vector<64x256xf32>, vector<2x256xf32> -> vector<2x256xf32>
    %add3A_137 = arith.addf %dot_general3A_134, %dot_general3A_136 : vector<2x256xf32>
    %add3A_138 = vector.broadcast %add3A : vector<1x256xf32> to vector<2x256xf32>
    %add3A_139 = arith.addf %add3A_137, %add3A_138 : vector<2x256xf32>
    %slice3A_140 = vector.extract_strided_slice %add3A_139 {offsets = [0, 0], sizes = [2, 64], strides = [1, 1]} : vector<2x256xf32> to vector<2x64xf32>
    %logistic3A_141 = arith.negf %slice3A_140 : vector<2x64xf32>
    %logistic3A_142 = math.exp %logistic3A_141 : vector<2x64xf32>
    %logistic3A_143 = arith.constant 1.000000e+00 : f32
    %logistic3A_144 = vector.broadcast %logistic3A_143 : f32 to vector<2x64xf32>
    %logistic3A_145 = arith.addf %logistic3A_144, %logistic3A_142 : vector<2x64xf32>
    %logistic3A_146 = arith.divf %logistic3A_144, %logistic3A_145 : vector<2x64xf32>
    %slice3A_147 = vector.extract_strided_slice %add3A_139 {offsets = [0, 64], sizes = [2, 64], strides = [1, 1]} : vector<2x256xf32> to vector<2x64xf32>
    %logistic3A_148 = arith.negf %slice3A_147 : vector<2x64xf32>
    %logistic3A_149 = math.exp %logistic3A_148 : vector<2x64xf32>
    %logistic3A_150 = arith.constant 1.000000e+00 : f32
    %logistic3A_151 = vector.broadcast %logistic3A_150 : f32 to vector<2x64xf32>
    %logistic3A_152 = arith.addf %logistic3A_151, %logistic3A_149 : vector<2x64xf32>
    %logistic3A_153 = arith.divf %logistic3A_151, %logistic3A_152 : vector<2x64xf32>
    %slice3A_154 = vector.extract_strided_slice %add3A_139 {offsets = [0, 128], sizes = [2, 64], strides = [1, 1]} : vector<2x256xf32> to vector<2x64xf32>
    %tanh3A_155 = math.tanh %slice3A_154 : vector<2x64xf32>
    %slice3A_156 = vector.extract_strided_slice %add3A_139 {offsets = [0, 192], sizes = [2, 64], strides = [1, 1]} : vector<2x256xf32> to vector<2x64xf32>
    %logistic3A_157 = arith.negf %slice3A_156 : vector<2x64xf32>
    %logistic3A_158 = math.exp %logistic3A_157 : vector<2x64xf32>
    %logistic3A_159 = arith.constant 1.000000e+00 : f32
    %logistic3A_160 = vector.broadcast %logistic3A_159 : f32 to vector<2x64xf32>
    %logistic3A_161 = arith.addf %logistic3A_160, %logistic3A_158 : vector<2x64xf32>
    %logistic3A_162 = arith.divf %logistic3A_160, %logistic3A_161 : vector<2x64xf32>
    %mul3A_163 = arith.mulf %logistic3A_153, %add3A_127 : vector<2x64xf32>
    %mul3A_164 = arith.mulf %logistic3A_146, %tanh3A_155 : vector<2x64xf32>
    %add3A_165 = arith.addf %mul3A_163, %mul3A_164 : vector<2x64xf32>
    %tanh3A_166 = math.tanh %add3A_165 : vector<2x64xf32>
    %mul3A_167 = arith.mulf %logistic3A_162, %tanh3A_166 : vector<2x64xf32>
    %slice3A_168 = vector.extract_strided_slice %mul3A_5 {offsets = [4, 0], sizes = [1, 64], strides = [1, 1]} : vector<32x64xf32> to vector<1x64xf32>
    %slice3A_169 = vector.extract_strided_slice %mul3A_5 {offsets = [20, 0], sizes = [1, 64], strides = [1, 1]} : vector<32x64xf32> to vector<1x64xf32>
    %concatenate3A_170 = tpu.concatenate %slice3A_168, %slice3A_169 in 0 : vector<1x64xf32>, vector<1x64xf32> -> vector<2x64xf32>
    %dot_general3A_171 = arith.constant dense<0.000000e+00> : vector<2x256xf32>
    %dot_general3A_172 = tpu.matmul %concatenate3A_170, %get3A_8, %dot_general3A_171 {dimension_numbers = #tpu.dot_dimension_numbers<[1], [0], [0], [1], [0, 0, 1, 1], [], []>, transpose_lhs_hint = false} : vector<2x64xf32>, vector<64x256xf32>, vector<2x256xf32> -> vector<2x256xf32>
    %dot_general3A_173 = arith.constant dense<0.000000e+00> : vector<2x256xf32>
    %dot_general3A_174 = tpu.matmul %mul3A_167, %get3A_11, %dot_general3A_173 {dimension_numbers = #tpu.dot_dimension_numbers<[1], [0], [0], [1], [0, 0, 1, 1], [], []>, transpose_lhs_hint = false} : vector<2x64xf32>, vector<64x256xf32>, vector<2x256xf32> -> vector<2x256xf32>
    %add3A_175 = arith.addf %dot_general3A_172, %dot_general3A_174 : vector<2x256xf32>
    %add3A_176 = vector.broadcast %add3A : vector<1x256xf32> to vector<2x256xf32>
    %add3A_177 = arith.addf %add3A_175, %add3A_176 : vector<2x256xf32>
    %slice3A_178 = vector.extract_strided_slice %add3A_177 {offsets = [0, 0], sizes = [2, 64], strides = [1, 1]} : vector<2x256xf32> to vector<2x64xf32>
    %logistic3A_179 = arith.negf %slice3A_178 : vector<2x64xf32>
    %logistic3A_180 = math.exp %logistic3A_179 : vector<2x64xf32>
    %logistic3A_181 = arith.constant 1.000000e+00 : f32
    %logistic3A_182 = vector.broadcast %logistic3A_181 : f32 to vector<2x64xf32>
    %logistic3A_183 = arith.addf %logistic3A_182, %logistic3A_180 : vector<2x64xf32>
    %logistic3A_184 = arith.divf %logistic3A_182, %logistic3A_183 : vector<2x64xf32>
    %slice3A_185 = vector.extract_strided_slice %add3A_177 {offsets = [0, 64], sizes = [2, 64], strides = [1, 1]} : vector<2x256xf32> to vector<2x64xf32>
    %logistic3A_186 = arith.negf %slice3A_185 : vector<2x64xf32>
    %logistic3A_187 = math.exp %logistic3A_186 : vector<2x64xf32>
    %logistic3A_188 = arith.constant 1.000000e+00 : f32
    %logistic3A_189 = vector.broadcast %logistic3A_188 : f32 to vector<2x64xf32>
    %logistic3A_190 = arith.addf %logistic3A_189, %logistic3A_187 : vector<2x64xf32>
    %logistic3A_191 = arith.divf %logistic3A_189, %logistic3A_190 : vector<2x64xf32>
    %slice3A_192 = vector.extract_strided_slice %add3A_177 {offsets = [0, 128], sizes = [2, 64], strides = [1, 1]} : vector<2x256xf32> to vector<2x64xf32>
    %tanh3A_193 = math.tanh %slice3A_192 : vector<2x64xf32>
    %slice3A_194 = vector.extract_strided_slice %add3A_177 {offsets = [0, 192], sizes = [2, 64], strides = [1, 1]} : vector<2x256xf32> to vector<2x64xf32>
    %logistic3A_195 = arith.negf %slice3A_194 : vector<2x64xf32>
    %logistic3A_196 = math.exp %logistic3A_195 : vector<2x64xf32>
    %logistic3A_197 = arith.constant 1.000000e+00 : f32
    %logistic3A_198 = vector.broadcast %logistic3A_197 : f32 to vector<2x64xf32>
    %logistic3A_199 = arith.addf %logistic3A_198, %logistic3A_196 : vector<2x64xf32>
    %logistic3A_200 = arith.divf %logistic3A_198, %logistic3A_199 : vector<2x64xf32>
    %mul3A_201 = arith.mulf %logistic3A_191, %add3A_165 : vector<2x64xf32>
    %mul3A_202 = arith.mulf %logistic3A_184, %tanh3A_193 : vector<2x64xf32>
    %add3A_203 = arith.addf %mul3A_201, %mul3A_202 : vector<2x64xf32>
    %tanh3A_204 = math.tanh %add3A_203 : vector<2x64xf32>
    %mul3A_205 = arith.mulf %logistic3A_200, %tanh3A_204 : vector<2x64xf32>
    %slice3A_206 = vector.extract_strided_slice %mul3A_5 {offsets = [5, 0], sizes = [1, 64], strides = [1, 1]} : vector<32x64xf32> to vector<1x64xf32>
    %slice3A_207 = vector.extract_strided_slice %mul3A_5 {offsets = [21, 0], sizes = [1, 64], strides = [1, 1]} : vector<32x64xf32> to vector<1x64xf32>
    %concatenate3A_208 = tpu.concatenate %slice3A_206, %slice3A_207 in 0 : vector<1x64xf32>, vector<1x64xf32> -> vector<2x64xf32>
    %dot_general3A_209 = arith.constant dense<0.000000e+00> : vector<2x256xf32>
    %dot_general3A_210 = tpu.matmul %concatenate3A_208, %get3A_8, %dot_general3A_209 {dimension_numbers = #tpu.dot_dimension_numbers<[1], [0], [0], [1], [0, 0, 1, 1], [], []>, transpose_lhs_hint = false} : vector<2x64xf32>, vector<64x256xf32>, vector<2x256xf32> -> vector<2x256xf32>
    %dot_general3A_211 = arith.constant dense<0.000000e+00> : vector<2x256xf32>
    %dot_general3A_212 = tpu.matmul %mul3A_205, %get3A_11, %dot_general3A_211 {dimension_numbers = #tpu.dot_dimension_numbers<[1], [0], [0], [1], [0, 0, 1, 1], [], []>, transpose_lhs_hint = false} : vector<2x64xf32>, vector<64x256xf32>, vector<2x256xf32> -> vector<2x256xf32>
    %add3A_213 = arith.addf %dot_general3A_210, %dot_general3A_212 : vector<2x256xf32>
    %add3A_214 = vector.broadcast %add3A : vector<1x256xf32> to vector<2x256xf32>
    %add3A_215 = arith.addf %add3A_213, %add3A_214 : vector<2x256xf32>
    %slice3A_216 = vector.extract_strided_slice %add3A_215 {offsets = [0, 0], sizes = [2, 64], strides = [1, 1]} : vector<2x256xf32> to vector<2x64xf32>
    %logistic3A_217 = arith.negf %slice3A_216 : vector<2x64xf32>
    %logistic3A_218 = math.exp %logistic3A_217 : vector<2x64xf32>
    %logistic3A_219 = arith.constant 1.000000e+00 : f32
    %logistic3A_220 = vector.broadcast %logistic3A_219 : f32 to vector<2x64xf32>
    %logistic3A_221 = arith.addf %logistic3A_220, %logistic3A_218 : vector<2x64xf32>
    %logistic3A_222 = arith.divf %logistic3A_220, %logistic3A_221 : vector<2x64xf32>
    %slice3A_223 = vector.extract_strided_slice %add3A_215 {offsets = [0, 64], sizes = [2, 64], strides = [1, 1]} : vector<2x256xf32> to vector<2x64xf32>
    %logistic3A_224 = arith.negf %slice3A_223 : vector<2x64xf32>
    %logistic3A_225 = math.exp %logistic3A_224 : vector<2x64xf32>
    %logistic3A_226 = arith.constant 1.000000e+00 : f32
    %logistic3A_227 = vector.broadcast %logistic3A_226 : f32 to vector<2x64xf32>
    %logistic3A_228 = arith.addf %logistic3A_227, %logistic3A_225 : vector<2x64xf32>
    %logistic3A_229 = arith.divf %logistic3A_227, %logistic3A_228 : vector<2x64xf32>
    %slice3A_230 = vector.extract_strided_slice %add3A_215 {offsets = [0, 128], sizes = [2, 64], strides = [1, 1]} : vector<2x256xf32> to vector<2x64xf32>
    %tanh3A_231 = math.tanh %slice3A_230 : vector<2x64xf32>
    %slice3A_232 = vector.extract_strided_slice %add3A_215 {offsets = [0, 192], sizes = [2, 64], strides = [1, 1]} : vector<2x256xf32> to vector<2x64xf32>
    %logistic3A_233 = arith.negf %slice3A_232 : vector<2x64xf32>
    %logistic3A_234 = math.exp %logistic3A_233 : vector<2x64xf32>
    %logistic3A_235 = arith.constant 1.000000e+00 : f32
    %logistic3A_236 = vector.broadcast %logistic3A_235 : f32 to vector<2x64xf32>
    %logistic3A_237 = arith.addf %logistic3A_236, %logistic3A_234 : vector<2x64xf32>
    %logistic3A_238 = arith.divf %logistic3A_236, %logistic3A_237 : vector<2x64xf32>
    %mul3A_239 = arith.mulf %logistic3A_229, %add3A_203 : vector<2x64xf32>
    %mul3A_240 = arith.mulf %logistic3A_222, %tanh3A_231 : vector<2x64xf32>
    %add3A_241 = arith.addf %mul3A_239, %mul3A_240 : vector<2x64xf32>
    %tanh3A_242 = math.tanh %add3A_241 : vector<2x64xf32>
    %mul3A_243 = arith.mulf %logistic3A_238, %tanh3A_242 : vector<2x64xf32>
    %slice3A_244 = vector.extract_strided_slice %mul3A_5 {offsets = [6, 0], sizes = [1, 64], strides = [1, 1]} : vector<32x64xf32> to vector<1x64xf32>
    %slice3A_245 = vector.extract_strided_slice %mul3A_5 {offsets = [22, 0], sizes = [1, 64], strides = [1, 1]} : vector<32x64xf32> to vector<1x64xf32>
    %concatenate3A_246 = tpu.concatenate %slice3A_244, %slice3A_245 in 0 : vector<1x64xf32>, vector<1x64xf32> -> vector<2x64xf32>
    %dot_general3A_247 = arith.constant dense<0.000000e+00> : vector<2x256xf32>
    %dot_general3A_248 = tpu.matmul %concatenate3A_246, %get3A_8, %dot_general3A_247 {dimension_numbers = #tpu.dot_dimension_numbers<[1], [0], [0], [1], [0, 0, 1, 1], [], []>, transpose_lhs_hint = false} : vector<2x64xf32>, vector<64x256xf32>, vector<2x256xf32> -> vector<2x256xf32>
    %dot_general3A_249 = arith.constant dense<0.000000e+00> : vector<2x256xf32>
    %dot_general3A_250 = tpu.matmul %mul3A_243, %get3A_11, %dot_general3A_249 {dimension_numbers = #tpu.dot_dimension_numbers<[1], [0], [0], [1], [0, 0, 1, 1], [], []>, transpose_lhs_hint = false} : vector<2x64xf32>, vector<64x256xf32>, vector<2x256xf32> -> vector<2x256xf32>
    %add3A_251 = arith.addf %dot_general3A_248, %dot_general3A_250 : vector<2x256xf32>
    %add3A_252 = vector.broadcast %add3A : vector<1x256xf32> to vector<2x256xf32>
    %add3A_253 = arith.addf %add3A_251, %add3A_252 : vector<2x256xf32>
    %slice3A_254 = vector.extract_strided_slice %add3A_253 {offsets = [0, 0], sizes = [2, 64], strides = [1, 1]} : vector<2x256xf32> to vector<2x64xf32>
    %logistic3A_255 = arith.negf %slice3A_254 : vector<2x64xf32>
    %logistic3A_256 = math.exp %logistic3A_255 : vector<2x64xf32>
    %logistic3A_257 = arith.constant 1.000000e+00 : f32
    %logistic3A_258 = vector.broadcast %logistic3A_257 : f32 to vector<2x64xf32>
    %logistic3A_259 = arith.addf %logistic3A_258, %logistic3A_256 : vector<2x64xf32>
    %logistic3A_260 = arith.divf %logistic3A_258, %logistic3A_259 : vector<2x64xf32>
    %slice3A_261 = vector.extract_strided_slice %add3A_253 {offsets = [0, 64], sizes = [2, 64], strides = [1, 1]} : vector<2x256xf32> to vector<2x64xf32>
    %logistic3A_262 = arith.negf %slice3A_261 : vector<2x64xf32>
    %logistic3A_263 = math.exp %logistic3A_262 : vector<2x64xf32>
    %logistic3A_264 = arith.constant 1.000000e+00 : f32
    %logistic3A_265 = vector.broadcast %logistic3A_264 : f32 to vector<2x64xf32>
    %logistic3A_266 = arith.addf %logistic3A_265, %logistic3A_263 : vector<2x64xf32>
    %logistic3A_267 = arith.divf %logistic3A_265, %logistic3A_266 : vector<2x64xf32>
    %slice3A_268 = vector.extract_strided_slice %add3A_253 {offsets = [0, 128], sizes = [2, 64], strides = [1, 1]} : vector<2x256xf32> to vector<2x64xf32>
    %tanh3A_269 = math.tanh %slice3A_268 : vector<2x64xf32>
    %slice3A_270 = vector.extract_strided_slice %add3A_253 {offsets = [0, 192], sizes = [2, 64], strides = [1, 1]} : vector<2x256xf32> to vector<2x64xf32>
    %logistic3A_271 = arith.negf %slice3A_270 : vector<2x64xf32>
    %logistic3A_272 = math.exp %logistic3A_271 : vector<2x64xf32>
    %logistic3A_273 = arith.constant 1.000000e+00 : f32
    %logistic3A_274 = vector.broadcast %logistic3A_273 : f32 to vector<2x64xf32>
    %logistic3A_275 = arith.addf %logistic3A_274, %logistic3A_272 : vector<2x64xf32>
    %logistic3A_276 = arith.divf %logistic3A_274, %logistic3A_275 : vector<2x64xf32>
    %mul3A_277 = arith.mulf %logistic3A_267, %add3A_241 : vector<2x64xf32>
    %mul3A_278 = arith.mulf %logistic3A_260, %tanh3A_269 : vector<2x64xf32>
    %add3A_279 = arith.addf %mul3A_277, %mul3A_278 : vector<2x64xf32>
    %tanh3A_280 = math.tanh %add3A_279 : vector<2x64xf32>
    %mul3A_281 = arith.mulf %logistic3A_276, %tanh3A_280 : vector<2x64xf32>
    %slice3A_282 = vector.extract_strided_slice %mul3A_5 {offsets = [7, 0], sizes = [1, 64], strides = [1, 1]} : vector<32x64xf32> to vector<1x64xf32>
    %slice3A_283 = vector.extract_strided_slice %mul3A_5 {offsets = [23, 0], sizes = [1, 64], strides = [1, 1]} : vector<32x64xf32> to vector<1x64xf32>
    %concatenate3A_284 = tpu.concatenate %slice3A_282, %slice3A_283 in 0 : vector<1x64xf32>, vector<1x64xf32> -> vector<2x64xf32>
    %dot_general3A_285 = arith.constant dense<0.000000e+00> : vector<2x256xf32>
    %dot_general3A_286 = tpu.matmul %concatenate3A_284, %get3A_8, %dot_general3A_285 {dimension_numbers = #tpu.dot_dimension_numbers<[1], [0], [0], [1], [0, 0, 1, 1], [], []>, transpose_lhs_hint = false} : vector<2x64xf32>, vector<64x256xf32>, vector<2x256xf32> -> vector<2x256xf32>
    %dot_general3A_287 = arith.constant dense<0.000000e+00> : vector<2x256xf32>
    %dot_general3A_288 = tpu.matmul %mul3A_281, %get3A_11, %dot_general3A_287 {dimension_numbers = #tpu.dot_dimension_numbers<[1], [0], [0], [1], [0, 0, 1, 1], [], []>, transpose_lhs_hint = false} : vector<2x64xf32>, vector<64x256xf32>, vector<2x256xf32> -> vector<2x256xf32>
    %add3A_289 = arith.addf %dot_general3A_286, %dot_general3A_288 : vector<2x256xf32>
    %add3A_290 = vector.broadcast %add3A : vector<1x256xf32> to vector<2x256xf32>
    %add3A_291 = arith.addf %add3A_289, %add3A_290 : vector<2x256xf32>
    %slice3A_292 = vector.extract_strided_slice %add3A_291 {offsets = [0, 0], sizes = [2, 64], strides = [1, 1]} : vector<2x256xf32> to vector<2x64xf32>
    %logistic3A_293 = arith.negf %slice3A_292 : vector<2x64xf32>
    %logistic3A_294 = math.exp %logistic3A_293 : vector<2x64xf32>
    %logistic3A_295 = arith.constant 1.000000e+00 : f32
    %logistic3A_296 = vector.broadcast %logistic3A_295 : f32 to vector<2x64xf32>
    %logistic3A_297 = arith.addf %logistic3A_296, %logistic3A_294 : vector<2x64xf32>
    %logistic3A_298 = arith.divf %logistic3A_296, %logistic3A_297 : vector<2x64xf32>
    %slice3A_299 = vector.extract_strided_slice %add3A_291 {offsets = [0, 64], sizes = [2, 64], strides = [1, 1]} : vector<2x256xf32> to vector<2x64xf32>
    %logistic3A_300 = arith.negf %slice3A_299 : vector<2x64xf32>
    %logistic3A_301 = math.exp %logistic3A_300 : vector<2x64xf32>
    %logistic3A_302 = arith.constant 1.000000e+00 : f32
    %logistic3A_303 = vector.broadcast %logistic3A_302 : f32 to vector<2x64xf32>
    %logistic3A_304 = arith.addf %logistic3A_303, %logistic3A_301 : vector<2x64xf32>
    %logistic3A_305 = arith.divf %logistic3A_303, %logistic3A_304 : vector<2x64xf32>
    %slice3A_306 = vector.extract_strided_slice %add3A_291 {offsets = [0, 128], sizes = [2, 64], strides = [1, 1]} : vector<2x256xf32> to vector<2x64xf32>
    %tanh3A_307 = math.tanh %slice3A_306 : vector<2x64xf32>
    %slice3A_308 = vector.extract_strided_slice %add3A_291 {offsets = [0, 192], sizes = [2, 64], strides = [1, 1]} : vector<2x256xf32> to vector<2x64xf32>
    %logistic3A_309 = arith.negf %slice3A_308 : vector<2x64xf32>
    %logistic3A_310 = math.exp %logistic3A_309 : vector<2x64xf32>
    %logistic3A_311 = arith.constant 1.000000e+00 : f32
    %logistic3A_312 = vector.broadcast %logistic3A_311 : f32 to vector<2x64xf32>
    %logistic3A_313 = arith.addf %logistic3A_312, %logistic3A_310 : vector<2x64xf32>
    %logistic3A_314 = arith.divf %logistic3A_312, %logistic3A_313 : vector<2x64xf32>
    %mul3A_315 = arith.mulf %logistic3A_305, %add3A_279 : vector<2x64xf32>
    %mul3A_316 = arith.mulf %logistic3A_298, %tanh3A_307 : vector<2x64xf32>
    %add3A_317 = arith.addf %mul3A_315, %mul3A_316 : vector<2x64xf32>
    %tanh3A_318 = math.tanh %add3A_317 : vector<2x64xf32>
    %mul3A_319 = arith.mulf %logistic3A_314, %tanh3A_318 : vector<2x64xf32>
    %slice3A_320 = vector.extract_strided_slice %mul3A_5 {offsets = [8, 0], sizes = [1, 64], strides = [1, 1]} : vector<32x64xf32> to vector<1x64xf32>
    %slice3A_321 = vector.extract_strided_slice %mul3A_5 {offsets = [24, 0], sizes = [1, 64], strides = [1, 1]} : vector<32x64xf32> to vector<1x64xf32>
    %concatenate3A_322 = tpu.concatenate %slice3A_320, %slice3A_321 in 0 : vector<1x64xf32>, vector<1x64xf32> -> vector<2x64xf32>
    %dot_general3A_323 = arith.constant dense<0.000000e+00> : vector<2x256xf32>
    %dot_general3A_324 = tpu.matmul %concatenate3A_322, %get3A_8, %dot_general3A_323 {dimension_numbers = #tpu.dot_dimension_numbers<[1], [0], [0], [1], [0, 0, 1, 1], [], []>, transpose_lhs_hint = false} : vector<2x64xf32>, vector<64x256xf32>, vector<2x256xf32> -> vector<2x256xf32>
    %dot_general3A_325 = arith.constant dense<0.000000e+00> : vector<2x256xf32>
    %dot_general3A_326 = tpu.matmul %mul3A_319, %get3A_11, %dot_general3A_325 {dimension_numbers = #tpu.dot_dimension_numbers<[1], [0], [0], [1], [0, 0, 1, 1], [], []>, transpose_lhs_hint = false} : vector<2x64xf32>, vector<64x256xf32>, vector<2x256xf32> -> vector<2x256xf32>
    %add3A_327 = arith.addf %dot_general3A_324, %dot_general3A_326 : vector<2x256xf32>
    %add3A_328 = vector.broadcast %add3A : vector<1x256xf32> to vector<2x256xf32>
    %add3A_329 = arith.addf %add3A_327, %add3A_328 : vector<2x256xf32>
    %slice3A_330 = vector.extract_strided_slice %add3A_329 {offsets = [0, 0], sizes = [2, 64], strides = [1, 1]} : vector<2x256xf32> to vector<2x64xf32>
    %logistic3A_331 = arith.negf %slice3A_330 : vector<2x64xf32>
    %logistic3A_332 = math.exp %logistic3A_331 : vector<2x64xf32>
    %logistic3A_333 = arith.constant 1.000000e+00 : f32
    %logistic3A_334 = vector.broadcast %logistic3A_333 : f32 to vector<2x64xf32>
    %logistic3A_335 = arith.addf %logistic3A_334, %logistic3A_332 : vector<2x64xf32>
    %logistic3A_336 = arith.divf %logistic3A_334, %logistic3A_335 : vector<2x64xf32>
    %slice3A_337 = vector.extract_strided_slice %add3A_329 {offsets = [0, 64], sizes = [2, 64], strides = [1, 1]} : vector<2x256xf32> to vector<2x64xf32>
    %logistic3A_338 = arith.negf %slice3A_337 : vector<2x64xf32>
    %logistic3A_339 = math.exp %logistic3A_338 : vector<2x64xf32>
    %logistic3A_340 = arith.constant 1.000000e+00 : f32
    %logistic3A_341 = vector.broadcast %logistic3A_340 : f32 to vector<2x64xf32>
    %logistic3A_342 = arith.addf %logistic3A_341, %logistic3A_339 : vector<2x64xf32>
    %logistic3A_343 = arith.divf %logistic3A_341, %logistic3A_342 : vector<2x64xf32>
    %slice3A_344 = vector.extract_strided_slice %add3A_329 {offsets = [0, 128], sizes = [2, 64], strides = [1, 1]} : vector<2x256xf32> to vector<2x64xf32>
    %tanh3A_345 = math.tanh %slice3A_344 : vector<2x64xf32>
    %slice3A_346 = vector.extract_strided_slice %add3A_329 {offsets = [0, 192], sizes = [2, 64], strides = [1, 1]} : vector<2x256xf32> to vector<2x64xf32>
    %logistic3A_347 = arith.negf %slice3A_346 : vector<2x64xf32>
    %logistic3A_348 = math.exp %logistic3A_347 : vector<2x64xf32>
    %logistic3A_349 = arith.constant 1.000000e+00 : f32
    %logistic3A_350 = vector.broadcast %logistic3A_349 : f32 to vector<2x64xf32>
    %logistic3A_351 = arith.addf %logistic3A_350, %logistic3A_348 : vector<2x64xf32>
    %logistic3A_352 = arith.divf %logistic3A_350, %logistic3A_351 : vector<2x64xf32>
    %mul3A_353 = arith.mulf %logistic3A_343, %add3A_317 : vector<2x64xf32>
    %mul3A_354 = arith.mulf %logistic3A_336, %tanh3A_345 : vector<2x64xf32>
    %add3A_355 = arith.addf %mul3A_353, %mul3A_354 : vector<2x64xf32>
    %tanh3A_356 = math.tanh %add3A_355 : vector<2x64xf32>
    %mul3A_357 = arith.mulf %logistic3A_352, %tanh3A_356 : vector<2x64xf32>
    %slice3A_358 = vector.extract_strided_slice %mul3A_5 {offsets = [9, 0], sizes = [1, 64], strides = [1, 1]} : vector<32x64xf32> to vector<1x64xf32>
    %slice3A_359 = vector.extract_strided_slice %mul3A_5 {offsets = [25, 0], sizes = [1, 64], strides = [1, 1]} : vector<32x64xf32> to vector<1x64xf32>
    %concatenate3A_360 = tpu.concatenate %slice3A_358, %slice3A_359 in 0 : vector<1x64xf32>, vector<1x64xf32> -> vector<2x64xf32>
    %dot_general3A_361 = arith.constant dense<0.000000e+00> : vector<2x256xf32>
    %dot_general3A_362 = tpu.matmul %concatenate3A_360, %get3A_8, %dot_general3A_361 {dimension_numbers = #tpu.dot_dimension_numbers<[1], [0], [0], [1], [0, 0, 1, 1], [], []>, transpose_lhs_hint = false} : vector<2x64xf32>, vector<64x256xf32>, vector<2x256xf32> -> vector<2x256xf32>
    %dot_general3A_363 = arith.constant dense<0.000000e+00> : vector<2x256xf32>
    %dot_general3A_364 = tpu.matmul %mul3A_357, %get3A_11, %dot_general3A_363 {dimension_numbers = #tpu.dot_dimension_numbers<[1], [0], [0], [1], [0, 0, 1, 1], [], []>, transpose_lhs_hint = false} : vector<2x64xf32>, vector<64x256xf32>, vector<2x256xf32> -> vector<2x256xf32>
    %add3A_365 = arith.addf %dot_general3A_362, %dot_general3A_364 : vector<2x256xf32>
    %add3A_366 = vector.broadcast %add3A : vector<1x256xf32> to vector<2x256xf32>
    %add3A_367 = arith.addf %add3A_365, %add3A_366 : vector<2x256xf32>
    %slice3A_368 = vector.extract_strided_slice %add3A_367 {offsets = [0, 0], sizes = [2, 64], strides = [1, 1]} : vector<2x256xf32> to vector<2x64xf32>
    %logistic3A_369 = arith.negf %slice3A_368 : vector<2x64xf32>
    %logistic3A_370 = math.exp %logistic3A_369 : vector<2x64xf32>
    %logistic3A_371 = arith.constant 1.000000e+00 : f32
    %logistic3A_372 = vector.broadcast %logistic3A_371 : f32 to vector<2x64xf32>
    %logistic3A_373 = arith.addf %logistic3A_372, %logistic3A_370 : vector<2x64xf32>
    %logistic3A_374 = arith.divf %logistic3A_372, %logistic3A_373 : vector<2x64xf32>
    %slice3A_375 = vector.extract_strided_slice %add3A_367 {offsets = [0, 64], sizes = [2, 64], strides = [1, 1]} : vector<2x256xf32> to vector<2x64xf32>
    %logistic3A_376 = arith.negf %slice3A_375 : vector<2x64xf32>
    %logistic3A_377 = math.exp %logistic3A_376 : vector<2x64xf32>
    %logistic3A_378 = arith.constant 1.000000e+00 : f32
    %logistic3A_379 = vector.broadcast %logistic3A_378 : f32 to vector<2x64xf32>
    %logistic3A_380 = arith.addf %logistic3A_379, %logistic3A_377 : vector<2x64xf32>
    %logistic3A_381 = arith.divf %logistic3A_379, %logistic3A_380 : vector<2x64xf32>
    %slice3A_382 = vector.extract_strided_slice %add3A_367 {offsets = [0, 128], sizes = [2, 64], strides = [1, 1]} : vector<2x256xf32> to vector<2x64xf32>
    %tanh3A_383 = math.tanh %slice3A_382 : vector<2x64xf32>
    %slice3A_384 = vector.extract_strided_slice %add3A_367 {offsets = [0, 192], sizes = [2, 64], strides = [1, 1]} : vector<2x256xf32> to vector<2x64xf32>
    %logistic3A_385 = arith.negf %slice3A_384 : vector<2x64xf32>
    %logistic3A_386 = math.exp %logistic3A_385 : vector<2x64xf32>
    %logistic3A_387 = arith.constant 1.000000e+00 : f32
    %logistic3A_388 = vector.broadcast %logistic3A_387 : f32 to vector<2x64xf32>
    %logistic3A_389 = arith.addf %logistic3A_388, %logistic3A_386 : vector<2x64xf32>
    %logistic3A_390 = arith.divf %logistic3A_388, %logistic3A_389 : vector<2x64xf32>
    %mul3A_391 = arith.mulf %logistic3A_381, %add3A_355 : vector<2x64xf32>
    %mul3A_392 = arith.mulf %logistic3A_374, %tanh3A_383 : vector<2x64xf32>
    %add3A_393 = arith.addf %mul3A_391, %mul3A_392 : vector<2x64xf32>
    %tanh3A_394 = math.tanh %add3A_393 : vector<2x64xf32>
    %mul3A_395 = arith.mulf %logistic3A_390, %tanh3A_394 : vector<2x64xf32>
    %slice3A_396 = vector.extract_strided_slice %mul3A_5 {offsets = [10, 0], sizes = [1, 64], strides = [1, 1]} : vector<32x64xf32> to vector<1x64xf32>
    %slice3A_397 = vector.extract_strided_slice %mul3A_5 {offsets = [26, 0], sizes = [1, 64], strides = [1, 1]} : vector<32x64xf32> to vector<1x64xf32>
    %concatenate3A_398 = tpu.concatenate %slice3A_396, %slice3A_397 in 0 : vector<1x64xf32>, vector<1x64xf32> -> vector<2x64xf32>
    %dot_general3A_399 = arith.constant dense<0.000000e+00> : vector<2x256xf32>
    %dot_general3A_400 = tpu.matmul %concatenate3A_398, %get3A_8, %dot_general3A_399 {dimension_numbers = #tpu.dot_dimension_numbers<[1], [0], [0], [1], [0, 0, 1, 1], [], []>, transpose_lhs_hint = false} : vector<2x64xf32>, vector<64x256xf32>, vector<2x256xf32> -> vector<2x256xf32>
    %dot_general3A_401 = arith.constant dense<0.000000e+00> : vector<2x256xf32>
    %dot_general3A_402 = tpu.matmul %mul3A_395, %get3A_11, %dot_general3A_401 {dimension_numbers = #tpu.dot_dimension_numbers<[1], [0], [0], [1], [0, 0, 1, 1], [], []>, transpose_lhs_hint = false} : vector<2x64xf32>, vector<64x256xf32>, vector<2x256xf32> -> vector<2x256xf32>
    %add3A_403 = arith.addf %dot_general3A_400, %dot_general3A_402 : vector<2x256xf32>
    %add3A_404 = vector.broadcast %add3A : vector<1x256xf32> to vector<2x256xf32>
    %add3A_405 = arith.addf %add3A_403, %add3A_404 : vector<2x256xf32>
    %slice3A_406 = vector.extract_strided_slice %add3A_405 {offsets = [0, 0], sizes = [2, 64], strides = [1, 1]} : vector<2x256xf32> to vector<2x64xf32>
    %logistic3A_407 = arith.negf %slice3A_406 : vector<2x64xf32>
    %logistic3A_408 = math.exp %logistic3A_407 : vector<2x64xf32>
    %logistic3A_409 = arith.constant 1.000000e+00 : f32
    %logistic3A_410 = vector.broadcast %logistic3A_409 : f32 to vector<2x64xf32>
    %logistic3A_411 = arith.addf %logistic3A_410, %logistic3A_408 : vector<2x64xf32>
    %logistic3A_412 = arith.divf %logistic3A_410, %logistic3A_411 : vector<2x64xf32>
    %slice3A_413 = vector.extract_strided_slice %add3A_405 {offsets = [0, 64], sizes = [2, 64], strides = [1, 1]} : vector<2x256xf32> to vector<2x64xf32>
    %logistic3A_414 = arith.negf %slice3A_413 : vector<2x64xf32>
    %logistic3A_415 = math.exp %logistic3A_414 : vector<2x64xf32>
    %logistic3A_416 = arith.constant 1.000000e+00 : f32
    %logistic3A_417 = vector.broadcast %logistic3A_416 : f32 to vector<2x64xf32>
    %logistic3A_418 = arith.addf %logistic3A_417, %logistic3A_415 : vector<2x64xf32>
    %logistic3A_419 = arith.divf %logistic3A_417, %logistic3A_418 : vector<2x64xf32>
    %slice3A_420 = vector.extract_strided_slice %add3A_405 {offsets = [0, 128], sizes = [2, 64], strides = [1, 1]} : vector<2x256xf32> to vector<2x64xf32>
    %tanh3A_421 = math.tanh %slice3A_420 : vector<2x64xf32>
    %slice3A_422 = vector.extract_strided_slice %add3A_405 {offsets = [0, 192], sizes = [2, 64], strides = [1, 1]} : vector<2x256xf32> to vector<2x64xf32>
    %logistic3A_423 = arith.negf %slice3A_422 : vector<2x64xf32>
    %logistic3A_424 = math.exp %logistic3A_423 : vector<2x64xf32>
    %logistic3A_425 = arith.constant 1.000000e+00 : f32
    %logistic3A_426 = vector.broadcast %logistic3A_425 : f32 to vector<2x64xf32>
    %logistic3A_427 = arith.addf %logistic3A_426, %logistic3A_424 : vector<2x64xf32>
    %logistic3A_428 = arith.divf %logistic3A_426, %logistic3A_427 : vector<2x64xf32>
    %mul3A_429 = arith.mulf %logistic3A_419, %add3A_393 : vector<2x64xf32>
    %mul3A_430 = arith.mulf %logistic3A_412, %tanh3A_421 : vector<2x64xf32>
    %add3A_431 = arith.addf %mul3A_429, %mul3A_430 : vector<2x64xf32>
    %tanh3A_432 = math.tanh %add3A_431 : vector<2x64xf32>
    %mul3A_433 = arith.mulf %logistic3A_428, %tanh3A_432 : vector<2x64xf32>
    %slice3A_434 = vector.extract_strided_slice %mul3A_5 {offsets = [11, 0], sizes = [1, 64], strides = [1, 1]} : vector<32x64xf32> to vector<1x64xf32>
    %slice3A_435 = vector.extract_strided_slice %mul3A_5 {offsets = [27, 0], sizes = [1, 64], strides = [1, 1]} : vector<32x64xf32> to vector<1x64xf32>
    %concatenate3A_436 = tpu.concatenate %slice3A_434, %slice3A_435 in 0 : vector<1x64xf32>, vector<1x64xf32> -> vector<2x64xf32>
    %dot_general3A_437 = arith.constant dense<0.000000e+00> : vector<2x256xf32>
    %dot_general3A_438 = tpu.matmul %concatenate3A_436, %get3A_8, %dot_general3A_437 {dimension_numbers = #tpu.dot_dimension_numbers<[1], [0], [0], [1], [0, 0, 1, 1], [], []>, transpose_lhs_hint = false} : vector<2x64xf32>, vector<64x256xf32>, vector<2x256xf32> -> vector<2x256xf32>
    %dot_general3A_439 = arith.constant dense<0.000000e+00> : vector<2x256xf32>
    %dot_general3A_440 = tpu.matmul %mul3A_433, %get3A_11, %dot_general3A_439 {dimension_numbers = #tpu.dot_dimension_numbers<[1], [0], [0], [1], [0, 0, 1, 1], [], []>, transpose_lhs_hint = false} : vector<2x64xf32>, vector<64x256xf32>, vector<2x256xf32> -> vector<2x256xf32>
    %add3A_441 = arith.addf %dot_general3A_438, %dot_general3A_440 : vector<2x256xf32>
    %add3A_442 = vector.broadcast %add3A : vector<1x256xf32> to vector<2x256xf32>
    %add3A_443 = arith.addf %add3A_441, %add3A_442 : vector<2x256xf32>
    %slice3A_444 = vector.extract_strided_slice %add3A_443 {offsets = [0, 0], sizes = [2, 64], strides = [1, 1]} : vector<2x256xf32> to vector<2x64xf32>
    %logistic3A_445 = arith.negf %slice3A_444 : vector<2x64xf32>
    %logistic3A_446 = math.exp %logistic3A_445 : vector<2x64xf32>
    %logistic3A_447 = arith.constant 1.000000e+00 : f32
    %logistic3A_448 = vector.broadcast %logistic3A_447 : f32 to vector<2x64xf32>
    %logistic3A_449 = arith.addf %logistic3A_448, %logistic3A_446 : vector<2x64xf32>
    %logistic3A_450 = arith.divf %logistic3A_448, %logistic3A_449 : vector<2x64xf32>
    %slice3A_451 = vector.extract_strided_slice %add3A_443 {offsets = [0, 64], sizes = [2, 64], strides = [1, 1]} : vector<2x256xf32> to vector<2x64xf32>
    %logistic3A_452 = arith.negf %slice3A_451 : vector<2x64xf32>
    %logistic3A_453 = math.exp %logistic3A_452 : vector<2x64xf32>
    %logistic3A_454 = arith.constant 1.000000e+00 : f32
    %logistic3A_455 = vector.broadcast %logistic3A_454 : f32 to vector<2x64xf32>
    %logistic3A_456 = arith.addf %logistic3A_455, %logistic3A_453 : vector<2x64xf32>
    %logistic3A_457 = arith.divf %logistic3A_455, %logistic3A_456 : vector<2x64xf32>
    %slice3A_458 = vector.extract_strided_slice %add3A_443 {offsets = [0, 128], sizes = [2, 64], strides = [1, 1]} : vector<2x256xf32> to vector<2x64xf32>
    %tanh3A_459 = math.tanh %slice3A_458 : vector<2x64xf32>
    %slice3A_460 = vector.extract_strided_slice %add3A_443 {offsets = [0, 192], sizes = [2, 64], strides = [1, 1]} : vector<2x256xf32> to vector<2x64xf32>
    %logistic3A_461 = arith.negf %slice3A_460 : vector<2x64xf32>
    %logistic3A_462 = math.exp %logistic3A_461 : vector<2x64xf32>
    %logistic3A_463 = arith.constant 1.000000e+00 : f32
    %logistic3A_464 = vector.broadcast %logistic3A_463 : f32 to vector<2x64xf32>
    %logistic3A_465 = arith.addf %logistic3A_464, %logistic3A_462 : vector<2x64xf32>
    %logistic3A_466 = arith.divf %logistic3A_464, %logistic3A_465 : vector<2x64xf32>
    %mul3A_467 = arith.mulf %logistic3A_457, %add3A_431 : vector<2x64xf32>
    %mul3A_468 = arith.mulf %logistic3A_450, %tanh3A_459 : vector<2x64xf32>
    %add3A_469 = arith.addf %mul3A_467, %mul3A_468 : vector<2x64xf32>
    %tanh3A_470 = math.tanh %add3A_469 : vector<2x64xf32>
    %mul3A_471 = arith.mulf %logistic3A_466, %tanh3A_470 : vector<2x64xf32>
    %slice3A_472 = vector.extract_strided_slice %mul3A_5 {offsets = [12, 0], sizes = [1, 64], strides = [1, 1]} : vector<32x64xf32> to vector<1x64xf32>
    %slice3A_473 = vector.extract_strided_slice %mul3A_5 {offsets = [28, 0], sizes = [1, 64], strides = [1, 1]} : vector<32x64xf32> to vector<1x64xf32>
    %concatenate3A_474 = tpu.concatenate %slice3A_472, %slice3A_473 in 0 : vector<1x64xf32>, vector<1x64xf32> -> vector<2x64xf32>
    %dot_general3A_475 = arith.constant dense<0.000000e+00> : vector<2x256xf32>
    %dot_general3A_476 = tpu.matmul %concatenate3A_474, %get3A_8, %dot_general3A_475 {dimension_numbers = #tpu.dot_dimension_numbers<[1], [0], [0], [1], [0, 0, 1, 1], [], []>, transpose_lhs_hint = false} : vector<2x64xf32>, vector<64x256xf32>, vector<2x256xf32> -> vector<2x256xf32>
    %dot_general3A_477 = arith.constant dense<0.000000e+00> : vector<2x256xf32>
    %dot_general3A_478 = tpu.matmul %mul3A_471, %get3A_11, %dot_general3A_477 {dimension_numbers = #tpu.dot_dimension_numbers<[1], [0], [0], [1], [0, 0, 1, 1], [], []>, transpose_lhs_hint = false} : vector<2x64xf32>, vector<64x256xf32>, vector<2x256xf32> -> vector<2x256xf32>
    %add3A_479 = arith.addf %dot_general3A_476, %dot_general3A_478 : vector<2x256xf32>
    %add3A_480 = vector.broadcast %add3A : vector<1x256xf32> to vector<2x256xf32>
    %add3A_481 = arith.addf %add3A_479, %add3A_480 : vector<2x256xf32>
    %slice3A_482 = vector.extract_strided_slice %add3A_481 {offsets = [0, 0], sizes = [2, 64], strides = [1, 1]} : vector<2x256xf32> to vector<2x64xf32>
    %logistic3A_483 = arith.negf %slice3A_482 : vector<2x64xf32>
    %logistic3A_484 = math.exp %logistic3A_483 : vector<2x64xf32>
    %logistic3A_485 = arith.constant 1.000000e+00 : f32
    %logistic3A_486 = vector.broadcast %logistic3A_485 : f32 to vector<2x64xf32>
    %logistic3A_487 = arith.addf %logistic3A_486, %logistic3A_484 : vector<2x64xf32>
    %logistic3A_488 = arith.divf %logistic3A_486, %logistic3A_487 : vector<2x64xf32>
    %slice3A_489 = vector.extract_strided_slice %add3A_481 {offsets = [0, 64], sizes = [2, 64], strides = [1, 1]} : vector<2x256xf32> to vector<2x64xf32>
    %logistic3A_490 = arith.negf %slice3A_489 : vector<2x64xf32>
    %logistic3A_491 = math.exp %logistic3A_490 : vector<2x64xf32>
    %logistic3A_492 = arith.constant 1.000000e+00 : f32
    %logistic3A_493 = vector.broadcast %logistic3A_492 : f32 to vector<2x64xf32>
    %logistic3A_494 = arith.addf %logistic3A_493, %logistic3A_491 : vector<2x64xf32>
    %logistic3A_495 = arith.divf %logistic3A_493, %logistic3A_494 : vector<2x64xf32>
    %slice3A_496 = vector.extract_strided_slice %add3A_481 {offsets = [0, 128], sizes = [2, 64], strides = [1, 1]} : vector<2x256xf32> to vector<2x64xf32>
    %tanh3A_497 = math.tanh %slice3A_496 : vector<2x64xf32>
    %slice3A_498 = vector.extract_strided_slice %add3A_481 {offsets = [0, 192], sizes = [2, 64], strides = [1, 1]} : vector<2x256xf32> to vector<2x64xf32>
    %logistic3A_499 = arith.negf %slice3A_498 : vector<2x64xf32>
    %logistic3A_500 = math.exp %logistic3A_499 : vector<2x64xf32>
    %logistic3A_501 = arith.constant 1.000000e+00 : f32
    %logistic3A_502 = vector.broadcast %logistic3A_501 : f32 to vector<2x64xf32>
    %logistic3A_503 = arith.addf %logistic3A_502, %logistic3A_500 : vector<2x64xf32>
    %logistic3A_504 = arith.divf %logistic3A_502, %logistic3A_503 : vector<2x64xf32>
    %mul3A_505 = arith.mulf %logistic3A_495, %add3A_469 : vector<2x64xf32>
    %mul3A_506 = arith.mulf %logistic3A_488, %tanh3A_497 : vector<2x64xf32>
    %add3A_507 = arith.addf %mul3A_505, %mul3A_506 : vector<2x64xf32>
    %tanh3A_508 = math.tanh %add3A_507 : vector<2x64xf32>
    %mul3A_509 = arith.mulf %logistic3A_504, %tanh3A_508 : vector<2x64xf32>
    %slice3A_510 = vector.extract_strided_slice %mul3A_5 {offsets = [13, 0], sizes = [1, 64], strides = [1, 1]} : vector<32x64xf32> to vector<1x64xf32>
    %slice3A_511 = vector.extract_strided_slice %mul3A_5 {offsets = [29, 0], sizes = [1, 64], strides = [1, 1]} : vector<32x64xf32> to vector<1x64xf32>
    %concatenate3A_512 = tpu.concatenate %slice3A_510, %slice3A_511 in 0 : vector<1x64xf32>, vector<1x64xf32> -> vector<2x64xf32>
    %dot_general3A_513 = arith.constant dense<0.000000e+00> : vector<2x256xf32>
    %dot_general3A_514 = tpu.matmul %concatenate3A_512, %get3A_8, %dot_general3A_513 {dimension_numbers = #tpu.dot_dimension_numbers<[1], [0], [0], [1], [0, 0, 1, 1], [], []>, transpose_lhs_hint = false} : vector<2x64xf32>, vector<64x256xf32>, vector<2x256xf32> -> vector<2x256xf32>
    %dot_general3A_515 = arith.constant dense<0.000000e+00> : vector<2x256xf32>
    %dot_general3A_516 = tpu.matmul %mul3A_509, %get3A_11, %dot_general3A_515 {dimension_numbers = #tpu.dot_dimension_numbers<[1], [0], [0], [1], [0, 0, 1, 1], [], []>, transpose_lhs_hint = false} : vector<2x64xf32>, vector<64x256xf32>, vector<2x256xf32> -> vector<2x256xf32>
    %add3A_517 = arith.addf %dot_general3A_514, %dot_general3A_516 : vector<2x256xf32>
    %add3A_518 = vector.broadcast %add3A : vector<1x256xf32> to vector<2x256xf32>
    %add3A_519 = arith.addf %add3A_517, %add3A_518 : vector<2x256xf32>
    %slice3A_520 = vector.extract_strided_slice %add3A_519 {offsets = [0, 0], sizes = [2, 64], strides = [1, 1]} : vector<2x256xf32> to vector<2x64xf32>
    %logistic3A_521 = arith.negf %slice3A_520 : vector<2x64xf32>
    %logistic3A_522 = math.exp %logistic3A_521 : vector<2x64xf32>
    %logistic3A_523 = arith.constant 1.000000e+00 : f32
    %logistic3A_524 = vector.broadcast %logistic3A_523 : f32 to vector<2x64xf32>
    %logistic3A_525 = arith.addf %logistic3A_524, %logistic3A_522 : vector<2x64xf32>
    %logistic3A_526 = arith.divf %logistic3A_524, %logistic3A_525 : vector<2x64xf32>
    %slice3A_527 = vector.extract_strided_slice %add3A_519 {offsets = [0, 64], sizes = [2, 64], strides = [1, 1]} : vector<2x256xf32> to vector<2x64xf32>
    %logistic3A_528 = arith.negf %slice3A_527 : vector<2x64xf32>
    %logistic3A_529 = math.exp %logistic3A_528 : vector<2x64xf32>
    %logistic3A_530 = arith.constant 1.000000e+00 : f32
    %logistic3A_531 = vector.broadcast %logistic3A_530 : f32 to vector<2x64xf32>
    %logistic3A_532 = arith.addf %logistic3A_531, %logistic3A_529 : vector<2x64xf32>
    %logistic3A_533 = arith.divf %logistic3A_531, %logistic3A_532 : vector<2x64xf32>
    %slice3A_534 = vector.extract_strided_slice %add3A_519 {offsets = [0, 128], sizes = [2, 64], strides = [1, 1]} : vector<2x256xf32> to vector<2x64xf32>
    %tanh3A_535 = math.tanh %slice3A_534 : vector<2x64xf32>
    %slice3A_536 = vector.extract_strided_slice %add3A_519 {offsets = [0, 192], sizes = [2, 64], strides = [1, 1]} : vector<2x256xf32> to vector<2x64xf32>
    %logistic3A_537 = arith.negf %slice3A_536 : vector<2x64xf32>
    %logistic3A_538 = math.exp %logistic3A_537 : vector<2x64xf32>
    %logistic3A_539 = arith.constant 1.000000e+00 : f32
    %logistic3A_540 = vector.broadcast %logistic3A_539 : f32 to vector<2x64xf32>
    %logistic3A_541 = arith.addf %logistic3A_540, %logistic3A_538 : vector<2x64xf32>
    %logistic3A_542 = arith.divf %logistic3A_540, %logistic3A_541 : vector<2x64xf32>
    %mul3A_543 = arith.mulf %logistic3A_533, %add3A_507 : vector<2x64xf32>
    %mul3A_544 = arith.mulf %logistic3A_526, %tanh3A_535 : vector<2x64xf32>
    %add3A_545 = arith.addf %mul3A_543, %mul3A_544 : vector<2x64xf32>
    %tanh3A_546 = math.tanh %add3A_545 : vector<2x64xf32>
    %mul3A_547 = arith.mulf %logistic3A_542, %tanh3A_546 : vector<2x64xf32>
    %slice3A_548 = vector.extract_strided_slice %mul3A_5 {offsets = [14, 0], sizes = [1, 64], strides = [1, 1]} : vector<32x64xf32> to vector<1x64xf32>
    %slice3A_549 = vector.extract_strided_slice %mul3A_5 {offsets = [30, 0], sizes = [1, 64], strides = [1, 1]} : vector<32x64xf32> to vector<1x64xf32>
    %concatenate3A_550 = tpu.concatenate %slice3A_548, %slice3A_549 in 0 : vector<1x64xf32>, vector<1x64xf32> -> vector<2x64xf32>
    %dot_general3A_551 = arith.constant dense<0.000000e+00> : vector<2x256xf32>
    %dot_general3A_552 = tpu.matmul %concatenate3A_550, %get3A_8, %dot_general3A_551 {dimension_numbers = #tpu.dot_dimension_numbers<[1], [0], [0], [1], [0, 0, 1, 1], [], []>, transpose_lhs_hint = false} : vector<2x64xf32>, vector<64x256xf32>, vector<2x256xf32> -> vector<2x256xf32>
    %dot_general3A_553 = arith.constant dense<0.000000e+00> : vector<2x256xf32>
    %dot_general3A_554 = tpu.matmul %mul3A_547, %get3A_11, %dot_general3A_553 {dimension_numbers = #tpu.dot_dimension_numbers<[1], [0], [0], [1], [0, 0, 1, 1], [], []>, transpose_lhs_hint = false} : vector<2x64xf32>, vector<64x256xf32>, vector<2x256xf32> -> vector<2x256xf32>
    %add3A_555 = arith.addf %dot_general3A_552, %dot_general3A_554 : vector<2x256xf32>
    %add3A_556 = vector.broadcast %add3A : vector<1x256xf32> to vector<2x256xf32>
    %add3A_557 = arith.addf %add3A_555, %add3A_556 : vector<2x256xf32>
    %slice3A_558 = vector.extract_strided_slice %add3A_557 {offsets = [0, 0], sizes = [2, 64], strides = [1, 1]} : vector<2x256xf32> to vector<2x64xf32>
    %logistic3A_559 = arith.negf %slice3A_558 : vector<2x64xf32>
    %logistic3A_560 = math.exp %logistic3A_559 : vector<2x64xf32>
    %logistic3A_561 = arith.constant 1.000000e+00 : f32
    %logistic3A_562 = vector.broadcast %logistic3A_561 : f32 to vector<2x64xf32>
    %logistic3A_563 = arith.addf %logistic3A_562, %logistic3A_560 : vector<2x64xf32>
    %logistic3A_564 = arith.divf %logistic3A_562, %logistic3A_563 : vector<2x64xf32>
    %slice3A_565 = vector.extract_strided_slice %add3A_557 {offsets = [0, 64], sizes = [2, 64], strides = [1, 1]} : vector<2x256xf32> to vector<2x64xf32>
    %logistic3A_566 = arith.negf %slice3A_565 : vector<2x64xf32>
    %logistic3A_567 = math.exp %logistic3A_566 : vector<2x64xf32>
    %logistic3A_568 = arith.constant 1.000000e+00 : f32
    %logistic3A_569 = vector.broadcast %logistic3A_568 : f32 to vector<2x64xf32>
    %logistic3A_570 = arith.addf %logistic3A_569, %logistic3A_567 : vector<2x64xf32>
    %logistic3A_571 = arith.divf %logistic3A_569, %logistic3A_570 : vector<2x64xf32>
    %slice3A_572 = vector.extract_strided_slice %add3A_557 {offsets = [0, 128], sizes = [2, 64], strides = [1, 1]} : vector<2x256xf32> to vector<2x64xf32>
    %tanh3A_573 = math.tanh %slice3A_572 : vector<2x64xf32>
    %slice3A_574 = vector.extract_strided_slice %add3A_557 {offsets = [0, 192], sizes = [2, 64], strides = [1, 1]} : vector<2x256xf32> to vector<2x64xf32>
    %logistic3A_575 = arith.negf %slice3A_574 : vector<2x64xf32>
    %logistic3A_576 = math.exp %logistic3A_575 : vector<2x64xf32>
    %logistic3A_577 = arith.constant 1.000000e+00 : f32
    %logistic3A_578 = vector.broadcast %logistic3A_577 : f32 to vector<2x64xf32>
    %logistic3A_579 = arith.addf %logistic3A_578, %logistic3A_576 : vector<2x64xf32>
    %logistic3A_580 = arith.divf %logistic3A_578, %logistic3A_579 : vector<2x64xf32>
    %mul3A_581 = arith.mulf %logistic3A_571, %add3A_545 : vector<2x64xf32>
    %mul3A_582 = arith.mulf %logistic3A_564, %tanh3A_573 : vector<2x64xf32>
    %add3A_583 = arith.addf %mul3A_581, %mul3A_582 : vector<2x64xf32>
    %tanh3A_584 = math.tanh %add3A_583 : vector<2x64xf32>
    %mul3A_585 = arith.mulf %logistic3A_580, %tanh3A_584 : vector<2x64xf32>
    %slice3A_586 = vector.extract_strided_slice %mul3A_5 {offsets = [15, 0], sizes = [1, 64], strides = [1, 1]} : vector<32x64xf32> to vector<1x64xf32>
    %slice3A_587 = vector.extract_strided_slice %mul3A_5 {offsets = [31, 0], sizes = [1, 64], strides = [1, 1]} : vector<32x64xf32> to vector<1x64xf32>
    %concatenate3A_588 = tpu.concatenate %slice3A_586, %slice3A_587 in 0 : vector<1x64xf32>, vector<1x64xf32> -> vector<2x64xf32>
    %dot_general3A_589 = arith.constant dense<0.000000e+00> : vector<2x256xf32>
    %dot_general3A_590 = tpu.matmul %concatenate3A_588, %get3A_8, %dot_general3A_589 {dimension_numbers = #tpu.dot_dimension_numbers<[1], [0], [0], [1], [0, 0, 1, 1], [], []>, transpose_lhs_hint = false} : vector<2x64xf32>, vector<64x256xf32>, vector<2x256xf32> -> vector<2x256xf32>
    %dot_general3A_591 = arith.constant dense<0.000000e+00> : vector<2x256xf32>
    %dot_general3A_592 = tpu.matmul %mul3A_585, %get3A_11, %dot_general3A_591 {dimension_numbers = #tpu.dot_dimension_numbers<[1], [0], [0], [1], [0, 0, 1, 1], [], []>, transpose_lhs_hint = false} : vector<2x64xf32>, vector<64x256xf32>, vector<2x256xf32> -> vector<2x256xf32>
    %add3A_593 = arith.addf %dot_general3A_590, %dot_general3A_592 : vector<2x256xf32>
    %add3A_594 = vector.broadcast %add3A : vector<1x256xf32> to vector<2x256xf32>
    %add3A_595 = arith.addf %add3A_593, %add3A_594 : vector<2x256xf32>
    %slice3A_596 = vector.extract_strided_slice %add3A_595 {offsets = [0, 0], sizes = [2, 64], strides = [1, 1]} : vector<2x256xf32> to vector<2x64xf32>
    %logistic3A_597 = arith.negf %slice3A_596 : vector<2x64xf32>
    %logistic3A_598 = math.exp %logistic3A_597 : vector<2x64xf32>
    %logistic3A_599 = arith.constant 1.000000e+00 : f32
    %logistic3A_600 = vector.broadcast %logistic3A_599 : f32 to vector<2x64xf32>
    %logistic3A_601 = arith.addf %logistic3A_600, %logistic3A_598 : vector<2x64xf32>
    %logistic3A_602 = arith.divf %logistic3A_600, %logistic3A_601 : vector<2x64xf32>
    %slice3A_603 = vector.extract_strided_slice %add3A_595 {offsets = [0, 64], sizes = [2, 64], strides = [1, 1]} : vector<2x256xf32> to vector<2x64xf32>
    %logistic3A_604 = arith.negf %slice3A_603 : vector<2x64xf32>
    %logistic3A_605 = math.exp %logistic3A_604 : vector<2x64xf32>
    %logistic3A_606 = arith.constant 1.000000e+00 : f32
    %logistic3A_607 = vector.broadcast %logistic3A_606 : f32 to vector<2x64xf32>
    %logistic3A_608 = arith.addf %logistic3A_607, %logistic3A_605 : vector<2x64xf32>
    %logistic3A_609 = arith.divf %logistic3A_607, %logistic3A_608 : vector<2x64xf32>
    %slice3A_610 = vector.extract_strided_slice %add3A_595 {offsets = [0, 128], sizes = [2, 64], strides = [1, 1]} : vector<2x256xf32> to vector<2x64xf32>
    %tanh3A_611 = math.tanh %slice3A_610 : vector<2x64xf32>
    %slice3A_612 = vector.extract_strided_slice %add3A_595 {offsets = [0, 192], sizes = [2, 64], strides = [1, 1]} : vector<2x256xf32> to vector<2x64xf32>
    %logistic3A_613 = arith.negf %slice3A_612 : vector<2x64xf32>
    %logistic3A_614 = math.exp %logistic3A_613 : vector<2x64xf32>
    %logistic3A_615 = arith.constant 1.000000e+00 : f32
    %logistic3A_616 = vector.broadcast %logistic3A_615 : f32 to vector<2x64xf32>
    %logistic3A_617 = arith.addf %logistic3A_616, %logistic3A_614 : vector<2x64xf32>
    %logistic3A_618 = arith.divf %logistic3A_616, %logistic3A_617 : vector<2x64xf32>
    %mul3A_619 = arith.mulf %logistic3A_609, %add3A_583 : vector<2x64xf32>
    %mul3A_620 = arith.mulf %logistic3A_602, %tanh3A_611 : vector<2x64xf32>
    %add3A_621 = arith.addf %mul3A_619, %mul3A_620 : vector<2x64xf32>
    %tanh3A_622 = math.tanh %add3A_621 : vector<2x64xf32>
    %mul3A_623 = arith.mulf %logistic3A_618, %tanh3A_622 : vector<2x64xf32>
    %get3A_624 = arith.constant 0 : index
    %get3A_625 = arith.constant 0 : index
    %get3A_626 = vector.load %arg5[%get3A_624, %get3A_625] : memref<64x256xf32, #tpu.memory_space<vmem>>, vector<64x256xf32>
    %get3A_627 = arith.constant 0 : index
    %get3A_628 = arith.constant 0 : index
    %get3A_629 = vector.load %arg6[%get3A_627, %get3A_628] : memref<64x256xf32, #tpu.memory_space<vmem>>, vector<64x256xf32>
    %get3A_630 = arith.constant 0 : index
    %get3A_631 = arith.constant 0 : index
    %get3A_632 = vector.load %arg7[%get3A_630, %get3A_631] : memref<1x256xf32, #tpu.memory_space<vmem>>, vector<1x256xf32>
    %get3A_633 = arith.constant 0 : index
    %get3A_634 = arith.constant 0 : index
    %get3A_635 = vector.load %arg8[%get3A_633, %get3A_634] : memref<1x256xf32, #tpu.memory_space<vmem>>, vector<1x256xf32>
    %add3A_636 = arith.addf %get3A_632, %get3A_635 : vector<1x256xf32>
    %broadcast_in_dim3A_637 = arith.constant 0.000000e+00 : f32
    %broadcast_in_dim3A_638 = vector.broadcast %broadcast_in_dim3A_637 : f32 to vector<2x64xf32>
    %broadcast_in_dim3A_639 = arith.constant 0.000000e+00 : f32
    %broadcast_in_dim3A_640 = vector.broadcast %broadcast_in_dim3A_639 : f32 to vector<2x64xf32>
    %dot_general3A_641 = arith.constant dense<0.000000e+00> : vector<2x256xf32>
    %dot_general3A_642 = tpu.matmul %mul3A_53, %get3A_626, %dot_general3A_641 {dimension_numbers = #tpu.dot_dimension_numbers<[1], [0], [0], [1], [0, 0, 1, 1], [], []>, transpose_lhs_hint = false} : vector<2x64xf32>, vector<64x256xf32>, vector<2x256xf32> -> vector<2x256xf32>
    %dot_general3A_643 = arith.constant dense<0.000000e+00> : vector<2x256xf32>
    %dot_general3A_644 = tpu.matmul %broadcast_in_dim3A_638, %get3A_629, %dot_general3A_643 {dimension_numbers = #tpu.dot_dimension_numbers<[1], [0], [0], [1], [0, 0, 1, 1], [], []>, transpose_lhs_hint = false} : vector<2x64xf32>, vector<64x256xf32>, vector<2x256xf32> -> vector<2x256xf32>
    %add3A_645 = arith.addf %dot_general3A_642, %dot_general3A_644 : vector<2x256xf32>
    %add3A_646 = vector.broadcast %add3A_636 : vector<1x256xf32> to vector<2x256xf32>
    %add3A_647 = arith.addf %add3A_645, %add3A_646 : vector<2x256xf32>
    %slice3A_648 = vector.extract_strided_slice %add3A_647 {offsets = [0, 0], sizes = [2, 64], strides = [1, 1]} : vector<2x256xf32> to vector<2x64xf32>
    %logistic3A_649 = arith.negf %slice3A_648 : vector<2x64xf32>
    %logistic3A_650 = math.exp %logistic3A_649 : vector<2x64xf32>
    %logistic3A_651 = arith.constant 1.000000e+00 : f32
    %logistic3A_652 = vector.broadcast %logistic3A_651 : f32 to vector<2x64xf32>
    %logistic3A_653 = arith.addf %logistic3A_652, %logistic3A_650 : vector<2x64xf32>
    %logistic3A_654 = arith.divf %logistic3A_652, %logistic3A_653 : vector<2x64xf32>
    %slice3A_655 = vector.extract_strided_slice %add3A_647 {offsets = [0, 64], sizes = [2, 64], strides = [1, 1]} : vector<2x256xf32> to vector<2x64xf32>
    %logistic3A_656 = arith.negf %slice3A_655 : vector<2x64xf32>
    %logistic3A_657 = math.exp %logistic3A_656 : vector<2x64xf32>
    %logistic3A_658 = arith.constant 1.000000e+00 : f32
    %logistic3A_659 = vector.broadcast %logistic3A_658 : f32 to vector<2x64xf32>
    %logistic3A_660 = arith.addf %logistic3A_659, %logistic3A_657 : vector<2x64xf32>
    %logistic3A_661 = arith.divf %logistic3A_659, %logistic3A_660 : vector<2x64xf32>
    %slice3A_662 = vector.extract_strided_slice %add3A_647 {offsets = [0, 128], sizes = [2, 64], strides = [1, 1]} : vector<2x256xf32> to vector<2x64xf32>
    %tanh3A_663 = math.tanh %slice3A_662 : vector<2x64xf32>
    %slice3A_664 = vector.extract_strided_slice %add3A_647 {offsets = [0, 192], sizes = [2, 64], strides = [1, 1]} : vector<2x256xf32> to vector<2x64xf32>
    %logistic3A_665 = arith.negf %slice3A_664 : vector<2x64xf32>
    %logistic3A_666 = math.exp %logistic3A_665 : vector<2x64xf32>
    %logistic3A_667 = arith.constant 1.000000e+00 : f32
    %logistic3A_668 = vector.broadcast %logistic3A_667 : f32 to vector<2x64xf32>
    %logistic3A_669 = arith.addf %logistic3A_668, %logistic3A_666 : vector<2x64xf32>
    %logistic3A_670 = arith.divf %logistic3A_668, %logistic3A_669 : vector<2x64xf32>
    %mul3A_671 = arith.mulf %logistic3A_661, %broadcast_in_dim3A_640 : vector<2x64xf32>
    %mul3A_672 = arith.mulf %logistic3A_654, %tanh3A_663 : vector<2x64xf32>
    %add3A_673 = arith.addf %mul3A_671, %mul3A_672 : vector<2x64xf32>
    %tanh3A_674 = math.tanh %add3A_673 : vector<2x64xf32>
    %mul3A_675 = arith.mulf %logistic3A_670, %tanh3A_674 : vector<2x64xf32>
    %dot_general3A_676 = arith.constant dense<0.000000e+00> : vector<2x256xf32>
    %dot_general3A_677 = tpu.matmul %mul3A_91, %get3A_626, %dot_general3A_676 {dimension_numbers = #tpu.dot_dimension_numbers<[1], [0], [0], [1], [0, 0, 1, 1], [], []>, transpose_lhs_hint = false} : vector<2x64xf32>, vector<64x256xf32>, vector<2x256xf32> -> vector<2x256xf32>
    %dot_general3A_678 = arith.constant dense<0.000000e+00> : vector<2x256xf32>
    %dot_general3A_679 = tpu.matmul %mul3A_675, %get3A_629, %dot_general3A_678 {dimension_numbers = #tpu.dot_dimension_numbers<[1], [0], [0], [1], [0, 0, 1, 1], [], []>, transpose_lhs_hint = false} : vector<2x64xf32>, vector<64x256xf32>, vector<2x256xf32> -> vector<2x256xf32>
    %add3A_680 = arith.addf %dot_general3A_677, %dot_general3A_679 : vector<2x256xf32>
    %add3A_681 = vector.broadcast %add3A_636 : vector<1x256xf32> to vector<2x256xf32>
    %add3A_682 = arith.addf %add3A_680, %add3A_681 : vector<2x256xf32>
    %slice3A_683 = vector.extract_strided_slice %add3A_682 {offsets = [0, 0], sizes = [2, 64], strides = [1, 1]} : vector<2x256xf32> to vector<2x64xf32>
    %logistic3A_684 = arith.negf %slice3A_683 : vector<2x64xf32>
    %logistic3A_685 = math.exp %logistic3A_684 : vector<2x64xf32>
    %logistic3A_686 = arith.constant 1.000000e+00 : f32
    %logistic3A_687 = vector.broadcast %logistic3A_686 : f32 to vector<2x64xf32>
    %logistic3A_688 = arith.addf %logistic3A_687, %logistic3A_685 : vector<2x64xf32>
    %logistic3A_689 = arith.divf %logistic3A_687, %logistic3A_688 : vector<2x64xf32>
    %slice3A_690 = vector.extract_strided_slice %add3A_682 {offsets = [0, 64], sizes = [2, 64], strides = [1, 1]} : vector<2x256xf32> to vector<2x64xf32>
    %logistic3A_691 = arith.negf %slice3A_690 : vector<2x64xf32>
    %logistic3A_692 = math.exp %logistic3A_691 : vector<2x64xf32>
    %logistic3A_693 = arith.constant 1.000000e+00 : f32
    %logistic3A_694 = vector.broadcast %logistic3A_693 : f32 to vector<2x64xf32>
    %logistic3A_695 = arith.addf %logistic3A_694, %logistic3A_692 : vector<2x64xf32>
    %logistic3A_696 = arith.divf %logistic3A_694, %logistic3A_695 : vector<2x64xf32>
    %slice3A_697 = vector.extract_strided_slice %add3A_682 {offsets = [0, 128], sizes = [2, 64], strides = [1, 1]} : vector<2x256xf32> to vector<2x64xf32>
    %tanh3A_698 = math.tanh %slice3A_697 : vector<2x64xf32>
    %slice3A_699 = vector.extract_strided_slice %add3A_682 {offsets = [0, 192], sizes = [2, 64], strides = [1, 1]} : vector<2x256xf32> to vector<2x64xf32>
    %logistic3A_700 = arith.negf %slice3A_699 : vector<2x64xf32>
    %logistic3A_701 = math.exp %logistic3A_700 : vector<2x64xf32>
    %logistic3A_702 = arith.constant 1.000000e+00 : f32
    %logistic3A_703 = vector.broadcast %logistic3A_702 : f32 to vector<2x64xf32>
    %logistic3A_704 = arith.addf %logistic3A_703, %logistic3A_701 : vector<2x64xf32>
    %logistic3A_705 = arith.divf %logistic3A_703, %logistic3A_704 : vector<2x64xf32>
    %mul3A_706 = arith.mulf %logistic3A_696, %add3A_673 : vector<2x64xf32>
    %mul3A_707 = arith.mulf %logistic3A_689, %tanh3A_698 : vector<2x64xf32>
    %add3A_708 = arith.addf %mul3A_706, %mul3A_707 : vector<2x64xf32>
    %tanh3A_709 = math.tanh %add3A_708 : vector<2x64xf32>
    %mul3A_710 = arith.mulf %logistic3A_705, %tanh3A_709 : vector<2x64xf32>
    %dot_general3A_711 = arith.constant dense<0.000000e+00> : vector<2x256xf32>
    %dot_general3A_712 = tpu.matmul %mul3A_129, %get3A_626, %dot_general3A_711 {dimension_numbers = #tpu.dot_dimension_numbers<[1], [0], [0], [1], [0, 0, 1, 1], [], []>, transpose_lhs_hint = false} : vector<2x64xf32>, vector<64x256xf32>, vector<2x256xf32> -> vector<2x256xf32>
    %dot_general3A_713 = arith.constant dense<0.000000e+00> : vector<2x256xf32>
    %dot_general3A_714 = tpu.matmul %mul3A_710, %get3A_629, %dot_general3A_713 {dimension_numbers = #tpu.dot_dimension_numbers<[1], [0], [0], [1], [0, 0, 1, 1], [], []>, transpose_lhs_hint = false} : vector<2x64xf32>, vector<64x256xf32>, vector<2x256xf32> -> vector<2x256xf32>
    %add3A_715 = arith.addf %dot_general3A_712, %dot_general3A_714 : vector<2x256xf32>
    %add3A_716 = vector.broadcast %add3A_636 : vector<1x256xf32> to vector<2x256xf32>
    %add3A_717 = arith.addf %add3A_715, %add3A_716 : vector<2x256xf32>
    %slice3A_718 = vector.extract_strided_slice %add3A_717 {offsets = [0, 0], sizes = [2, 64], strides = [1, 1]} : vector<2x256xf32> to vector<2x64xf32>
    %logistic3A_719 = arith.negf %slice3A_718 : vector<2x64xf32>
    %logistic3A_720 = math.exp %logistic3A_719 : vector<2x64xf32>
    %logistic3A_721 = arith.constant 1.000000e+00 : f32
    %logistic3A_722 = vector.broadcast %logistic3A_721 : f32 to vector<2x64xf32>
    %logistic3A_723 = arith.addf %logistic3A_722, %logistic3A_720 : vector<2x64xf32>
    %logistic3A_724 = arith.divf %logistic3A_722, %logistic3A_723 : vector<2x64xf32>
    %slice3A_725 = vector.extract_strided_slice %add3A_717 {offsets = [0, 64], sizes = [2, 64], strides = [1, 1]} : vector<2x256xf32> to vector<2x64xf32>
    %logistic3A_726 = arith.negf %slice3A_725 : vector<2x64xf32>
    %logistic3A_727 = math.exp %logistic3A_726 : vector<2x64xf32>
    %logistic3A_728 = arith.constant 1.000000e+00 : f32
    %logistic3A_729 = vector.broadcast %logistic3A_728 : f32 to vector<2x64xf32>
    %logistic3A_730 = arith.addf %logistic3A_729, %logistic3A_727 : vector<2x64xf32>
    %logistic3A_731 = arith.divf %logistic3A_729, %logistic3A_730 : vector<2x64xf32>
    %slice3A_732 = vector.extract_strided_slice %add3A_717 {offsets = [0, 128], sizes = [2, 64], strides = [1, 1]} : vector<2x256xf32> to vector<2x64xf32>
    %tanh3A_733 = math.tanh %slice3A_732 : vector<2x64xf32>
    %slice3A_734 = vector.extract_strided_slice %add3A_717 {offsets = [0, 192], sizes = [2, 64], strides = [1, 1]} : vector<2x256xf32> to vector<2x64xf32>
    %logistic3A_735 = arith.negf %slice3A_734 : vector<2x64xf32>
    %logistic3A_736 = math.exp %logistic3A_735 : vector<2x64xf32>
    %logistic3A_737 = arith.constant 1.000000e+00 : f32
    %logistic3A_738 = vector.broadcast %logistic3A_737 : f32 to vector<2x64xf32>
    %logistic3A_739 = arith.addf %logistic3A_738, %logistic3A_736 : vector<2x64xf32>
    %logistic3A_740 = arith.divf %logistic3A_738, %logistic3A_739 : vector<2x64xf32>
    %mul3A_741 = arith.mulf %logistic3A_731, %add3A_708 : vector<2x64xf32>
    %mul3A_742 = arith.mulf %logistic3A_724, %tanh3A_733 : vector<2x64xf32>
    %add3A_743 = arith.addf %mul3A_741, %mul3A_742 : vector<2x64xf32>
    %tanh3A_744 = math.tanh %add3A_743 : vector<2x64xf32>
    %mul3A_745 = arith.mulf %logistic3A_740, %tanh3A_744 : vector<2x64xf32>
    %dot_general3A_746 = arith.constant dense<0.000000e+00> : vector<2x256xf32>
    %dot_general3A_747 = tpu.matmul %mul3A_167, %get3A_626, %dot_general3A_746 {dimension_numbers = #tpu.dot_dimension_numbers<[1], [0], [0], [1], [0, 0, 1, 1], [], []>, transpose_lhs_hint = false} : vector<2x64xf32>, vector<64x256xf32>, vector<2x256xf32> -> vector<2x256xf32>
    %dot_general3A_748 = arith.constant dense<0.000000e+00> : vector<2x256xf32>
    %dot_general3A_749 = tpu.matmul %mul3A_745, %get3A_629, %dot_general3A_748 {dimension_numbers = #tpu.dot_dimension_numbers<[1], [0], [0], [1], [0, 0, 1, 1], [], []>, transpose_lhs_hint = false} : vector<2x64xf32>, vector<64x256xf32>, vector<2x256xf32> -> vector<2x256xf32>
    %add3A_750 = arith.addf %dot_general3A_747, %dot_general3A_749 : vector<2x256xf32>
    %add3A_751 = vector.broadcast %add3A_636 : vector<1x256xf32> to vector<2x256xf32>
    %add3A_752 = arith.addf %add3A_750, %add3A_751 : vector<2x256xf32>
    %slice3A_753 = vector.extract_strided_slice %add3A_752 {offsets = [0, 0], sizes = [2, 64], strides = [1, 1]} : vector<2x256xf32> to vector<2x64xf32>
    %logistic3A_754 = arith.negf %slice3A_753 : vector<2x64xf32>
    %logistic3A_755 = math.exp %logistic3A_754 : vector<2x64xf32>
    %logistic3A_756 = arith.constant 1.000000e+00 : f32
    %logistic3A_757 = vector.broadcast %logistic3A_756 : f32 to vector<2x64xf32>
    %logistic3A_758 = arith.addf %logistic3A_757, %logistic3A_755 : vector<2x64xf32>
    %logistic3A_759 = arith.divf %logistic3A_757, %logistic3A_758 : vector<2x64xf32>
    %slice3A_760 = vector.extract_strided_slice %add3A_752 {offsets = [0, 64], sizes = [2, 64], strides = [1, 1]} : vector<2x256xf32> to vector<2x64xf32>
    %logistic3A_761 = arith.negf %slice3A_760 : vector<2x64xf32>
    %logistic3A_762 = math.exp %logistic3A_761 : vector<2x64xf32>
    %logistic3A_763 = arith.constant 1.000000e+00 : f32
    %logistic3A_764 = vector.broadcast %logistic3A_763 : f32 to vector<2x64xf32>
    %logistic3A_765 = arith.addf %logistic3A_764, %logistic3A_762 : vector<2x64xf32>
    %logistic3A_766 = arith.divf %logistic3A_764, %logistic3A_765 : vector<2x64xf32>
    %slice3A_767 = vector.extract_strided_slice %add3A_752 {offsets = [0, 128], sizes = [2, 64], strides = [1, 1]} : vector<2x256xf32> to vector<2x64xf32>
    %tanh3A_768 = math.tanh %slice3A_767 : vector<2x64xf32>
    %slice3A_769 = vector.extract_strided_slice %add3A_752 {offsets = [0, 192], sizes = [2, 64], strides = [1, 1]} : vector<2x256xf32> to vector<2x64xf32>
    %logistic3A_770 = arith.negf %slice3A_769 : vector<2x64xf32>
    %logistic3A_771 = math.exp %logistic3A_770 : vector<2x64xf32>
    %logistic3A_772 = arith.constant 1.000000e+00 : f32
    %logistic3A_773 = vector.broadcast %logistic3A_772 : f32 to vector<2x64xf32>
    %logistic3A_774 = arith.addf %logistic3A_773, %logistic3A_771 : vector<2x64xf32>
    %logistic3A_775 = arith.divf %logistic3A_773, %logistic3A_774 : vector<2x64xf32>
    %mul3A_776 = arith.mulf %logistic3A_766, %add3A_743 : vector<2x64xf32>
    %mul3A_777 = arith.mulf %logistic3A_759, %tanh3A_768 : vector<2x64xf32>
    %add3A_778 = arith.addf %mul3A_776, %mul3A_777 : vector<2x64xf32>
    %tanh3A_779 = math.tanh %add3A_778 : vector<2x64xf32>
    %mul3A_780 = arith.mulf %logistic3A_775, %tanh3A_779 : vector<2x64xf32>
    %dot_general3A_781 = arith.constant dense<0.000000e+00> : vector<2x256xf32>
    %dot_general3A_782 = tpu.matmul %mul3A_205, %get3A_626, %dot_general3A_781 {dimension_numbers = #tpu.dot_dimension_numbers<[1], [0], [0], [1], [0, 0, 1, 1], [], []>, transpose_lhs_hint = false} : vector<2x64xf32>, vector<64x256xf32>, vector<2x256xf32> -> vector<2x256xf32>
    %dot_general3A_783 = arith.constant dense<0.000000e+00> : vector<2x256xf32>
    %dot_general3A_784 = tpu.matmul %mul3A_780, %get3A_629, %dot_general3A_783 {dimension_numbers = #tpu.dot_dimension_numbers<[1], [0], [0], [1], [0, 0, 1, 1], [], []>, transpose_lhs_hint = false} : vector<2x64xf32>, vector<64x256xf32>, vector<2x256xf32> -> vector<2x256xf32>
    %add3A_785 = arith.addf %dot_general3A_782, %dot_general3A_784 : vector<2x256xf32>
    %add3A_786 = vector.broadcast %add3A_636 : vector<1x256xf32> to vector<2x256xf32>
    %add3A_787 = arith.addf %add3A_785, %add3A_786 : vector<2x256xf32>
    %slice3A_788 = vector.extract_strided_slice %add3A_787 {offsets = [0, 0], sizes = [2, 64], strides = [1, 1]} : vector<2x256xf32> to vector<2x64xf32>
    %logistic3A_789 = arith.negf %slice3A_788 : vector<2x64xf32>
    %logistic3A_790 = math.exp %logistic3A_789 : vector<2x64xf32>
    %logistic3A_791 = arith.constant 1.000000e+00 : f32
    %logistic3A_792 = vector.broadcast %logistic3A_791 : f32 to vector<2x64xf32>
    %logistic3A_793 = arith.addf %logistic3A_792, %logistic3A_790 : vector<2x64xf32>
    %logistic3A_794 = arith.divf %logistic3A_792, %logistic3A_793 : vector<2x64xf32>
    %slice3A_795 = vector.extract_strided_slice %add3A_787 {offsets = [0, 64], sizes = [2, 64], strides = [1, 1]} : vector<2x256xf32> to vector<2x64xf32>
    %logistic3A_796 = arith.negf %slice3A_795 : vector<2x64xf32>
    %logistic3A_797 = math.exp %logistic3A_796 : vector<2x64xf32>
    %logistic3A_798 = arith.constant 1.000000e+00 : f32
    %logistic3A_799 = vector.broadcast %logistic3A_798 : f32 to vector<2x64xf32>
    %logistic3A_800 = arith.addf %logistic3A_799, %logistic3A_797 : vector<2x64xf32>
    %logistic3A_801 = arith.divf %logistic3A_799, %logistic3A_800 : vector<2x64xf32>
    %slice3A_802 = vector.extract_strided_slice %add3A_787 {offsets = [0, 128], sizes = [2, 64], strides = [1, 1]} : vector<2x256xf32> to vector<2x64xf32>
    %tanh3A_803 = math.tanh %slice3A_802 : vector<2x64xf32>
    %slice3A_804 = vector.extract_strided_slice %add3A_787 {offsets = [0, 192], sizes = [2, 64], strides = [1, 1]} : vector<2x256xf32> to vector<2x64xf32>
    %logistic3A_805 = arith.negf %slice3A_804 : vector<2x64xf32>
    %logistic3A_806 = math.exp %logistic3A_805 : vector<2x64xf32>
    %logistic3A_807 = arith.constant 1.000000e+00 : f32
    %logistic3A_808 = vector.broadcast %logistic3A_807 : f32 to vector<2x64xf32>
    %logistic3A_809 = arith.addf %logistic3A_808, %logistic3A_806 : vector<2x64xf32>
    %logistic3A_810 = arith.divf %logistic3A_808, %logistic3A_809 : vector<2x64xf32>
    %mul3A_811 = arith.mulf %logistic3A_801, %add3A_778 : vector<2x64xf32>
    %mul3A_812 = arith.mulf %logistic3A_794, %tanh3A_803 : vector<2x64xf32>
    %add3A_813 = arith.addf %mul3A_811, %mul3A_812 : vector<2x64xf32>
    %tanh3A_814 = math.tanh %add3A_813 : vector<2x64xf32>
    %mul3A_815 = arith.mulf %logistic3A_810, %tanh3A_814 : vector<2x64xf32>
    %dot_general3A_816 = arith.constant dense<0.000000e+00> : vector<2x256xf32>
    %dot_general3A_817 = tpu.matmul %mul3A_243, %get3A_626, %dot_general3A_816 {dimension_numbers = #tpu.dot_dimension_numbers<[1], [0], [0], [1], [0, 0, 1, 1], [], []>, transpose_lhs_hint = false} : vector<2x64xf32>, vector<64x256xf32>, vector<2x256xf32> -> vector<2x256xf32>
    %dot_general3A_818 = arith.constant dense<0.000000e+00> : vector<2x256xf32>
    %dot_general3A_819 = tpu.matmul %mul3A_815, %get3A_629, %dot_general3A_818 {dimension_numbers = #tpu.dot_dimension_numbers<[1], [0], [0], [1], [0, 0, 1, 1], [], []>, transpose_lhs_hint = false} : vector<2x64xf32>, vector<64x256xf32>, vector<2x256xf32> -> vector<2x256xf32>
    %add3A_820 = arith.addf %dot_general3A_817, %dot_general3A_819 : vector<2x256xf32>
    %add3A_821 = vector.broadcast %add3A_636 : vector<1x256xf32> to vector<2x256xf32>
    %add3A_822 = arith.addf %add3A_820, %add3A_821 : vector<2x256xf32>
    %slice3A_823 = vector.extract_strided_slice %add3A_822 {offsets = [0, 0], sizes = [2, 64], strides = [1, 1]} : vector<2x256xf32> to vector<2x64xf32>
    %logistic3A_824 = arith.negf %slice3A_823 : vector<2x64xf32>
    %logistic3A_825 = math.exp %logistic3A_824 : vector<2x64xf32>
    %logistic3A_826 = arith.constant 1.000000e+00 : f32
    %logistic3A_827 = vector.broadcast %logistic3A_826 : f32 to vector<2x64xf32>
    %logistic3A_828 = arith.addf %logistic3A_827, %logistic3A_825 : vector<2x64xf32>
    %logistic3A_829 = arith.divf %logistic3A_827, %logistic3A_828 : vector<2x64xf32>
    %slice3A_830 = vector.extract_strided_slice %add3A_822 {offsets = [0, 64], sizes = [2, 64], strides = [1, 1]} : vector<2x256xf32> to vector<2x64xf32>
    %logistic3A_831 = arith.negf %slice3A_830 : vector<2x64xf32>
    %logistic3A_832 = math.exp %logistic3A_831 : vector<2x64xf32>
    %logistic3A_833 = arith.constant 1.000000e+00 : f32
    %logistic3A_834 = vector.broadcast %logistic3A_833 : f32 to vector<2x64xf32>
    %logistic3A_835 = arith.addf %logistic3A_834, %logistic3A_832 : vector<2x64xf32>
    %logistic3A_836 = arith.divf %logistic3A_834, %logistic3A_835 : vector<2x64xf32>
    %slice3A_837 = vector.extract_strided_slice %add3A_822 {offsets = [0, 128], sizes = [2, 64], strides = [1, 1]} : vector<2x256xf32> to vector<2x64xf32>
    %tanh3A_838 = math.tanh %slice3A_837 : vector<2x64xf32>
    %slice3A_839 = vector.extract_strided_slice %add3A_822 {offsets = [0, 192], sizes = [2, 64], strides = [1, 1]} : vector<2x256xf32> to vector<2x64xf32>
    %logistic3A_840 = arith.negf %slice3A_839 : vector<2x64xf32>
    %logistic3A_841 = math.exp %logistic3A_840 : vector<2x64xf32>
    %logistic3A_842 = arith.constant 1.000000e+00 : f32
    %logistic3A_843 = vector.broadcast %logistic3A_842 : f32 to vector<2x64xf32>
    %logistic3A_844 = arith.addf %logistic3A_843, %logistic3A_841 : vector<2x64xf32>
    %logistic3A_845 = arith.divf %logistic3A_843, %logistic3A_844 : vector<2x64xf32>
    %mul3A_846 = arith.mulf %logistic3A_836, %add3A_813 : vector<2x64xf32>
    %mul3A_847 = arith.mulf %logistic3A_829, %tanh3A_838 : vector<2x64xf32>
    %add3A_848 = arith.addf %mul3A_846, %mul3A_847 : vector<2x64xf32>
    %tanh3A_849 = math.tanh %add3A_848 : vector<2x64xf32>
    %mul3A_850 = arith.mulf %logistic3A_845, %tanh3A_849 : vector<2x64xf32>
    %dot_general3A_851 = arith.constant dense<0.000000e+00> : vector<2x256xf32>
    %dot_general3A_852 = tpu.matmul %mul3A_281, %get3A_626, %dot_general3A_851 {dimension_numbers = #tpu.dot_dimension_numbers<[1], [0], [0], [1], [0, 0, 1, 1], [], []>, transpose_lhs_hint = false} : vector<2x64xf32>, vector<64x256xf32>, vector<2x256xf32> -> vector<2x256xf32>
    %dot_general3A_853 = arith.constant dense<0.000000e+00> : vector<2x256xf32>
    %dot_general3A_854 = tpu.matmul %mul3A_850, %get3A_629, %dot_general3A_853 {dimension_numbers = #tpu.dot_dimension_numbers<[1], [0], [0], [1], [0, 0, 1, 1], [], []>, transpose_lhs_hint = false} : vector<2x64xf32>, vector<64x256xf32>, vector<2x256xf32> -> vector<2x256xf32>
    %add3A_855 = arith.addf %dot_general3A_852, %dot_general3A_854 : vector<2x256xf32>
    %add3A_856 = vector.broadcast %add3A_636 : vector<1x256xf32> to vector<2x256xf32>
    %add3A_857 = arith.addf %add3A_855, %add3A_856 : vector<2x256xf32>
    %slice3A_858 = vector.extract_strided_slice %add3A_857 {offsets = [0, 0], sizes = [2, 64], strides = [1, 1]} : vector<2x256xf32> to vector<2x64xf32>
    %logistic3A_859 = arith.negf %slice3A_858 : vector<2x64xf32>
    %logistic3A_860 = math.exp %logistic3A_859 : vector<2x64xf32>
    %logistic3A_861 = arith.constant 1.000000e+00 : f32
    %logistic3A_862 = vector.broadcast %logistic3A_861 : f32 to vector<2x64xf32>
    %logistic3A_863 = arith.addf %logistic3A_862, %logistic3A_860 : vector<2x64xf32>
    %logistic3A_864 = arith.divf %logistic3A_862, %logistic3A_863 : vector<2x64xf32>
    %slice3A_865 = vector.extract_strided_slice %add3A_857 {offsets = [0, 64], sizes = [2, 64], strides = [1, 1]} : vector<2x256xf32> to vector<2x64xf32>
    %logistic3A_866 = arith.negf %slice3A_865 : vector<2x64xf32>
    %logistic3A_867 = math.exp %logistic3A_866 : vector<2x64xf32>
    %logistic3A_868 = arith.constant 1.000000e+00 : f32
    %logistic3A_869 = vector.broadcast %logistic3A_868 : f32 to vector<2x64xf32>
    %logistic3A_870 = arith.addf %logistic3A_869, %logistic3A_867 : vector<2x64xf32>
    %logistic3A_871 = arith.divf %logistic3A_869, %logistic3A_870 : vector<2x64xf32>
    %slice3A_872 = vector.extract_strided_slice %add3A_857 {offsets = [0, 128], sizes = [2, 64], strides = [1, 1]} : vector<2x256xf32> to vector<2x64xf32>
    %tanh3A_873 = math.tanh %slice3A_872 : vector<2x64xf32>
    %slice3A_874 = vector.extract_strided_slice %add3A_857 {offsets = [0, 192], sizes = [2, 64], strides = [1, 1]} : vector<2x256xf32> to vector<2x64xf32>
    %logistic3A_875 = arith.negf %slice3A_874 : vector<2x64xf32>
    %logistic3A_876 = math.exp %logistic3A_875 : vector<2x64xf32>
    %logistic3A_877 = arith.constant 1.000000e+00 : f32
    %logistic3A_878 = vector.broadcast %logistic3A_877 : f32 to vector<2x64xf32>
    %logistic3A_879 = arith.addf %logistic3A_878, %logistic3A_876 : vector<2x64xf32>
    %logistic3A_880 = arith.divf %logistic3A_878, %logistic3A_879 : vector<2x64xf32>
    %mul3A_881 = arith.mulf %logistic3A_871, %add3A_848 : vector<2x64xf32>
    %mul3A_882 = arith.mulf %logistic3A_864, %tanh3A_873 : vector<2x64xf32>
    %add3A_883 = arith.addf %mul3A_881, %mul3A_882 : vector<2x64xf32>
    %tanh3A_884 = math.tanh %add3A_883 : vector<2x64xf32>
    %mul3A_885 = arith.mulf %logistic3A_880, %tanh3A_884 : vector<2x64xf32>
    %dot_general3A_886 = arith.constant dense<0.000000e+00> : vector<2x256xf32>
    %dot_general3A_887 = tpu.matmul %mul3A_319, %get3A_626, %dot_general3A_886 {dimension_numbers = #tpu.dot_dimension_numbers<[1], [0], [0], [1], [0, 0, 1, 1], [], []>, transpose_lhs_hint = false} : vector<2x64xf32>, vector<64x256xf32>, vector<2x256xf32> -> vector<2x256xf32>
    %dot_general3A_888 = arith.constant dense<0.000000e+00> : vector<2x256xf32>
    %dot_general3A_889 = tpu.matmul %mul3A_885, %get3A_629, %dot_general3A_888 {dimension_numbers = #tpu.dot_dimension_numbers<[1], [0], [0], [1], [0, 0, 1, 1], [], []>, transpose_lhs_hint = false} : vector<2x64xf32>, vector<64x256xf32>, vector<2x256xf32> -> vector<2x256xf32>
    %add3A_890 = arith.addf %dot_general3A_887, %dot_general3A_889 : vector<2x256xf32>
    %add3A_891 = vector.broadcast %add3A_636 : vector<1x256xf32> to vector<2x256xf32>
    %add3A_892 = arith.addf %add3A_890, %add3A_891 : vector<2x256xf32>
    %slice3A_893 = vector.extract_strided_slice %add3A_892 {offsets = [0, 0], sizes = [2, 64], strides = [1, 1]} : vector<2x256xf32> to vector<2x64xf32>
    %logistic3A_894 = arith.negf %slice3A_893 : vector<2x64xf32>
    %logistic3A_895 = math.exp %logistic3A_894 : vector<2x64xf32>
    %logistic3A_896 = arith.constant 1.000000e+00 : f32
    %logistic3A_897 = vector.broadcast %logistic3A_896 : f32 to vector<2x64xf32>
    %logistic3A_898 = arith.addf %logistic3A_897, %logistic3A_895 : vector<2x64xf32>
    %logistic3A_899 = arith.divf %logistic3A_897, %logistic3A_898 : vector<2x64xf32>
    %slice3A_900 = vector.extract_strided_slice %add3A_892 {offsets = [0, 64], sizes = [2, 64], strides = [1, 1]} : vector<2x256xf32> to vector<2x64xf32>
    %logistic3A_901 = arith.negf %slice3A_900 : vector<2x64xf32>
    %logistic3A_902 = math.exp %logistic3A_901 : vector<2x64xf32>
    %logistic3A_903 = arith.constant 1.000000e+00 : f32
    %logistic3A_904 = vector.broadcast %logistic3A_903 : f32 to vector<2x64xf32>
    %logistic3A_905 = arith.addf %logistic3A_904, %logistic3A_902 : vector<2x64xf32>
    %logistic3A_906 = arith.divf %logistic3A_904, %logistic3A_905 : vector<2x64xf32>
    %slice3A_907 = vector.extract_strided_slice %add3A_892 {offsets = [0, 128], sizes = [2, 64], strides = [1, 1]} : vector<2x256xf32> to vector<2x64xf32>
    %tanh3A_908 = math.tanh %slice3A_907 : vector<2x64xf32>
    %slice3A_909 = vector.extract_strided_slice %add3A_892 {offsets = [0, 192], sizes = [2, 64], strides = [1, 1]} : vector<2x256xf32> to vector<2x64xf32>
    %logistic3A_910 = arith.negf %slice3A_909 : vector<2x64xf32>
    %logistic3A_911 = math.exp %logistic3A_910 : vector<2x64xf32>
    %logistic3A_912 = arith.constant 1.000000e+00 : f32
    %logistic3A_913 = vector.broadcast %logistic3A_912 : f32 to vector<2x64xf32>
    %logistic3A_914 = arith.addf %logistic3A_913, %logistic3A_911 : vector<2x64xf32>
    %logistic3A_915 = arith.divf %logistic3A_913, %logistic3A_914 : vector<2x64xf32>
    %mul3A_916 = arith.mulf %logistic3A_906, %add3A_883 : vector<2x64xf32>
    %mul3A_917 = arith.mulf %logistic3A_899, %tanh3A_908 : vector<2x64xf32>
    %add3A_918 = arith.addf %mul3A_916, %mul3A_917 : vector<2x64xf32>
    %tanh3A_919 = math.tanh %add3A_918 : vector<2x64xf32>
    %mul3A_920 = arith.mulf %logistic3A_915, %tanh3A_919 : vector<2x64xf32>
    %dot_general3A_921 = arith.constant dense<0.000000e+00> : vector<2x256xf32>
    %dot_general3A_922 = tpu.matmul %mul3A_357, %get3A_626, %dot_general3A_921 {dimension_numbers = #tpu.dot_dimension_numbers<[1], [0], [0], [1], [0, 0, 1, 1], [], []>, transpose_lhs_hint = false} : vector<2x64xf32>, vector<64x256xf32>, vector<2x256xf32> -> vector<2x256xf32>
    %dot_general3A_923 = arith.constant dense<0.000000e+00> : vector<2x256xf32>
    %dot_general3A_924 = tpu.matmul %mul3A_920, %get3A_629, %dot_general3A_923 {dimension_numbers = #tpu.dot_dimension_numbers<[1], [0], [0], [1], [0, 0, 1, 1], [], []>, transpose_lhs_hint = false} : vector<2x64xf32>, vector<64x256xf32>, vector<2x256xf32> -> vector<2x256xf32>
    %add3A_925 = arith.addf %dot_general3A_922, %dot_general3A_924 : vector<2x256xf32>
    %add3A_926 = vector.broadcast %add3A_636 : vector<1x256xf32> to vector<2x256xf32>
    %add3A_927 = arith.addf %add3A_925, %add3A_926 : vector<2x256xf32>
    %slice3A_928 = vector.extract_strided_slice %add3A_927 {offsets = [0, 0], sizes = [2, 64], strides = [1, 1]} : vector<2x256xf32> to vector<2x64xf32>
    %logistic3A_929 = arith.negf %slice3A_928 : vector<2x64xf32>
    %logistic3A_930 = math.exp %logistic3A_929 : vector<2x64xf32>
    %logistic3A_931 = arith.constant 1.000000e+00 : f32
    %logistic3A_932 = vector.broadcast %logistic3A_931 : f32 to vector<2x64xf32>
    %logistic3A_933 = arith.addf %logistic3A_932, %logistic3A_930 : vector<2x64xf32>
    %logistic3A_934 = arith.divf %logistic3A_932, %logistic3A_933 : vector<2x64xf32>
    %slice3A_935 = vector.extract_strided_slice %add3A_927 {offsets = [0, 64], sizes = [2, 64], strides = [1, 1]} : vector<2x256xf32> to vector<2x64xf32>
    %logistic3A_936 = arith.negf %slice3A_935 : vector<2x64xf32>
    %logistic3A_937 = math.exp %logistic3A_936 : vector<2x64xf32>
    %logistic3A_938 = arith.constant 1.000000e+00 : f32
    %logistic3A_939 = vector.broadcast %logistic3A_938 : f32 to vector<2x64xf32>
    %logistic3A_940 = arith.addf %logistic3A_939, %logistic3A_937 : vector<2x64xf32>
    %logistic3A_941 = arith.divf %logistic3A_939, %logistic3A_940 : vector<2x64xf32>
    %slice3A_942 = vector.extract_strided_slice %add3A_927 {offsets = [0, 128], sizes = [2, 64], strides = [1, 1]} : vector<2x256xf32> to vector<2x64xf32>
    %tanh3A_943 = math.tanh %slice3A_942 : vector<2x64xf32>
    %slice3A_944 = vector.extract_strided_slice %add3A_927 {offsets = [0, 192], sizes = [2, 64], strides = [1, 1]} : vector<2x256xf32> to vector<2x64xf32>
    %logistic3A_945 = arith.negf %slice3A_944 : vector<2x64xf32>
    %logistic3A_946 = math.exp %logistic3A_945 : vector<2x64xf32>
    %logistic3A_947 = arith.constant 1.000000e+00 : f32
    %logistic3A_948 = vector.broadcast %logistic3A_947 : f32 to vector<2x64xf32>
    %logistic3A_949 = arith.addf %logistic3A_948, %logistic3A_946 : vector<2x64xf32>
    %logistic3A_950 = arith.divf %logistic3A_948, %logistic3A_949 : vector<2x64xf32>
    %mul3A_951 = arith.mulf %logistic3A_941, %add3A_918 : vector<2x64xf32>
    %mul3A_952 = arith.mulf %logistic3A_934, %tanh3A_943 : vector<2x64xf32>
    %add3A_953 = arith.addf %mul3A_951, %mul3A_952 : vector<2x64xf32>
    %tanh3A_954 = math.tanh %add3A_953 : vector<2x64xf32>
    %mul3A_955 = arith.mulf %logistic3A_950, %tanh3A_954 : vector<2x64xf32>
    %dot_general3A_956 = arith.constant dense<0.000000e+00> : vector<2x256xf32>
    %dot_general3A_957 = tpu.matmul %mul3A_395, %get3A_626, %dot_general3A_956 {dimension_numbers = #tpu.dot_dimension_numbers<[1], [0], [0], [1], [0, 0, 1, 1], [], []>, transpose_lhs_hint = false} : vector<2x64xf32>, vector<64x256xf32>, vector<2x256xf32> -> vector<2x256xf32>
    %dot_general3A_958 = arith.constant dense<0.000000e+00> : vector<2x256xf32>
    %dot_general3A_959 = tpu.matmul %mul3A_955, %get3A_629, %dot_general3A_958 {dimension_numbers = #tpu.dot_dimension_numbers<[1], [0], [0], [1], [0, 0, 1, 1], [], []>, transpose_lhs_hint = false} : vector<2x64xf32>, vector<64x256xf32>, vector<2x256xf32> -> vector<2x256xf32>
    %add3A_960 = arith.addf %dot_general3A_957, %dot_general3A_959 : vector<2x256xf32>
    %add3A_961 = vector.broadcast %add3A_636 : vector<1x256xf32> to vector<2x256xf32>
    %add3A_962 = arith.addf %add3A_960, %add3A_961 : vector<2x256xf32>
    %slice3A_963 = vector.extract_strided_slice %add3A_962 {offsets = [0, 0], sizes = [2, 64], strides = [1, 1]} : vector<2x256xf32> to vector<2x64xf32>
    %logistic3A_964 = arith.negf %slice3A_963 : vector<2x64xf32>
    %logistic3A_965 = math.exp %logistic3A_964 : vector<2x64xf32>
    %logistic3A_966 = arith.constant 1.000000e+00 : f32
    %logistic3A_967 = vector.broadcast %logistic3A_966 : f32 to vector<2x64xf32>
    %logistic3A_968 = arith.addf %logistic3A_967, %logistic3A_965 : vector<2x64xf32>
    %logistic3A_969 = arith.divf %logistic3A_967, %logistic3A_968 : vector<2x64xf32>
    %slice3A_970 = vector.extract_strided_slice %add3A_962 {offsets = [0, 64], sizes = [2, 64], strides = [1, 1]} : vector<2x256xf32> to vector<2x64xf32>
    %logistic3A_971 = arith.negf %slice3A_970 : vector<2x64xf32>
    %logistic3A_972 = math.exp %logistic3A_971 : vector<2x64xf32>
    %logistic3A_973 = arith.constant 1.000000e+00 : f32
    %logistic3A_974 = vector.broadcast %logistic3A_973 : f32 to vector<2x64xf32>
    %logistic3A_975 = arith.addf %logistic3A_974, %logistic3A_972 : vector<2x64xf32>
    %logistic3A_976 = arith.divf %logistic3A_974, %logistic3A_975 : vector<2x64xf32>
    %slice3A_977 = vector.extract_strided_slice %add3A_962 {offsets = [0, 128], sizes = [2, 64], strides = [1, 1]} : vector<2x256xf32> to vector<2x64xf32>
    %tanh3A_978 = math.tanh %slice3A_977 : vector<2x64xf32>
    %slice3A_979 = vector.extract_strided_slice %add3A_962 {offsets = [0, 192], sizes = [2, 64], strides = [1, 1]} : vector<2x256xf32> to vector<2x64xf32>
    %logistic3A_980 = arith.negf %slice3A_979 : vector<2x64xf32>
    %logistic3A_981 = math.exp %logistic3A_980 : vector<2x64xf32>
    %logistic3A_982 = arith.constant 1.000000e+00 : f32
    %logistic3A_983 = vector.broadcast %logistic3A_982 : f32 to vector<2x64xf32>
    %logistic3A_984 = arith.addf %logistic3A_983, %logistic3A_981 : vector<2x64xf32>
    %logistic3A_985 = arith.divf %logistic3A_983, %logistic3A_984 : vector<2x64xf32>
    %mul3A_986 = arith.mulf %logistic3A_976, %add3A_953 : vector<2x64xf32>
    %mul3A_987 = arith.mulf %logistic3A_969, %tanh3A_978 : vector<2x64xf32>
    %add3A_988 = arith.addf %mul3A_986, %mul3A_987 : vector<2x64xf32>
    %tanh3A_989 = math.tanh %add3A_988 : vector<2x64xf32>
    %mul3A_990 = arith.mulf %logistic3A_985, %tanh3A_989 : vector<2x64xf32>
    %dot_general3A_991 = arith.constant dense<0.000000e+00> : vector<2x256xf32>
    %dot_general3A_992 = tpu.matmul %mul3A_433, %get3A_626, %dot_general3A_991 {dimension_numbers = #tpu.dot_dimension_numbers<[1], [0], [0], [1], [0, 0, 1, 1], [], []>, transpose_lhs_hint = false} : vector<2x64xf32>, vector<64x256xf32>, vector<2x256xf32> -> vector<2x256xf32>
    %dot_general3A_993 = arith.constant dense<0.000000e+00> : vector<2x256xf32>
    %dot_general3A_994 = tpu.matmul %mul3A_990, %get3A_629, %dot_general3A_993 {dimension_numbers = #tpu.dot_dimension_numbers<[1], [0], [0], [1], [0, 0, 1, 1], [], []>, transpose_lhs_hint = false} : vector<2x64xf32>, vector<64x256xf32>, vector<2x256xf32> -> vector<2x256xf32>
    %add3A_995 = arith.addf %dot_general3A_992, %dot_general3A_994 : vector<2x256xf32>
    %add3A_996 = vector.broadcast %add3A_636 : vector<1x256xf32> to vector<2x256xf32>
    %add3A_997 = arith.addf %add3A_995, %add3A_996 : vector<2x256xf32>
    %slice3A_998 = vector.extract_strided_slice %add3A_997 {offsets = [0, 0], sizes = [2, 64], strides = [1, 1]} : vector<2x256xf32> to vector<2x64xf32>
    %logistic3A_999 = arith.negf %slice3A_998 : vector<2x64xf32>
    %logistic3A_1000 = math.exp %logistic3A_999 : vector<2x64xf32>
    %logistic3A_1001 = arith.constant 1.000000e+00 : f32
    %logistic3A_1002 = vector.broadcast %logistic3A_1001 : f32 to vector<2x64xf32>
    %logistic3A_1003 = arith.addf %logistic3A_1002, %logistic3A_1000 : vector<2x64xf32>
    %logistic3A_1004 = arith.divf %logistic3A_1002, %logistic3A_1003 : vector<2x64xf32>
    %slice3A_1005 = vector.extract_strided_slice %add3A_997 {offsets = [0, 64], sizes = [2, 64], strides = [1, 1]} : vector<2x256xf32> to vector<2x64xf32>
    %logistic3A_1006 = arith.negf %slice3A_1005 : vector<2x64xf32>
    %logistic3A_1007 = math.exp %logistic3A_1006 : vector<2x64xf32>
    %logistic3A_1008 = arith.constant 1.000000e+00 : f32
    %logistic3A_1009 = vector.broadcast %logistic3A_1008 : f32 to vector<2x64xf32>
    %logistic3A_1010 = arith.addf %logistic3A_1009, %logistic3A_1007 : vector<2x64xf32>
    %logistic3A_1011 = arith.divf %logistic3A_1009, %logistic3A_1010 : vector<2x64xf32>
    %slice3A_1012 = vector.extract_strided_slice %add3A_997 {offsets = [0, 128], sizes = [2, 64], strides = [1, 1]} : vector<2x256xf32> to vector<2x64xf32>
    %tanh3A_1013 = math.tanh %slice3A_1012 : vector<2x64xf32>
    %slice3A_1014 = vector.extract_strided_slice %add3A_997 {offsets = [0, 192], sizes = [2, 64], strides = [1, 1]} : vector<2x256xf32> to vector<2x64xf32>
    %logistic3A_1015 = arith.negf %slice3A_1014 : vector<2x64xf32>
    %logistic3A_1016 = math.exp %logistic3A_1015 : vector<2x64xf32>
    %logistic3A_1017 = arith.constant 1.000000e+00 : f32
    %logistic3A_1018 = vector.broadcast %logistic3A_1017 : f32 to vector<2x64xf32>
    %logistic3A_1019 = arith.addf %logistic3A_1018, %logistic3A_1016 : vector<2x64xf32>
    %logistic3A_1020 = arith.divf %logistic3A_1018, %logistic3A_1019 : vector<2x64xf32>
    %mul3A_1021 = arith.mulf %logistic3A_1011, %add3A_988 : vector<2x64xf32>
    %mul3A_1022 = arith.mulf %logistic3A_1004, %tanh3A_1013 : vector<2x64xf32>
    %add3A_1023 = arith.addf %mul3A_1021, %mul3A_1022 : vector<2x64xf32>
    %tanh3A_1024 = math.tanh %add3A_1023 : vector<2x64xf32>
    %mul3A_1025 = arith.mulf %logistic3A_1020, %tanh3A_1024 : vector<2x64xf32>
    %dot_general3A_1026 = arith.constant dense<0.000000e+00> : vector<2x256xf32>
    %dot_general3A_1027 = tpu.matmul %mul3A_471, %get3A_626, %dot_general3A_1026 {dimension_numbers = #tpu.dot_dimension_numbers<[1], [0], [0], [1], [0, 0, 1, 1], [], []>, transpose_lhs_hint = false} : vector<2x64xf32>, vector<64x256xf32>, vector<2x256xf32> -> vector<2x256xf32>
    %dot_general3A_1028 = arith.constant dense<0.000000e+00> : vector<2x256xf32>
    %dot_general3A_1029 = tpu.matmul %mul3A_1025, %get3A_629, %dot_general3A_1028 {dimension_numbers = #tpu.dot_dimension_numbers<[1], [0], [0], [1], [0, 0, 1, 1], [], []>, transpose_lhs_hint = false} : vector<2x64xf32>, vector<64x256xf32>, vector<2x256xf32> -> vector<2x256xf32>
    %add3A_1030 = arith.addf %dot_general3A_1027, %dot_general3A_1029 : vector<2x256xf32>
    %add3A_1031 = vector.broadcast %add3A_636 : vector<1x256xf32> to vector<2x256xf32>
    %add3A_1032 = arith.addf %add3A_1030, %add3A_1031 : vector<2x256xf32>
    %slice3A_1033 = vector.extract_strided_slice %add3A_1032 {offsets = [0, 0], sizes = [2, 64], strides = [1, 1]} : vector<2x256xf32> to vector<2x64xf32>
    %logistic3A_1034 = arith.negf %slice3A_1033 : vector<2x64xf32>
    %logistic3A_1035 = math.exp %logistic3A_1034 : vector<2x64xf32>
    %logistic3A_1036 = arith.constant 1.000000e+00 : f32
    %logistic3A_1037 = vector.broadcast %logistic3A_1036 : f32 to vector<2x64xf32>
    %logistic3A_1038 = arith.addf %logistic3A_1037, %logistic3A_1035 : vector<2x64xf32>
    %logistic3A_1039 = arith.divf %logistic3A_1037, %logistic3A_1038 : vector<2x64xf32>
    %slice3A_1040 = vector.extract_strided_slice %add3A_1032 {offsets = [0, 64], sizes = [2, 64], strides = [1, 1]} : vector<2x256xf32> to vector<2x64xf32>
    %logistic3A_1041 = arith.negf %slice3A_1040 : vector<2x64xf32>
    %logistic3A_1042 = math.exp %logistic3A_1041 : vector<2x64xf32>
    %logistic3A_1043 = arith.constant 1.000000e+00 : f32
    %logistic3A_1044 = vector.broadcast %logistic3A_1043 : f32 to vector<2x64xf32>
    %logistic3A_1045 = arith.addf %logistic3A_1044, %logistic3A_1042 : vector<2x64xf32>
    %logistic3A_1046 = arith.divf %logistic3A_1044, %logistic3A_1045 : vector<2x64xf32>
    %slice3A_1047 = vector.extract_strided_slice %add3A_1032 {offsets = [0, 128], sizes = [2, 64], strides = [1, 1]} : vector<2x256xf32> to vector<2x64xf32>
    %tanh3A_1048 = math.tanh %slice3A_1047 : vector<2x64xf32>
    %slice3A_1049 = vector.extract_strided_slice %add3A_1032 {offsets = [0, 192], sizes = [2, 64], strides = [1, 1]} : vector<2x256xf32> to vector<2x64xf32>
    %logistic3A_1050 = arith.negf %slice3A_1049 : vector<2x64xf32>
    %logistic3A_1051 = math.exp %logistic3A_1050 : vector<2x64xf32>
    %logistic3A_1052 = arith.constant 1.000000e+00 : f32
    %logistic3A_1053 = vector.broadcast %logistic3A_1052 : f32 to vector<2x64xf32>
    %logistic3A_1054 = arith.addf %logistic3A_1053, %logistic3A_1051 : vector<2x64xf32>
    %logistic3A_1055 = arith.divf %logistic3A_1053, %logistic3A_1054 : vector<2x64xf32>
    %mul3A_1056 = arith.mulf %logistic3A_1046, %add3A_1023 : vector<2x64xf32>
    %mul3A_1057 = arith.mulf %logistic3A_1039, %tanh3A_1048 : vector<2x64xf32>
    %add3A_1058 = arith.addf %mul3A_1056, %mul3A_1057 : vector<2x64xf32>
    %tanh3A_1059 = math.tanh %add3A_1058 : vector<2x64xf32>
    %mul3A_1060 = arith.mulf %logistic3A_1055, %tanh3A_1059 : vector<2x64xf32>
    %dot_general3A_1061 = arith.constant dense<0.000000e+00> : vector<2x256xf32>
    %dot_general3A_1062 = tpu.matmul %mul3A_509, %get3A_626, %dot_general3A_1061 {dimension_numbers = #tpu.dot_dimension_numbers<[1], [0], [0], [1], [0, 0, 1, 1], [], []>, transpose_lhs_hint = false} : vector<2x64xf32>, vector<64x256xf32>, vector<2x256xf32> -> vector<2x256xf32>
    %dot_general3A_1063 = arith.constant dense<0.000000e+00> : vector<2x256xf32>
    %dot_general3A_1064 = tpu.matmul %mul3A_1060, %get3A_629, %dot_general3A_1063 {dimension_numbers = #tpu.dot_dimension_numbers<[1], [0], [0], [1], [0, 0, 1, 1], [], []>, transpose_lhs_hint = false} : vector<2x64xf32>, vector<64x256xf32>, vector<2x256xf32> -> vector<2x256xf32>
    %add3A_1065 = arith.addf %dot_general3A_1062, %dot_general3A_1064 : vector<2x256xf32>
    %add3A_1066 = vector.broadcast %add3A_636 : vector<1x256xf32> to vector<2x256xf32>
    %add3A_1067 = arith.addf %add3A_1065, %add3A_1066 : vector<2x256xf32>
    %slice3A_1068 = vector.extract_strided_slice %add3A_1067 {offsets = [0, 0], sizes = [2, 64], strides = [1, 1]} : vector<2x256xf32> to vector<2x64xf32>
    %logistic3A_1069 = arith.negf %slice3A_1068 : vector<2x64xf32>
    %logistic3A_1070 = math.exp %logistic3A_1069 : vector<2x64xf32>
    %logistic3A_1071 = arith.constant 1.000000e+00 : f32
    %logistic3A_1072 = vector.broadcast %logistic3A_1071 : f32 to vector<2x64xf32>
    %logistic3A_1073 = arith.addf %logistic3A_1072, %logistic3A_1070 : vector<2x64xf32>
    %logistic3A_1074 = arith.divf %logistic3A_1072, %logistic3A_1073 : vector<2x64xf32>
    %slice3A_1075 = vector.extract_strided_slice %add3A_1067 {offsets = [0, 64], sizes = [2, 64], strides = [1, 1]} : vector<2x256xf32> to vector<2x64xf32>
    %logistic3A_1076 = arith.negf %slice3A_1075 : vector<2x64xf32>
    %logistic3A_1077 = math.exp %logistic3A_1076 : vector<2x64xf32>
    %logistic3A_1078 = arith.constant 1.000000e+00 : f32
    %logistic3A_1079 = vector.broadcast %logistic3A_1078 : f32 to vector<2x64xf32>
    %logistic3A_1080 = arith.addf %logistic3A_1079, %logistic3A_1077 : vector<2x64xf32>
    %logistic3A_1081 = arith.divf %logistic3A_1079, %logistic3A_1080 : vector<2x64xf32>
    %slice3A_1082 = vector.extract_strided_slice %add3A_1067 {offsets = [0, 128], sizes = [2, 64], strides = [1, 1]} : vector<2x256xf32> to vector<2x64xf32>
    %tanh3A_1083 = math.tanh %slice3A_1082 : vector<2x64xf32>
    %slice3A_1084 = vector.extract_strided_slice %add3A_1067 {offsets = [0, 192], sizes = [2, 64], strides = [1, 1]} : vector<2x256xf32> to vector<2x64xf32>
    %logistic3A_1085 = arith.negf %slice3A_1084 : vector<2x64xf32>
    %logistic3A_1086 = math.exp %logistic3A_1085 : vector<2x64xf32>
    %logistic3A_1087 = arith.constant 1.000000e+00 : f32
    %logistic3A_1088 = vector.broadcast %logistic3A_1087 : f32 to vector<2x64xf32>
    %logistic3A_1089 = arith.addf %logistic3A_1088, %logistic3A_1086 : vector<2x64xf32>
    %logistic3A_1090 = arith.divf %logistic3A_1088, %logistic3A_1089 : vector<2x64xf32>
    %mul3A_1091 = arith.mulf %logistic3A_1081, %add3A_1058 : vector<2x64xf32>
    %mul3A_1092 = arith.mulf %logistic3A_1074, %tanh3A_1083 : vector<2x64xf32>
    %add3A_1093 = arith.addf %mul3A_1091, %mul3A_1092 : vector<2x64xf32>
    %tanh3A_1094 = math.tanh %add3A_1093 : vector<2x64xf32>
    %mul3A_1095 = arith.mulf %logistic3A_1090, %tanh3A_1094 : vector<2x64xf32>
    %dot_general3A_1096 = arith.constant dense<0.000000e+00> : vector<2x256xf32>
    %dot_general3A_1097 = tpu.matmul %mul3A_547, %get3A_626, %dot_general3A_1096 {dimension_numbers = #tpu.dot_dimension_numbers<[1], [0], [0], [1], [0, 0, 1, 1], [], []>, transpose_lhs_hint = false} : vector<2x64xf32>, vector<64x256xf32>, vector<2x256xf32> -> vector<2x256xf32>
    %dot_general3A_1098 = arith.constant dense<0.000000e+00> : vector<2x256xf32>
    %dot_general3A_1099 = tpu.matmul %mul3A_1095, %get3A_629, %dot_general3A_1098 {dimension_numbers = #tpu.dot_dimension_numbers<[1], [0], [0], [1], [0, 0, 1, 1], [], []>, transpose_lhs_hint = false} : vector<2x64xf32>, vector<64x256xf32>, vector<2x256xf32> -> vector<2x256xf32>
    %add3A_1100 = arith.addf %dot_general3A_1097, %dot_general3A_1099 : vector<2x256xf32>
    %add3A_1101 = vector.broadcast %add3A_636 : vector<1x256xf32> to vector<2x256xf32>
    %add3A_1102 = arith.addf %add3A_1100, %add3A_1101 : vector<2x256xf32>
    %slice3A_1103 = vector.extract_strided_slice %add3A_1102 {offsets = [0, 0], sizes = [2, 64], strides = [1, 1]} : vector<2x256xf32> to vector<2x64xf32>
    %logistic3A_1104 = arith.negf %slice3A_1103 : vector<2x64xf32>
    %logistic3A_1105 = math.exp %logistic3A_1104 : vector<2x64xf32>
    %logistic3A_1106 = arith.constant 1.000000e+00 : f32
    %logistic3A_1107 = vector.broadcast %logistic3A_1106 : f32 to vector<2x64xf32>
    %logistic3A_1108 = arith.addf %logistic3A_1107, %logistic3A_1105 : vector<2x64xf32>
    %logistic3A_1109 = arith.divf %logistic3A_1107, %logistic3A_1108 : vector<2x64xf32>
    %slice3A_1110 = vector.extract_strided_slice %add3A_1102 {offsets = [0, 64], sizes = [2, 64], strides = [1, 1]} : vector<2x256xf32> to vector<2x64xf32>
    %logistic3A_1111 = arith.negf %slice3A_1110 : vector<2x64xf32>
    %logistic3A_1112 = math.exp %logistic3A_1111 : vector<2x64xf32>
    %logistic3A_1113 = arith.constant 1.000000e+00 : f32
    %logistic3A_1114 = vector.broadcast %logistic3A_1113 : f32 to vector<2x64xf32>
    %logistic3A_1115 = arith.addf %logistic3A_1114, %logistic3A_1112 : vector<2x64xf32>
    %logistic3A_1116 = arith.divf %logistic3A_1114, %logistic3A_1115 : vector<2x64xf32>
    %slice3A_1117 = vector.extract_strided_slice %add3A_1102 {offsets = [0, 128], sizes = [2, 64], strides = [1, 1]} : vector<2x256xf32> to vector<2x64xf32>
    %tanh3A_1118 = math.tanh %slice3A_1117 : vector<2x64xf32>
    %slice3A_1119 = vector.extract_strided_slice %add3A_1102 {offsets = [0, 192], sizes = [2, 64], strides = [1, 1]} : vector<2x256xf32> to vector<2x64xf32>
    %logistic3A_1120 = arith.negf %slice3A_1119 : vector<2x64xf32>
    %logistic3A_1121 = math.exp %logistic3A_1120 : vector<2x64xf32>
    %logistic3A_1122 = arith.constant 1.000000e+00 : f32
    %logistic3A_1123 = vector.broadcast %logistic3A_1122 : f32 to vector<2x64xf32>
    %logistic3A_1124 = arith.addf %logistic3A_1123, %logistic3A_1121 : vector<2x64xf32>
    %logistic3A_1125 = arith.divf %logistic3A_1123, %logistic3A_1124 : vector<2x64xf32>
    %mul3A_1126 = arith.mulf %logistic3A_1116, %add3A_1093 : vector<2x64xf32>
    %mul3A_1127 = arith.mulf %logistic3A_1109, %tanh3A_1118 : vector<2x64xf32>
    %add3A_1128 = arith.addf %mul3A_1126, %mul3A_1127 : vector<2x64xf32>
    %tanh3A_1129 = math.tanh %add3A_1128 : vector<2x64xf32>
    %mul3A_1130 = arith.mulf %logistic3A_1125, %tanh3A_1129 : vector<2x64xf32>
    %dot_general3A_1131 = arith.constant dense<0.000000e+00> : vector<2x256xf32>
    %dot_general3A_1132 = tpu.matmul %mul3A_585, %get3A_626, %dot_general3A_1131 {dimension_numbers = #tpu.dot_dimension_numbers<[1], [0], [0], [1], [0, 0, 1, 1], [], []>, transpose_lhs_hint = false} : vector<2x64xf32>, vector<64x256xf32>, vector<2x256xf32> -> vector<2x256xf32>
    %dot_general3A_1133 = arith.constant dense<0.000000e+00> : vector<2x256xf32>
    %dot_general3A_1134 = tpu.matmul %mul3A_1130, %get3A_629, %dot_general3A_1133 {dimension_numbers = #tpu.dot_dimension_numbers<[1], [0], [0], [1], [0, 0, 1, 1], [], []>, transpose_lhs_hint = false} : vector<2x64xf32>, vector<64x256xf32>, vector<2x256xf32> -> vector<2x256xf32>
    %add3A_1135 = arith.addf %dot_general3A_1132, %dot_general3A_1134 : vector<2x256xf32>
    %add3A_1136 = vector.broadcast %add3A_636 : vector<1x256xf32> to vector<2x256xf32>
    %add3A_1137 = arith.addf %add3A_1135, %add3A_1136 : vector<2x256xf32>
    %slice3A_1138 = vector.extract_strided_slice %add3A_1137 {offsets = [0, 0], sizes = [2, 64], strides = [1, 1]} : vector<2x256xf32> to vector<2x64xf32>
    %logistic3A_1139 = arith.negf %slice3A_1138 : vector<2x64xf32>
    %logistic3A_1140 = math.exp %logistic3A_1139 : vector<2x64xf32>
    %logistic3A_1141 = arith.constant 1.000000e+00 : f32
    %logistic3A_1142 = vector.broadcast %logistic3A_1141 : f32 to vector<2x64xf32>
    %logistic3A_1143 = arith.addf %logistic3A_1142, %logistic3A_1140 : vector<2x64xf32>
    %logistic3A_1144 = arith.divf %logistic3A_1142, %logistic3A_1143 : vector<2x64xf32>
    %slice3A_1145 = vector.extract_strided_slice %add3A_1137 {offsets = [0, 64], sizes = [2, 64], strides = [1, 1]} : vector<2x256xf32> to vector<2x64xf32>
    %logistic3A_1146 = arith.negf %slice3A_1145 : vector<2x64xf32>
    %logistic3A_1147 = math.exp %logistic3A_1146 : vector<2x64xf32>
    %logistic3A_1148 = arith.constant 1.000000e+00 : f32
    %logistic3A_1149 = vector.broadcast %logistic3A_1148 : f32 to vector<2x64xf32>
    %logistic3A_1150 = arith.addf %logistic3A_1149, %logistic3A_1147 : vector<2x64xf32>
    %logistic3A_1151 = arith.divf %logistic3A_1149, %logistic3A_1150 : vector<2x64xf32>
    %slice3A_1152 = vector.extract_strided_slice %add3A_1137 {offsets = [0, 128], sizes = [2, 64], strides = [1, 1]} : vector<2x256xf32> to vector<2x64xf32>
    %tanh3A_1153 = math.tanh %slice3A_1152 : vector<2x64xf32>
    %slice3A_1154 = vector.extract_strided_slice %add3A_1137 {offsets = [0, 192], sizes = [2, 64], strides = [1, 1]} : vector<2x256xf32> to vector<2x64xf32>
    %logistic3A_1155 = arith.negf %slice3A_1154 : vector<2x64xf32>
    %logistic3A_1156 = math.exp %logistic3A_1155 : vector<2x64xf32>
    %logistic3A_1157 = arith.constant 1.000000e+00 : f32
    %logistic3A_1158 = vector.broadcast %logistic3A_1157 : f32 to vector<2x64xf32>
    %logistic3A_1159 = arith.addf %logistic3A_1158, %logistic3A_1156 : vector<2x64xf32>
    %logistic3A_1160 = arith.divf %logistic3A_1158, %logistic3A_1159 : vector<2x64xf32>
    %mul3A_1161 = arith.mulf %logistic3A_1151, %add3A_1128 : vector<2x64xf32>
    %mul3A_1162 = arith.mulf %logistic3A_1144, %tanh3A_1153 : vector<2x64xf32>
    %add3A_1163 = arith.addf %mul3A_1161, %mul3A_1162 : vector<2x64xf32>
    %tanh3A_1164 = math.tanh %add3A_1163 : vector<2x64xf32>
    %mul3A_1165 = arith.mulf %logistic3A_1160, %tanh3A_1164 : vector<2x64xf32>
    %dot_general3A_1166 = arith.constant dense<0.000000e+00> : vector<2x256xf32>
    %dot_general3A_1167 = tpu.matmul %mul3A_623, %get3A_626, %dot_general3A_1166 {dimension_numbers = #tpu.dot_dimension_numbers<[1], [0], [0], [1], [0, 0, 1, 1], [], []>, transpose_lhs_hint = false} : vector<2x64xf32>, vector<64x256xf32>, vector<2x256xf32> -> vector<2x256xf32>
    %dot_general3A_1168 = arith.constant dense<0.000000e+00> : vector<2x256xf32>
    %dot_general3A_1169 = tpu.matmul %mul3A_1165, %get3A_629, %dot_general3A_1168 {dimension_numbers = #tpu.dot_dimension_numbers<[1], [0], [0], [1], [0, 0, 1, 1], [], []>, transpose_lhs_hint = false} : vector<2x64xf32>, vector<64x256xf32>, vector<2x256xf32> -> vector<2x256xf32>
    %add3A_1170 = arith.addf %dot_general3A_1167, %dot_general3A_1169 : vector<2x256xf32>
    %add3A_1171 = vector.broadcast %add3A_636 : vector<1x256xf32> to vector<2x256xf32>
    %add3A_1172 = arith.addf %add3A_1170, %add3A_1171 : vector<2x256xf32>
    %slice3A_1173 = vector.extract_strided_slice %add3A_1172 {offsets = [0, 0], sizes = [2, 64], strides = [1, 1]} : vector<2x256xf32> to vector<2x64xf32>
    %logistic3A_1174 = arith.negf %slice3A_1173 : vector<2x64xf32>
    %logistic3A_1175 = math.exp %logistic3A_1174 : vector<2x64xf32>
    %logistic3A_1176 = arith.constant 1.000000e+00 : f32
    %logistic3A_1177 = vector.broadcast %logistic3A_1176 : f32 to vector<2x64xf32>
    %logistic3A_1178 = arith.addf %logistic3A_1177, %logistic3A_1175 : vector<2x64xf32>
    %logistic3A_1179 = arith.divf %logistic3A_1177, %logistic3A_1178 : vector<2x64xf32>
    %slice3A_1180 = vector.extract_strided_slice %add3A_1172 {offsets = [0, 64], sizes = [2, 64], strides = [1, 1]} : vector<2x256xf32> to vector<2x64xf32>
    %logistic3A_1181 = arith.negf %slice3A_1180 : vector<2x64xf32>
    %logistic3A_1182 = math.exp %logistic3A_1181 : vector<2x64xf32>
    %logistic3A_1183 = arith.constant 1.000000e+00 : f32
    %logistic3A_1184 = vector.broadcast %logistic3A_1183 : f32 to vector<2x64xf32>
    %logistic3A_1185 = arith.addf %logistic3A_1184, %logistic3A_1182 : vector<2x64xf32>
    %logistic3A_1186 = arith.divf %logistic3A_1184, %logistic3A_1185 : vector<2x64xf32>
    %slice3A_1187 = vector.extract_strided_slice %add3A_1172 {offsets = [0, 128], sizes = [2, 64], strides = [1, 1]} : vector<2x256xf32> to vector<2x64xf32>
    %tanh3A_1188 = math.tanh %slice3A_1187 : vector<2x64xf32>
    %slice3A_1189 = vector.extract_strided_slice %add3A_1172 {offsets = [0, 192], sizes = [2, 64], strides = [1, 1]} : vector<2x256xf32> to vector<2x64xf32>
    %logistic3A_1190 = arith.negf %slice3A_1189 : vector<2x64xf32>
    %logistic3A_1191 = math.exp %logistic3A_1190 : vector<2x64xf32>
    %logistic3A_1192 = arith.constant 1.000000e+00 : f32
    %logistic3A_1193 = vector.broadcast %logistic3A_1192 : f32 to vector<2x64xf32>
    %logistic3A_1194 = arith.addf %logistic3A_1193, %logistic3A_1191 : vector<2x64xf32>
    %logistic3A_1195 = arith.divf %logistic3A_1193, %logistic3A_1194 : vector<2x64xf32>
    %mul3A_1196 = arith.mulf %logistic3A_1186, %add3A_1163 : vector<2x64xf32>
    %mul3A_1197 = arith.mulf %logistic3A_1179, %tanh3A_1188 : vector<2x64xf32>
    %add3A_1198 = arith.addf %mul3A_1196, %mul3A_1197 : vector<2x64xf32>
    %tanh3A_1199 = math.tanh %add3A_1198 : vector<2x64xf32>
    %mul3A_1200 = arith.mulf %logistic3A_1195, %tanh3A_1199 : vector<2x64xf32>
    %get3A_1201 = arith.constant 0 : index
    %get3A_1202 = arith.constant 0 : index
    %get3A_1203 = vector.load %arg9[%get3A_1201, %get3A_1202] : memref<64x2xf32, #tpu.memory_space<vmem>>, vector<64x2xf32>
    %dot_general3A_1204 = arith.constant dense<0.000000e+00> : vector<2x2xf32>
    %dot_general3A_1205 = tpu.matmul %mul3A_1200, %get3A_1203, %dot_general3A_1204 {dimension_numbers = #tpu.dot_dimension_numbers<[1], [0], [0], [1], [0, 0, 1, 1], [], []>, transpose_lhs_hint = false} : vector<2x64xf32>, vector<64x2xf32>, vector<2x2xf32> -> vector<2x2xf32>
    %get3A_1206 = arith.constant 0 : index
    %get3A_1207 = arith.constant 0 : index
    %get3A_1208 = vector.load %arg10[%get3A_1206, %get3A_1207] : memref<1x2xf32, #tpu.memory_space<vmem>>, vector<1x2xf32>
    %add3A_1209 = vector.broadcast %get3A_1208 : vector<1x2xf32> to vector<2x2xf32>
    %add3A_1210 = arith.addf %dot_general3A_1205, %add3A_1209 : vector<2x2xf32>
    %swap3A = arith.constant 0 : index
    %swap3A_1211 = arith.constant 0 : index
    %swap3A_1212 = vector.load %arg11[%swap3A, %swap3A_1211] : memref<2x2xf32, #tpu.memory_space<vmem>>, vector<2x2xf32>
    tpu.vector_store %arg11[%swap3A, %swap3A_1211], %add3A_1210 {strides = array<i32>} : memref<2x2xf32, #tpu.memory_space<vmem>>, vector<2x2xf32>,
    return
  }
}

</mosaic_0001>

<sc_bundles>
// kernel: kernel.7.cloned.1.call-start
scs
__scs_entry_jumppad:
0x0: {  	(pc) =	sbr.rel $0x88, $3  }
0x1: {  	(tag) =	ssettag $0x0;
	lr =	simm.s32 $0x1  }
0x2: {  	[smem:$0x3F91] =	sst lr;
	_ =	strace $0xD0000000  }
0x3: {  	_ = 	snop  }
0x4: {  	_ = 	snop  }
0x5: {  	_ = 	snop  }
0x6: {  	_ = 	snop  }
0x7: {  	_ = 	snop  }
__scs_overlays_trampoline_lowered:
0x8: {  	[smem:$0x3FA0] =	sst s0  }
0x9: {  	[smem:$0x3FA1] =	sst s1  }
0xa: {  	[smem:$0x3FA2] =	sst s2  }
0xb: {  	[smem:$0x3FA3] =	sst s3  }
0xc: {  	[smem:$0x3FA4] =	sst s4  }
0xd: {  	[smem:$0x3FA5] =	sst s5  }
0xe: {  	[smem:$0x3FA6] =	sst s6  }
0xf: {  	[smem:$0x3FA7] =	sst s7  }
0x10: {  	[smem:$0x3FA8] =	sst s8  }
0x11: {  	[smem:$0x3FA9] =	sst s9;
	s0 =	simm.s32 @!p0 $0x0  }
0x12: {  	s1 =	sld [smem:$0x3F8F];
	s0 =	simm.s32 @p0 $0x1  }
0x13: {  	[smem:$0x3FAA] =	sst s0;
	s0 =	simm.s32 @!p1 $0x0  }
0x14: {  	s2 =	sld [smem:$0x3F8E];
	s0 =	simm.s32 @p1 $0x1  }
0x15: {  	[smem:$0x3FAB] =	sst s0;
	s0 =	simm.s32 @!p2 $0x0  }
0x16: {  	s3 =	sld [smem:$0x3FDB];
	s0 =	simm.s32 @p2 $0x1  }
0x17: {  	s4 =	simm.s32 $0x1BF5;
	[smem:$0x3FAD] =	sst s0  }
0x18: {  	s0 =	sld [smem:$0x3F90];
	_ =	swait.ge [sflag:s4], $0x0  }
0x19: {  	s7 =	sld [smem:$0x3F91]  }
0x1a: {  	s8 =	sadd.s32 $0xFFFFE003, lr  }
0x1b: {  	s9 =	sadd.s32 $0xFFFFFEF7, lr;
	s5 =	simm.s32 $0xFFFFFFFF;
	p2 =	slt.u32 s8, $0xFFFFF086  }
0x1c: {  	p1 =	slt.u32 s9, $0xF7A;
	s5 =	simm.s32 @!p2 $0x0  }
0x1d: {  	s5 =	simm.s32 @p1 $0x1;
	p0 =	seq.s32 s7, s2  }
0x1e: {  	s7 =	smul.u32 @!p0 $0xF7A, s2;
	p2 =	seq.s32 @!p0 s5, $0x0  }
0x1f: {  	s9 =	smul.u32 $0xF7A, s1;
	s8 =	simm.s32 @!p0 $0x1BF5;
	p2 =	por !p2, p0  }
0x20: {  	[sflag:s8] =	ssyncset.s32 @!p0 $0xFFFFF086;
	s6 =	sadd.s32 @!p0 s3, s7;
	s7 =	simm.s32 @!p0 $0x108  }
0x21: {  	s3 =	sadd.s32 s3, s9;
	s6 =	sadd.s32 @!p0 $0x88, s6;
	s7 =	simm.s32 @p2 $0x1082  }
0x22: {  	[simem:s7], [sflag:s8] =	dma.local @!p0 [hbm:s6], $0xF7A  }
0x23: {  	s9 =	sor.u32 $0xD0000000, s2;
	s6 =	simm.s32 $0x108;
	_ =	swait.ge @!p0 [sflag:s8], $0x0  }
0x24: {  	s3 =	sadd.s32 $0x88, s3;
	s6 =	simm.s32 @!p1 $0x1082;
	[sflag:s4] =	ssyncset.s32 $0xFFFFF086  }
0x25: {  	[simem:s6], [sflag:s4] =	dma.local [hbm:s3], $0xF7A  }
0x26: {  	[smem:$0x3F91] =	sst s1;
	(tag) =	ssettag s2;
	_ =	strace s9  }
0x27: {  	s1 =	sld [smem:$0x3FA1]  }
0x28: {  	s2 =	sld [smem:$0x3FA2]  }
0x29: {  	s4 =	sld [smem:$0x3FA4]  }
0x2a: {  	p0 =	seq.s32 s5, $0x0;
	s5 =	sld [smem:$0x3FA5]  }
0x2b: {  	s6 =	sld [smem:$0x3FA6]  }
0x2c: {  	s7 =	sld [smem:$0x3FA7]  }
0x2d: {  	s3 =	simm.s32 $0x108;
	s8 =	sld [smem:$0x3FA8]  }
0x2e: {  	s3 =	simm.s32 @!p0 $0x1082;
	s9 =	sld [smem:$0x3FA9]  }
0x2f: {  	lr =	sadd.s32 s0, s3;
	s0 =	sld [smem:$0x3FA0]  }
0x30: {  	s3 =	sld [smem:$0x3FA3]  }
0x31: {  	[smem:$0x3FAC] =	sst s10  }
0x32: {  	s10 =	sld [smem:$0x3FAA];
	_ =	sdelay $0x3  }
0x33: {  	p0 =	seq.s32 s10, $0x1;
	s10 =	sld [smem:$0x3FAC];
	_ =	sdelay $0x3  }
0x34: {  	[smem:$0x3FAC] =	sst s10  }
0x35: {  	s10 =	sld [smem:$0x3FAB];
	_ =	sdelay $0x3  }
0x36: {  	p1 =	seq.s32 s10, $0x1;
	s10 =	sld [smem:$0x3FAC];
	_ =	sdelay $0x3  }
0x37: {  	[smem:$0x3FAC] =	sst s10  }
0x38: {  	s10 =	sld [smem:$0x3FAD]  }
0x39: {  	_ = 	snop;
	(pc) =	sbr.ind lr, $3  }
0x3a: {  	_ = 	snop  }
0x3b: {  	_ = 	snop  }
0x3c: {  	p2 =	seq.s32 s10, $0x1;
	s10 =	sld [smem:$0x3FAC]  }
0x3d: {  	_ =	shalt  }
0x3e: {  	_ =	shalt  }
0x3f: {  	_ =	shalt  }
0x40: {  	_ =	shalt  }
0x41: {  	_ =	shalt  }
0x42: {  	_ =	shalt  }
0x43: {  	_ =	shalt  }
0x44: {  	_ =	shalt  }
0x45: {  	_ =	shalt  }
0x46: {  	_ =	shalt  }
0x47: {  	_ =	shalt  }
0x48: {  	_ =	shalt  }
0x49: {  	_ =	shalt  }
0x4a: {  	_ =	shalt  }
0x4b: {  	_ =	shalt  }
0x4c: {  	_ =	shalt  }
0x4d: {  	_ =	shalt  }
0x4e: {  	_ =	shalt  }
0x4f: {  	_ =	shalt  }
0x50: {  	_ =	shalt  }
0x51: {  	_ =	shalt  }
0x52: {  	_ =	shalt  }
0x53: {  	_ =	shalt  }
0x54: {  	_ =	shalt  }
0x55: {  	_ =	shalt  }
0x56: {  	_ =	shalt  }
0x57: {  	_ =	shalt  }
0x58: {  	_ =	shalt  }
0x59: {  	_ =	shalt  }
0x5a: {  	_ =	shalt  }
0x5b: {  	_ =	shalt  }
0x5c: {  	_ =	shalt  }
0x5d: {  	_ =	shalt  }
0x5e: {  	_ =	shalt  }
0x5f: {  	_ =	shalt  }
0x60: {  	_ =	shalt  }
0x61: {  	_ =	shalt  }
0x62: {  	_ =	shalt  }
0x63: {  	_ =	shalt  }
0x64: {  	_ =	shalt  }
0x65: {  	_ =	shalt  }
0x66: {  	_ =	shalt  }
0x67: {  	_ =	shalt  }
0x68: {  	_ =	shalt  }
0x69: {  	_ =	shalt  }
0x6a: {  	_ =	shalt  }
0x6b: {  	_ =	shalt  }
0x6c: {  	_ =	shalt  }
0x6d: {  	_ =	shalt  }
0x6e: {  	_ =	shalt  }
0x6f: {  	_ =	shalt  }
0x70: {  	_ =	shalt  }
0x71: {  	_ =	shalt  }
0x72: {  	_ =	shalt  }
0x73: {  	_ =	shalt  }
0x74: {  	_ =	shalt  }
0x75: {  	_ =	shalt  }
0x76: {  	_ =	shalt  }
0x77: {  	_ =	shalt  }
0x78: {  	_ =	shalt  }
0x79: {  	_ =	shalt  }
0x7a: {  	_ =	shalt  }
0x7b: {  	_ =	shalt  }
0x7c: {  	_ =	shalt  }
0x7d: {  	_ =	shalt  }
0x7e: {  	_ =	shalt  }
0x7f: {  	_ =	shalt  }
0x80: {  	_ =	shalt  }
0x81: {  	_ =	shalt  }
0x82: {  	_ =	shalt  }
0x83: {  	_ =	shalt  }
0x84: {  	_ =	shalt  }
0x85: {  	_ =	shalt  }
0x86: {  	_ =	shalt  }
0x87: {  	_ =	shalt  }
.Lfunc_end0:
.L_simem_size_0:
called_computation_lowered:
.L_overlay_start_0:
0x88: {  	s2 =	sld [smem:$0x3FD9]  }
0x89: {  	s3 =	sld [smem:$0x3FFE];
	_ =	sdelay $0x1  }
0x8a: {  	s1 =	srdreg.scid  }
0x8b: {  	s0 =	sand.u32 $0x1, s1  }
0x8c: {  	s16 =	sshll.u32 s0, $0xA;
	s2 =	sadd.s32 s3, s2  }
0x8d: {  	s2 =	sadd.s32 s2, s16  }
0x8e: {  	[smem:$0x3FB8] =	sst s2  }
0x8f: {  	_ = 	snop  }
0x90: {  	(tm) =	ssettm $0x1  }
0x91: {  	s17 =	sld [smem:$0x3FFB];
	_ =	sdelay $0x3  }
0x92: {  	_ =	strace s17  }
0x93: {  	s2 =	sld [smem:$0x3FFC];
	_ =	sdelay $0x3  }
0x94: {  	_ =	strace s2  }
0x95: {  	s2 =	sld [smem:$0x3FFD];
	_ =	sdelay $0x3  }
0x96: {  	_ =	strace s2  }
0x97: {  	_ =	strace $0x8FFFFFFF  }
0x98: {  	s18 =	sld [smem:$0x3FDB];
	_ =	sdelay $0x1  }
0x99: {  	s19 =	simm.s32 $_scs_section_size  }
0x9a: {  	s4 =	simm.s32 $_size__tile_overlayer_lowered;
	s5 =	simm.s32 $_tile_overlayer_lowered  }
0x9b: {  	s22 =	simm.s32 $0x1BFF;
	s21 =	sshll.u32 s5, $0x1;
	s2 =	sadd.s32 s19, s18  }
0x9c: {  	s6 =	simm.s32 $0x0;
	s20 =	sshll.u32 s4, $0x1;
	s4 =	sadd.s32 s21, s2  }
0x9d: {  	[timem:s6], [sflag:s22] =	dma.local [hbm:s4], s20  }
0x9e: {  	_ =	swait.ge [sflag:s22], s20  }
0x9f: {  	s3 =	ssub.s32 $0x0, s20;
	[sflag:s22] =	ssyncset.done $0x0  }
0xa0: {  	[sflag:s22] =	ssyncadd.s32 s3;
	_ =	sdelay $0x1  }
0xa1: {  	s23 =	simm.s32 $0x1B8B  }
0xa2: {  	_ =	swait.ge [sflag:s23], $0x1  }
0xa3: {  	[sflag:s23] =	ssyncset.done $0x0  }
0xa4: {  	s25 =	simm.s32 $0x1B8E;
	s24 =	sld [smem:$0x3FFE];
	[sflag:s23] =	ssyncadd.s32 $0xFFFFFFFF  }
0xa5: {  	s26 =	simm.s32 $execute0_lowered;
	[smem:$0x3FD2] =	sst s25  }
0xa6: {  	s4 =	sshll.u32 s26, $0x1;
	_ =	strace $0x80000046;
	[dreg:$0x1] =	wrdreg $0xFFFFFFFF  }
0xa7: {  	s28 =	simm.s32 $_size_execute0_lowered;
	s2 =	sadd.s32 s2, s4;
	[dreg:$0x0] =	wrdreg $0x0  }
0xa8: {  	s4 =	sshll.u32 s28, $0x1;
	[dreg:$0x2] =	wrdreg s2  }
0xa9: {  	[dreg:$0x3] =	wrdreg s4  }
0xaa: {  	[dreg:$0x4] =	wrdreg $0xC0  }
0xab: {  	_ =	task [dreg:s6], $0x5FFFF  }
0xac: {  	[dreg:$0x1] =	wrdreg $0xFFFFFFFF  }
0xad: {  	[dreg:$0x0] =	wrdreg $0x60  }
0xae: {  	[dreg:$0x2] =	wrdreg s24  }
0xaf: {  	[dreg:$0x3] =	wrdreg $0x9  }
0xb0: {  	_ =	task.clear_ibuf [dreg:s6], $0x4FFFF;
	_ =	strace $0x90000046  }
0xb1: {  	s29 =	simm.s32 $0x9;
	_ =	strace $0x80000048  }
0xb2: {  	_ =	swait.ge [sflag:s29], $0x1  }
0xb3: {  	[sflag:s29] =	ssyncadd.s32 $0xFFFFFFFF  }
0xb4: {  	_ =	strace $0x90000048  }
0xb5: {  	_ =	sfence  }
0xb6: {  	s30 =	sld [smem:$0x0];
	_ =	sdelay $0x2  }
0xb7: {  	s31 =	sshll.u32 s1, $0xD;
	s1 =	sshrl.u32 s1, $0x2  }
0xb8: {  	s3 =	sand.u32 $0x4000, s31;
	s1 =	sadd.s32 s1, s30  }
0xb9: {  	s0 =	sor.u32 s3, s0;
	s1 =	sshll.u32 s1, $0x11  }
0xba: {  	s0 =	sor.u32 s1, s0  }
0xbb: {  	s0 =	sadd.s32 $0x8F2B, s0  }
0xbc: {  	[sflag:s0] =	ssyncadd.remote.s32 $0x1  }
0xbd: {  	_ =	sfence.sel $0xFFFF  }
0xbe: {  	[dreg:$0x0] =	wrdreg $0xFFFFFFFF;
	(pc) =	sbr.abs _section_cstart, $3  }
0xbf: {  	[dreg:$0x1] =	wrdreg $0xFFFFFFFF  }
0xc0: {  	_ =	task.clear_ibuf [dreg:s6], $0x2FFFF;
	_ =	strace $0x9FFFFFFF  }
0xc1: {  	(tm) =	ssettm $0x7FFFFFFF  }
tec
execute0_lowered:
.L_overlay_start_1:
0x0: {  	(tag) =	ssettag $0x1  }
0x1: {  	s7 =	rddreg [dreg:$0x0]  }
0x2: {  	s0 =	rddreg [dreg:$0x1];
	s1 =	simm.s32 $0x0;
	s5 =	srdreg.scid  }
0x3: {  	s2 =	stileid.u32;
	s14 =	simm.s32 $0x0;
	[smem:$0x7FF] =	sst s1  }
0x4: {  	s3 =	sadd.s32 $0x3400, s7;
	s4 =	sadd.s32 $0x2200, s7;
	s6 =	sand.u32 $0x1, s5  }
0x5: {  	s5 =	sadd.s32 $0x4600, s7;
	s9 =	sshll.u32 s2, $0x1;
	s10 =	sadd.s32 $0x6600, s7  }
0x6: {  	_ =	strace $0x80000047;
	s8 =	ssub.s32 $0x2, s6;
	s9 =	sor.u32 s6, s9  }
0x7: {  	s6 =	sadd.s32 $0x3C60, s7;
	s7 =	sadd.s32 $0x2A60, s7;
	s11 =	sshrl.u32 s8, $0x1  }
0x8: {  	s12 =	sshll.u32 s9, $0x5;
	s31 =	sshll.u32 s9, $0xD;
	s9 =	sor.u32 $0x20, s9  }
0x9: {  	s11 =	ssub.s32 s8, s11;
	s13 =	sshll.u32 s9, $0x5;
	s9 =	sshll.u32 s9, $0xD  }
0xa: {  	s8 =	sadd.s32 s10, s31;
	v0 =	vmov s12;
	s12 =	simm.s32 $0x10000;
	s9 =	sadd.s32 s10, s9  }
0xb: {  	v2 =	vimm.f32 $1.000000000e+00;
	s10 =	smax.u32 s11, $0x1;
	s11 =	simm.s32 $0x1;
	v1 =	vmov s13;
	s13 =	simm.s32 $0x14300  }
.LBB2_1:
0xc: {  	[tilespmem:s1], [sflag:$0x1] =	stream.linear.gather [hbm4b:s5+s1], $0x10000, $0x38;
	[tilespmem:$0x18600] =	vst v63  }
0xd: {  	_ =	swait.ge [sflag:s11], $0x10000  }
0xe: {  	[sflag:s11] =	ssyncset.done $0x0  }
0xf: {  	[sflag:s11] =	ssyncadd.s32 $0xFFFF0000  }
0x10: {  	[tilespmem:s12], [sflag:$0x1] =	stream.linear.gather [hbm4b:s3+s1], $0x4300, $0x38;
	[tilespmem:$0x18600] =	vst v63  }
0x11: {  	_ =	swait.ge [sflag:s11], $0x4300  }
0x12: {  	[sflag:s11] =	ssyncset.done $0x0  }
0x13: {  	[sflag:s11] =	ssyncadd.s32 $0xFFFFBD00  }
0x14: {  	[tilespmem:s13], [sflag:$0x1] =	stream.linear.gather [hbm4b:s4+s1], $0x4300, $0x38;
	[tilespmem:$0x18600] =	vst v63  }
0x15: {  	_ =	swait.ge [sflag:s11], $0x4300  }
0x16: {  	[sflag:s11] =	ssyncset.done $0x0  }
0x17: {  	s16 =	simm.s32 $0x0;
	s15 =	simm.s32 $0x40;
	[sflag:s11] =	ssyncadd.s32 $0xFFFFBD00  }
.LBB2_2:
0x18: {  	p0 =	sne.s32 s15, $0x10BC0;
	v3 =	vld [tilespmem:s16+$0x14300];
	_ =	sdelay $0x1  }
0x19: {  	v4 =	vld [tilespmem:s16+$0x10000];
	_ =	sdelay $0x2  }
0x1a: {  	v3 =	vsub.s32 v3, v0  }
0x1b: {  	v5 =	vshll.u32 v3, $0xB  }
0x1c: {  	vm0 =	vlt.u32 v3, $0x20;
	v3 =	vadd.s32 v4, v5  }
0x1d: {  	v3 =	vnsel vm0, $0x0, v3  }
.Ltmp0:
0x1e: {  	(pc) =	sbr.rel @p0 .LBB2_2-.Ltmp0, $2  }
0x1f: {  	_ =	sdelay $0x2  }
0x20: {  	s16 =	sshra.s32 s15, $0x2;
	s15 =	sadd.s32 $0x40, s15;
	[tilespmem:v3+s1+$0x0] =	vst.idx.add.f32.msk vm0, v2  }
0x21: {  	v3 =	vld [tilespmem:s16+$0x14300];
	_ =	sdelay $0x1  }
0x22: {  	v4 =	vld [tilespmem:s16+$0x10000];
	_ =	sdelay $0x2  }
0x23: {  	v3 =	vsub.s32 v3, v0  }
0x24: {  	v5 =	vshll.u32 v3, $0xB  }
0x25: {  	vm0 =	vlt.u32 v3, $0x20;
	v3 =	vadd.s32 v4, v5  }
0x26: {  	v3 =	vnsel vm0, $0x0, v3;
	_ =	sdelay $0x4  }
0x27: {  	s15 =	simm.s32 $0x0;
	[tilespmem:v3+s1+$0x0] =	vst.idx.add.f32.msk vm0, v2  }
0x28: {  	[tilespmem:s12], [sflag:$0x1] =	stream.linear.gather [hbm4b:s6+s15], $0x4300, $0x38;
	[tilespmem:$0x18600] =	vst v63  }
0x29: {  	_ =	swait.ge [sflag:s11], $0x4300  }
0x2a: {  	[sflag:s11] =	ssyncset.done $0x0  }
0x2b: {  	[sflag:s11] =	ssyncadd.s32 $0xFFFFBD00  }
0x2c: {  	[tilespmem:s13], [sflag:$0x1] =	stream.linear.gather [hbm4b:s7+s15], $0x4300, $0x38;
	[tilespmem:$0x18600] =	vst v63  }
0x2d: {  	_ =	swait.ge [sflag:s11], $0x4300  }
0x2e: {  	[sflag:s11] =	ssyncset.done $0x0  }
0x2f: {  	s16 =	simm.s32 $0x0;
	s15 =	simm.s32 $0x40;
	[sflag:s11] =	ssyncadd.s32 $0xFFFFBD00  }
.LBB2_4:
0x30: {  	p0 =	sne.s32 s15, $0x10BC0;
	v3 =	vld [tilespmem:s16+$0x14300];
	_ =	sdelay $0x1  }
0x31: {  	v4 =	vld [tilespmem:s16+$0x10000];
	_ =	sdelay $0x2  }
0x32: {  	v3 =	vsub.s32 v3, v0  }
0x33: {  	v5 =	vshll.u32 v3, $0xB  }
0x34: {  	vm0 =	vlt.u32 v3, $0x20;
	v3 =	vadd.s32 v4, v5  }
0x35: {  	v3 =	vnsel vm0, $0x0, v3  }
.Ltmp1:
0x36: {  	(pc) =	sbr.rel @p0 .LBB2_4-.Ltmp1, $2  }
0x37: {  	_ =	sdelay $0x2  }
0x38: {  	s16 =	sshra.s32 s15, $0x2;
	s15 =	sadd.s32 $0x40, s15;
	[tilespmem:v3+s1+$0x0] =	vst.idx.add.f32.msk vm0, v2  }
0x39: {  	v3 =	vld [tilespmem:s16+$0x14300];
	_ =	sdelay $0x1  }
0x3a: {  	v4 =	vld [tilespmem:s16+$0x10000];
	_ =	sdelay $0x2  }
0x3b: {  	v3 =	vsub.s32 v3, v0  }
0x3c: {  	v5 =	vshll.u32 v3, $0xB  }
0x3d: {  	vm0 =	vlt.u32 v3, $0x20;
	v3 =	vadd.s32 v4, v5  }
0x3e: {  	v3 =	vnsel vm0, $0x0, v3;
	_ =	sdelay $0x4  }
0x3f: {  	s15 =	simm.s32 $0x0;
	[tilespmem:v3+s1+$0x0] =	vst.idx.add.f32.msk vm0, v2  }
0x40: {  	[hbm4b:s8+s15] =	stream.linear.scatter [tilespmem:s15], [sflag:$0x1], $0x10000, $0x38;
	[tilespmem:$0x18600] =	vst v63  }
0x41: {  	_ =	swait.ge [sflag:s11], $0x10000  }
0x42: {  	[sflag:s11] =	ssyncset.done $0x0  }
0x43: {  	[sflag:s11] =	ssyncadd.s32 $0xFFFF0000  }
0x44: {  	[tilespmem:s15], [sflag:$0x1] =	stream.linear.gather [hbm4b:s5+s15], $0x10000, $0x38;
	[tilespmem:$0x18600] =	vst v63  }
0x45: {  	_ =	swait.ge [sflag:s11], $0x10000  }
0x46: {  	[sflag:s11] =	ssyncset.done $0x0  }
0x47: {  	[sflag:s11] =	ssyncadd.s32 $0xFFFF0000  }
0x48: {  	[tilespmem:s12], [sflag:$0x1] =	stream.linear.gather [hbm4b:s3+s15], $0x4300, $0x38;
	[tilespmem:$0x18600] =	vst v63  }
0x49: {  	_ =	swait.ge [sflag:s11], $0x4300  }
0x4a: {  	[sflag:s11] =	ssyncset.done $0x0  }
0x4b: {  	[sflag:s11] =	ssyncadd.s32 $0xFFFFBD00  }
0x4c: {  	[tilespmem:s13], [sflag:$0x1] =	stream.linear.gather [hbm4b:s4+s15], $0x4300, $0x38;
	[tilespmem:$0x18600] =	vst v63  }
0x4d: {  	_ =	swait.ge [sflag:s11], $0x4300  }
0x4e: {  	[sflag:s11] =	ssyncset.done $0x0  }
0x4f: {  	s16 =	simm.s32 $0x0;
	s15 =	simm.s32 $0x40;
	[sflag:s11] =	ssyncadd.s32 $0xFFFFBD00  }
.LBB2_6:
0x50: {  	p0 =	sne.s32 s15, $0x10BC0;
	v3 =	vld [tilespmem:s16+$0x14300];
	_ =	sdelay $0x1  }
0x51: {  	v4 =	vld [tilespmem:s16+$0x10000];
	_ =	sdelay $0x2  }
0x52: {  	v3 =	vsub.s32 v3, v1  }
0x53: {  	v5 =	vshll.u32 v3, $0xB  }
0x54: {  	vm0 =	vlt.u32 v3, $0x20;
	v3 =	vadd.s32 v4, v5  }
0x55: {  	v3 =	vnsel vm0, $0x0, v3  }
.Ltmp2:
0x56: {  	(pc) =	sbr.rel @p0 .LBB2_6-.Ltmp2, $2  }
0x57: {  	_ =	sdelay $0x2  }
0x58: {  	s16 =	sshra.s32 s15, $0x2;
	s15 =	sadd.s32 $0x40, s15;
	[tilespmem:v3+s1+$0x0] =	vst.idx.add.f32.msk vm0, v2  }
0x59: {  	v3 =	vld [tilespmem:s16+$0x14300];
	_ =	sdelay $0x1  }
0x5a: {  	v4 =	vld [tilespmem:s16+$0x10000];
	_ =	sdelay $0x2  }
0x5b: {  	v3 =	vsub.s32 v3, v1  }
0x5c: {  	v5 =	vshll.u32 v3, $0xB  }
0x5d: {  	vm0 =	vlt.u32 v3, $0x20;
	v3 =	vadd.s32 v4, v5  }
0x5e: {  	v3 =	vnsel vm0, $0x0, v3;
	_ =	sdelay $0x4  }
0x5f: {  	s15 =	simm.s32 $0x0;
	[tilespmem:v3+s1+$0x0] =	vst.idx.add.f32.msk vm0, v2  }
0x60: {  	[tilespmem:s12], [sflag:$0x1] =	stream.linear.gather [hbm4b:s6+s15], $0x4300, $0x38;
	[tilespmem:$0x18600] =	vst v63  }
0x61: {  	_ =	swait.ge [sflag:s11], $0x4300  }
0x62: {  	[sflag:s11] =	ssyncset.done $0x0  }
0x63: {  	[sflag:s11] =	ssyncadd.s32 $0xFFFFBD00  }
0x64: {  	[tilespmem:s13], [sflag:$0x1] =	stream.linear.gather [hbm4b:s7+s15], $0x4300, $0x38;
	[tilespmem:$0x18600] =	vst v63  }
0x65: {  	_ =	swait.ge [sflag:s11], $0x4300  }
0x66: {  	[sflag:s11] =	ssyncset.done $0x0  }
0x67: {  	s16 =	simm.s32 $0x0;
	s15 =	simm.s32 $0x40;
	[sflag:s11] =	ssyncadd.s32 $0xFFFFBD00  }
.LBB2_8:
0x68: {  	p0 =	sne.s32 s15, $0x10BC0;
	v3 =	vld [tilespmem:s16+$0x14300];
	_ =	sdelay $0x1  }
0x69: {  	v4 =	vld [tilespmem:s16+$0x10000];
	_ =	sdelay $0x2  }
0x6a: {  	v3 =	vsub.s32 v3, v1  }
0x6b: {  	v5 =	vshll.u32 v3, $0xB  }
0x6c: {  	vm0 =	vlt.u32 v3, $0x20;
	v3 =	vadd.s32 v4, v5  }
0x6d: {  	v3 =	vnsel vm0, $0x0, v3  }
.Ltmp3:
0x6e: {  	(pc) =	sbr.rel @p0 .LBB2_8-.Ltmp3, $2  }
0x6f: {  	_ =	sdelay $0x2  }
0x70: {  	s16 =	sshra.s32 s15, $0x2;
	s15 =	sadd.s32 $0x40, s15;
	[tilespmem:v3+s1+$0x0] =	vst.idx.add.f32.msk vm0, v2  }
0x71: {  	v3 =	vld [tilespmem:s16+$0x14300];
	_ =	sdelay $0x1  }
0x72: {  	v4 =	vld [tilespmem:s16+$0x10000];
	_ =	sdelay $0x2  }
0x73: {  	v3 =	vsub.s32 v3, v1  }
0x74: {  	v5 =	vshll.u32 v3, $0xB  }
0x75: {  	vm0 =	vlt.u32 v3, $0x20;
	v3 =	vadd.s32 v4, v5  }
0x76: {  	v3 =	vnsel vm0, $0x0, v3;
	_ =	sdelay $0x2  }
0x77: {  	s14 =	sadd.s32 $0x1, s14  }
0x78: {  	p0 =	sne.s32 s14, s10  }
.Ltmp4:
0x79: {  	[tilespmem:v3+s1+$0x0] =	vst.idx.add.f32.msk vm0, v2;
	(pc) =	sbr.rel @p0 .LBB2_1-.Ltmp4, $4  }
0x7a: {  	[hbm4b:s9+s1] =	stream.linear.scatter [tilespmem:s1], [sflag:$0x1], $0x10000, $0x38;
	[tilespmem:$0x18600] =	vst v63  }
0x7b: {  	_ =	swait.ge [sflag:s11], $0x10000  }
0x7c: {  	[sflag:s11] =	ssyncset.done $0x0  }
0x7d: {  	[sflag:s11] =	ssyncadd.s32 $0xFFFF0000  }
0x7e: {  	_ =	sfence.sel $0x180000  }
0x7f: {  	[bflag:$0x0] =	sbarrier.arrive $0xFFFF  }
0x80: {  	p0 =	sne.s32 s2, $0x0;
	_ =	strace $0x90000047  }
0x81: {  	s0 =	sadd.s32 @!p0 $0x100000, s0;
	[bflag:$0x2] =	sbarrier.arrive $0xFFFF  }
0x82: {  	[sflag:s0] =	ssyncadd.tile.s32 @!p0 $0x1;
	_ =	shalt  }
.Lfunc_end2:
_tile_overlayer_lowered:
.L_overlay_start_2:
0x83: {  	(tag) =	ssettag $0x2  }
0x84: {  	s0 =	rddreg [dreg:$0x0];
	s2 =	stileid.u32  }
0x85: {  	s1 =	rddreg [dreg:$0x1];
	p0 =	sne.s32 s2, $0x0  }
0x86: {  	s3 =	rddreg [dreg:$0x2];
	[bflag:$0x3] =	sbarrier.arrive $0xFFFF;
	s2 =	simm.s32 @!p0 $0x1C01  }
0x87: {  	[timem:s3], [sflag:s2] =	dma.local @!p0 [hbm:s0], s1  }
0x88: {  	s0 =	simm.s32 @!p0 $0x1  }
0x89: {  	_ =	swait.ge @!p0 [sflag:s0], s1  }
0x8a: {  	s1 =	ssub.s32 @!p0 $0x0, s1;
	[sflag:s0] =	ssyncset.done @!p0 $0x0  }
0x8b: {  	[sflag:s0] =	ssyncadd.s32 @!p0 s1  }
0x8c: {  	[bflag:$0x3] =	sbarrier.arrive $0xFFFF  }
0x8d: {  	_ =	shalt  }

</sc_bundles>
